<compile_context>
chip_gen: v7x
topology: tpu7x:2x2x1
jax: 0.10.2.dev20260603
libtpu: 0.0.44.dev20260713+nightly
codegen_flags: <defaults>
</compile_context>

<pallas_src>
import functools

import jax
import jax.numpy as jnp
from jax import lax
from jax.experimental import pallas as pl
from jax.experimental.pallas import tpu as pltpu
from jax.experimental.pallas import tpu_sc as plsc

N = 262144
NV = 16384
XYZ_NORM_INV = (1.0 / 20.0, 1.0 / 20.0, 1.0 / 4.0)
EPS = 1e-3


def _ln_relu(x, g, b):
    m = jnp.mean(x, axis=-1, keepdims=True)
    d = x - m
    v = jnp.mean(d * d, axis=-1, keepdims=True)
    y = d * jax.lax.rsqrt(v + EPS) * g + b
    return jnp.maximum(y, 0.0)


def _dot_t(at, w):
    return lax.dot_general(at, w, (((0,), (0,)), ((), ())),
                           preferred_element_type=jnp.float32)


def _hidden_body(f_ref, fc_ref, w0a_ref, w0b_ref, b0_ref, g0_ref, be0_ref,
                 w1_ref, b1_ref, g1_ref, be1_ref, xt_ref):
    x0 = (jnp.dot(f_ref[...], w0a_ref[...], preferred_element_type=jnp.float32)
          + jnp.dot(fc_ref[...], w0b_ref[...], preferred_element_type=jnp.float32)
          + b0_ref[...])
    h = _ln_relu(x0, g0_ref[...], be0_ref[...])
    h = _ln_relu(jnp.dot(h, w1_ref[...], preferred_element_type=jnp.float32)
                 + b1_ref[...], g1_ref[...], be1_ref[...])
    xt_ref[...] = h.T


def _hidden_mlp(feats, fc, w0a, w0b, b0, g0, be0, w1, b1, g1, be1):
    B = 4096
    full = lambda r, c: pl.BlockSpec((r, c), lambda i: (0, 0))
    return pl.pallas_call(
        _hidden_body,
        grid=(N // B,),
        in_specs=[
            pl.BlockSpec((B, 61), lambda i: (i, 0)),
            pl.BlockSpec((B, 3), lambda i: (i, 0)),
            full(61, 64), full(3, 64), full(1, 64), full(1, 64), full(1, 64),
            full(64, 64), full(1, 64), full(1, 64), full(1, 64),
        ],
        out_specs=pl.BlockSpec((64, B), lambda i: (0, i)),
        out_shape=jax.ShapeDtypeStruct((64, N), jnp.float32),
    )(feats, fc, w0a, w0b, b0, g0, be0, w1, b1, g1, be1)


def _head_body(xt_ref, w_ref, b_ref, g_ref, be_ref, out_ref):
    out_ref[...] = _ln_relu(_dot_t(xt_ref[...], w_ref[...]) + b_ref[...],
                            g_ref[...], be_ref[...])


def _head_mlp(xt, w, b, g, be):
    B = 4096
    full = lambda r, c: pl.BlockSpec((r, c), lambda i: (0, 0))
    return pl.pallas_call(
        _head_body,
        grid=(N // B,),
        in_specs=[
            pl.BlockSpec((64, B), lambda i: (0, i)),
            full(64, 32), full(1, 32), full(1, 32), full(1, 32),
        ],
        out_specs=pl.BlockSpec((B, 32), lambda i: (i, 0)),
        out_shape=jax.ShapeDtypeStruct((N, 32), jnp.float32),
    )(xt, w, b, g, be)


def _post_mlp_body(at_ref, w_ref, b_ref, g_ref, be_ref, out_ref):
    out_ref[...] = _ln_relu(_dot_t(at_ref[...], w_ref[...]) + b_ref[...],
                            g_ref[...], be_ref[...])


def _post_mlp(aggt, w, b, g, be):
    B = 2048
    full = lambda r, c: pl.BlockSpec((r, c), lambda i: (0, 0))
    return pl.pallas_call(
        _post_mlp_body,
        grid=(NV // B,),
        in_specs=[
            pl.BlockSpec((64, B), lambda i: (0, i)),
            full(64, 64), full(1, 64), full(1, 64), full(1, 64),
        ],
        out_specs=pl.BlockSpec((B, 64), lambda i: (i, 0)),
        out_shape=jax.ShapeDtypeStruct((NV, 64), jnp.float32),
    )(aggt, w, b, g, be)


L = 16
CH = 8192
NCH = N // CH
NVR = NV // L

def _seg_body(xt_hbm, coors_hbm, aggt_hbm, outc_hbm,
              tab0, tab1, cout, cbuf, xbuf,
              csem0, csem1, xsem0, xsem1):
    c = lax.axis_index("c")
    s = lax.axis_index("s")
    wid = s * 2 + c
    iota = lax.iota(jnp.int32, L)
    zf = jnp.zeros((L,), jnp.float32)
    zi = jnp.zeros((L,), jnp.int32)

    def zinit(j, _):
        o = j * L
        tab0[pl.ds(o, L)] = zf
        tab1[pl.ds(o, L)] = zf
        cout[pl.ds(o, L)] = zi
        return 0
    lax.fori_loop(0, NVR, zinit, 0)

    csems = (csem0, csem1)
    xsems = (xsem0, xsem1)

    def dma_start(g, b):
        pltpu.async_copy(coors_hbm.at[pl.ds(g * CH, CH)], cbuf.at[b], csems[b])
        pltpu.async_copy(xt_hbm.at[pl.ds(wid * 2, 2), pl.ds(g * CH, CH)],
                         xbuf.at[b], xsems[b])

    def dma_wait(g, b):
        pltpu.make_async_copy(coors_hbm.at[pl.ds(g * CH, CH)], cbuf.at[b],
                              csems[b]).wait()
        pltpu.make_async_copy(xt_hbm.at[pl.ds(wid * 2, 2), pl.ds(g * CH, CH)],
                              xbuf.at[b], xsems[b]).wait()

    def process(g, b):
        UNROLL = 8

        def one(o, acc):
            k = cbuf[b, pl.ds(o, L)]
            v0 = xbuf[b, 0, pl.ds(o, L)] + 1.0
            v1 = xbuf[b, 1, pl.ds(o, L)]
            g0 = plsc.load_gather(tab0, [k])
            g1 = plsc.load_gather(tab1, [k])
            plsc.store_scatter(tab0, [k], v0, mask=v0 > g0)
            plsc.store_scatter(tab1, [k], v1, mask=v1 > g1)
            g0 = plsc.load_gather(tab0, [k])
            g1 = plsc.load_gather(tab1, [k])
            return acc | (v0 > g0) | (v1 > g1)

        def group(o):
            acc = jnp.zeros((L,), jnp.bool_)
            for u in range(UNROLL):
                acc = one(o + u * L, acc)
            return acc

        def vbody(j, _):
            o = j * (L * UNROLL)
            acc = group(o)

            @pl.when(jnp.any(acc))
            def _():
                lax.while_loop(jnp.any, lambda a: group(o), acc)
            return 0
        lax.fori_loop(0, CH // L // UNROLL, vbody, 0)

    dma_start(0, 0)
    dma_start(1, 1)

    def chunk_pair(i, _):
        g = i * 2
        for b in (0, 1):
            dma_wait(g + b, b)
            process(g + b, b)

            @pl.when(g + b + 2 < NCH)
            def _():
                dma_start(g + b + 2, b)
        return 0
    lax.fori_loop(0, NCH // 2, chunk_pair, 0)

    def cbody(j, base):
        o = j * L
        t0 = tab0[pl.ds(o, L)]
        m = t0 > 0.0
        p = jnp.where(m, 1, 0)
        incl = plsc.cumsum(p)
        rank = incl + (base - 1)
        plsc.store_scatter(tab0, [rank], t0 - 1.0, mask=m)
        plsc.store_scatter(tab1, [rank], tab1[pl.ds(o, L)], mask=m)
        plsc.store_scatter(cout, [rank], iota + o, mask=m)
        return base + jnp.sum(p)
    total = lax.fori_loop(0, NVR, cbody, jnp.int32(0))

    def ztail(j, _):
        o = j * L
        m = (iota + o) < total
        tab0[pl.ds(o, L)] = jnp.where(m, tab0[pl.ds(o, L)], 0.0)
        tab1[pl.ds(o, L)] = jnp.where(m, tab1[pl.ds(o, L)], 0.0)
        cout[pl.ds(o, L)] = jnp.where(m, cout[pl.ds(o, L)], 0)
        return 0
    lax.fori_loop(total // L, NVR, ztail, 0)

    pltpu.sync_copy(tab0, aggt_hbm.at[wid * 2])
    pltpu.sync_copy(tab1, aggt_hbm.at[wid * 2 + 1])

    @pl.when(wid == 0)
    def _():
        pltpu.sync_copy(cout, outc_hbm)


def _segment_aggregate(xt, coors):
    mesh = plsc.VectorSubcoreMesh(core_axis_name="c", subcore_axis_name="s")
    aggt, out_coors = pl.kernel(
        _seg_body,
        mesh=mesh,
        compiler_params=pltpu.CompilerParams(needs_layout_passes=False),
        out_type=[
            jax.ShapeDtypeStruct((64, NV), jnp.float32),
            jax.ShapeDtypeStruct((NV,), jnp.int32),
        ],
        scratch_types=[
            pltpu.VMEM((NV,), jnp.float32),
            pltpu.VMEM((NV,), jnp.float32),
            pltpu.VMEM((NV,), jnp.int32),
            pltpu.VMEM((2, CH), jnp.int32),
            pltpu.VMEM((2, 2, CH), jnp.float32),
            pltpu.SemaphoreType.DMA,
            pltpu.SemaphoreType.DMA,
            pltpu.SemaphoreType.DMA,
            pltpu.SemaphoreType.DMA,
        ],
    )(xt, coors)
    return aggt, out_coors


def kernel(points, features, coors, f_cluster,
           mlp_W0, mlp_b0, mlp_g0, mlp_be0,
           mlp_W1, mlp_b1, mlp_g1, mlp_be1,
           post_W0, post_b0, post_g0, post_be0,
           out_W0, out_b0, out_g0, out_be0):
    r1 = lambda v: v.reshape(1, -1)
    w0a = mlp_W0[:61]
    w0b = mlp_W0[61:] * jnp.asarray(XYZ_NORM_INV, jnp.float32)[:, None]
    xt = _hidden_mlp(features, f_cluster,
                     w0a, w0b, r1(mlp_b0), r1(mlp_g0), r1(mlp_be0),
                     mlp_W1, r1(mlp_b1), r1(mlp_g1), r1(mlp_be1))
    aggt, out_coors = _segment_aggregate(xt, coors)
    out_pts_feats = _head_mlp(xt, out_W0, r1(out_b0), r1(out_g0), r1(out_be0))
    agg_feats = _post_mlp(aggt, post_W0, r1(post_b0), r1(post_g0),
                          r1(post_be0))
    return (out_pts_feats, agg_feats, out_coors)

# --- scband reference (transcript-rebuilt; emitter-appended) ---
"""Pipeline reference for scband-once-aggregation-32899449487473 (READ-ONLY COPY).

The authoritative reference and input builder live on the scoring server;
editing this copy changes nothing except your own understanding.
"""

import jax, jax.numpy as jnp
import numpy as np

N = 262144
NV = 16384
XYZ_NORM = jnp.asarray([20.0, 20.0, 4.0], dtype=jnp.float32)

def _ln(x, g, b, eps=1e-3):
    m = jnp.mean(x, axis=-1, keepdims=True)
    v = jnp.var(x, axis=-1, keepdims=True)
    return (x - m) / jnp.sqrt(v + eps) * g + b

def _mlp(x, layers):
    for (W, b, g, be) in layers:
        x = x @ W + b
        x = _ln(x, g, be)
        x = jax.nn.relu(x)
    return x

def setup_inputs(seed: int = 0):
    key = jax.random.key(seed)
    ks = jax.random.split(key, 12)
    points = jax.random.normal(ks[0], (N, 4), dtype=jnp.float32)
    features = jax.random.normal(ks[1], (N, 61), dtype=jnp.float32)
    coors = jax.random.randint(ks[2], (N,), 0, NV, dtype=jnp.int32)
    f_cluster = jax.random.normal(ks[3], (N, 3), dtype=jnp.float32)
    def w(k, i, o):
        return jax.random.normal(k, (i, o), dtype=jnp.float32) * 0.05
    inp = {
        'points': points, 'features': features, 'coors': coors, 'f_cluster': f_cluster,
        'mlp_W0': w(ks[4], 64, 64), 'mlp_b0': jnp.zeros((64,), jnp.float32), 'mlp_g0': jnp.ones((64,), jnp.float32), 'mlp_be0': jnp.zeros((64,), jnp.float32),
        'mlp_W1': w(ks[5], 64, 64), 'mlp_b1': jnp.zeros((64,), jnp.float32), 'mlp_g1': jnp.ones((64,), jnp.float32), 'mlp_be1': jnp.zeros((64,), jnp.float32),
        'post_W0': w(ks[6], 64, 64), 'post_b0': jnp.zeros((64,), jnp.float32), 'post_g0': jnp.ones((64,), jnp.float32), 'post_be0': jnp.zeros((64,), jnp.float32),
        'out_W0': w(ks[7], 64, 32), 'out_b0': jnp.zeros((32,), jnp.float32), 'out_g0': jnp.ones((32,), jnp.float32), 'out_be0': jnp.zeros((32,), jnp.float32),
    }
    return inp

def reference(points, features, coors, f_cluster, mlp_W0, mlp_b0, mlp_g0, mlp_be0, mlp_W1, mlp_b1, mlp_g1, mlp_be1, post_W0, post_b0, post_g0, post_be0, out_W0, out_b0, out_g0, out_be0):
    fc = f_cluster / XYZ_NORM[None, :]
    x = jnp.concatenate([features, fc], axis=1)
    x = _mlp(x, [(mlp_W0, mlp_b0, mlp_g0, mlp_be0), (mlp_W1, mlp_b1, mlp_g1, mlp_be1)])
    out_pts_feats = _mlp(x, [(out_W0, out_b0, out_g0, out_be0)])
    uniq, inv = jnp.unique(coors, return_inverse=True, size=NV, fill_value=0)
    inv = inv.reshape(-1)
    agg = jax.ops.segment_max(x, inv, num_segments=NV)
    agg = jnp.where(jnp.isneginf(agg), 0.0, agg)
    agg_feats = _mlp(agg, [(post_W0, post_b0, post_g0, post_be0)])
    cnt = jax.ops.segment_sum(jnp.ones((coors.shape[0],), jnp.float32), inv, num_segments=NV)
    cluster_xyz = jax.ops.segment_sum(points[:, :3], inv, num_segments=NV) / jnp.maximum(cnt, 1.0)[:, None]
    out_coors = uniq
    return (out_pts_feats, agg_feats, out_coors)

if __name__ == "__main__":
    import jax
    _d = setup_inputs()
    print(jax.jit(kernel)(*tuple(_d.values())))

</pallas_src>

<mosaic_0001>
#map = affine_map<(d0, d1) -> (0, 0)>
#map1 = affine_map<(d0, d1) -> (0)>
module attributes {stable_mosaic.version = 14 : i64} {
  func.func @_seg_body(%arg0: i32, %arg1: i32, %arg2: memref<64x262144xf32, #tpu.memory_space<hbm>>, %arg3: memref<262144xi32, #tpu.memory_space<hbm>>, %arg4: memref<64x16384xf32, #tpu.memory_space<hbm>>, %arg5: memref<16384xi32, #tpu.memory_space<hbm>>, %arg6: memref<16384xf32, #tpu.memory_space<vmem>>, %arg7: memref<16384xf32, #tpu.memory_space<vmem>>, %arg8: memref<16384xi32, #tpu.memory_space<vmem>>, %arg9: memref<2x8192xi32, #tpu.memory_space<vmem>>, %arg10: memref<2x2x8192xf32, #tpu.memory_space<vmem>>, %arg11: memref<!tpu.dma_semaphore, #tpu.memory_space<semaphore_mem>>, %arg12: memref<!tpu.dma_semaphore, #tpu.memory_space<semaphore_mem>>, %arg13: memref<!tpu.dma_semaphore, #tpu.memory_space<semaphore_mem>>, %arg14: memref<!tpu.dma_semaphore, #tpu.memory_space<semaphore_mem>>) attributes {dimension_semantics = [#tpu.dimension_semantics<core_parallel>, #tpu.dimension_semantics<subcore_parallel>], iteration_bounds = array<i64: 2, 16>, scalar_prefetch = 0 : i64, scratch_operands = 9 : i64, tpu.core_type = #tpu.core_type<sc_vector_subcore>, window_params = [{transform_indices = #map}, {transform_indices = #map1}, {transform_indices = #map}, {transform_indices = #map1}]} {
    %mul3A = arith.constant 2 : i32
    %mul3A_0 = arith.muli %arg1, %mul3A : i32
    %add3A = arith.addi %mul3A_0, %arg0 : i32
    %iota3A = tpu.iota {dimensions = array<i32: 0>} : vector<16xi32>
    %broadcast_in_dim3A = arith.constant 0.000000e+00 : f32
    %broadcast_in_dim3A_1 = vector.broadcast %broadcast_in_dim3A : f32 to vector<16xf32>
    %broadcast_in_dim3A_2 = arith.constant 0 : i32
    %broadcast_in_dim3A_3 = vector.broadcast %broadcast_in_dim3A_2 : i32 to vector<16xi32>
    %scan3A = arith.constant 0 : i32
    %scan3A_4 = arith.constant 0 : i32
    %scan3A_5 = arith.constant 1024 : i32
    %scan3A_6 = arith.addi %scan3A_4, %scan3A_5 : i32
    %scan3A_7 = arith.constant 1 : i32
    %scan3A_8 = scf.for %scan3A_110 = %scan3A_4 to %scan3A_6 step %scan3A_7 iter_args(%scan3A_111 = %scan3A) -> (i32)  : i32 {
      %mul3A_112 = arith.constant 16 : i32
      %mul3A_113 = arith.muli %scan3A_110, %mul3A_112 : i32
      %swap3A = arith.index_cast %mul3A_113 : i32 to index
      %swap3A_114 = tpu.vector_load %arg6[%swap3A] {strides = array<i32>} : memref<16384xf32, #tpu.memory_space<vmem>>, vector<16xf32>,
      tpu.vector_store %arg6[%swap3A], %broadcast_in_dim3A_1 {strides = array<i32>} : memref<16384xf32, #tpu.memory_space<vmem>>, vector<16xf32>,
      %swap3A_115 = arith.index_cast %mul3A_113 : i32 to index
      %swap3A_116 = tpu.vector_load %arg7[%swap3A_115] {strides = array<i32>} : memref<16384xf32, #tpu.memory_space<vmem>>, vector<16xf32>,
      tpu.vector_store %arg7[%swap3A_115], %broadcast_in_dim3A_1 {strides = array<i32>} : memref<16384xf32, #tpu.memory_space<vmem>>, vector<16xf32>,
      %swap3A_117 = arith.index_cast %mul3A_113 : i32 to index
      %swap3A_118 = tpu.vector_load %arg8[%swap3A_117] {strides = array<i32>} : memref<16384xi32, #tpu.memory_space<vmem>>, vector<16xi32>,
      tpu.vector_store %arg8[%swap3A_117], %broadcast_in_dim3A_3 {strides = array<i32>} : memref<16384xi32, #tpu.memory_space<vmem>>, vector<16xi32>,
      %scan3A_119 = arith.constant 0 : i32
      scf.yield %scan3A_119 : i32
    }
    %scan3A_9 = arith.constant 1024 : i32
    %dma_start3A = arith.constant 0 : i32
    %dma_start3A_10 = arith.constant 0 : i32
    %dma_start3A_11 = tpu.memref_slice %arg9[%dma_start3A, %dma_start3A_10] : memref<2x8192xi32, #tpu.memory_space<vmem>> -> memref<1x8192xi32, #tpu.memory_space<vmem>>
    %dma_start3A_12 = tpu.memref_squeeze %dma_start3A_11 : memref<1x8192xi32, #tpu.memory_space<vmem>> -> memref<8192xi32, #tpu.memory_space<vmem>>
    %dma_start3A_13 = arith.constant 0 : i32
    %dma_start3A_14 = tpu.memref_slice %arg3[%dma_start3A_13] : memref<262144xi32, #tpu.memory_space<hbm>> -> memref<8192xi32, #tpu.memory_space<hbm>>
    %dma_start3A_15 = arith.constant 0 : i32
    %dma_start3A_16 = tpu.memref_slice %arg9[%dma_start3A, %dma_start3A_15] : memref<2x8192xi32, #tpu.memory_space<vmem>> -> memref<1x8192xi32, #tpu.memory_space<vmem>>
    %dma_start3A_17 = tpu.memref_squeeze %dma_start3A_16 : memref<1x8192xi32, #tpu.memory_space<vmem>> -> memref<8192xi32, #tpu.memory_space<vmem>>
    %dma_start3A_18 = arith.constant 0 : i32
    %dma_start3A_19 = tpu.memref_slice %arg3[%dma_start3A_18] : memref<262144xi32, #tpu.memory_space<hbm>> -> memref<8192xi32, #tpu.memory_space<hbm>>
    tpu.enqueue_dma source(%dma_start3A_19 : memref<8192xi32, #tpu.memory_space<hbm>>) target(%dma_start3A_17 : memref<8192xi32, #tpu.memory_space<vmem>>) target_semaphore(%arg11 : memref<!tpu.dma_semaphore, #tpu.memory_space<semaphore_mem>>)
    %mul3A_20 = arith.constant 2 : i32
    %mul3A_21 = arith.muli %add3A, %mul3A_20 : i32
    %dma_start3A_22 = arith.constant 0 : i32
    %dma_start3A_23 = arith.constant 0 : i32
    %dma_start3A_24 = arith.constant 0 : i32
    %dma_start3A_25 = tpu.memref_slice %arg10[%dma_start3A_22, %dma_start3A_23, %dma_start3A_24] : memref<2x2x8192xf32, #tpu.memory_space<vmem>> -> memref<1x2x8192xf32, #tpu.memory_space<vmem>>
    %dma_start3A_26 = tpu.memref_squeeze %dma_start3A_25 : memref<1x2x8192xf32, #tpu.memory_space<vmem>> -> memref<2x8192xf32, #tpu.memory_space<vmem>>
    %dma_start3A_27 = arith.constant 0 : i32
    %dma_start3A_28 = tpu.memref_slice %arg2[%mul3A_21, %dma_start3A_27] : memref<64x262144xf32, #tpu.memory_space<hbm>> -> memref<2x8192xf32, #tpu.memory_space<hbm>>
    %dma_start3A_29 = arith.constant 0 : i32
    %dma_start3A_30 = arith.constant 0 : i32
    %dma_start3A_31 = tpu.memref_slice %arg10[%dma_start3A_22, %dma_start3A_29, %dma_start3A_30] : memref<2x2x8192xf32, #tpu.memory_space<vmem>> -> memref<1x2x8192xf32, #tpu.memory_space<vmem>>
    %dma_start3A_32 = tpu.memref_squeeze %dma_start3A_31 : memref<1x2x8192xf32, #tpu.memory_space<vmem>> -> memref<2x8192xf32, #tpu.memory_space<vmem>>
    %dma_start3A_33 = arith.constant 0 : i32
    %dma_start3A_34 = tpu.memref_slice %arg2[%mul3A_21, %dma_start3A_33] : memref<64x262144xf32, #tpu.memory_space<hbm>> -> memref<2x8192xf32, #tpu.memory_space<hbm>>
    tpu.enqueue_dma source(%dma_start3A_34 : memref<2x8192xf32, #tpu.memory_space<hbm>>) target(%dma_start3A_32 : memref<2x8192xf32, #tpu.memory_space<vmem>>) target_semaphore(%arg13 : memref<!tpu.dma_semaphore, #tpu.memory_space<semaphore_mem>>)
    %dma_start3A_35 = arith.constant 1 : i32
    %dma_start3A_36 = arith.constant 0 : i32
    %dma_start3A_37 = tpu.memref_slice %arg9[%dma_start3A_35, %dma_start3A_36] : memref<2x8192xi32, #tpu.memory_space<vmem>> -> memref<1x8192xi32, #tpu.memory_space<vmem>>
    %dma_start3A_38 = tpu.memref_squeeze %dma_start3A_37 : memref<1x8192xi32, #tpu.memory_space<vmem>> -> memref<8192xi32, #tpu.memory_space<vmem>>
    %dma_start3A_39 = arith.constant 8192 : i32
    %dma_start3A_40 = tpu.memref_slice %arg3[%dma_start3A_39] : memref<262144xi32, #tpu.memory_space<hbm>> -> memref<8192xi32, #tpu.memory_space<hbm>>
    %dma_start3A_41 = arith.constant 0 : i32
    %dma_start3A_42 = tpu.memref_slice %arg9[%dma_start3A_35, %dma_start3A_41] : memref<2x8192xi32, #tpu.memory_space<vmem>> -> memref<1x8192xi32, #tpu.memory_space<vmem>>
    %dma_start3A_43 = tpu.memref_squeeze %dma_start3A_42 : memref<1x8192xi32, #tpu.memory_space<vmem>> -> memref<8192xi32, #tpu.memory_space<vmem>>
    %dma_start3A_44 = arith.constant 8192 : i32
    %dma_start3A_45 = tpu.memref_slice %arg3[%dma_start3A_44] : memref<262144xi32, #tpu.memory_space<hbm>> -> memref<8192xi32, #tpu.memory_space<hbm>>
    tpu.enqueue_dma source(%dma_start3A_45 : memref<8192xi32, #tpu.memory_space<hbm>>) target(%dma_start3A_43 : memref<8192xi32, #tpu.memory_space<vmem>>) target_semaphore(%arg12 : memref<!tpu.dma_semaphore, #tpu.memory_space<semaphore_mem>>)
    %mul3A_46 = arith.constant 2 : i32
    %mul3A_47 = arith.muli %add3A, %mul3A_46 : i32
    %dma_start3A_48 = arith.constant 1 : i32
    %dma_start3A_49 = arith.constant 0 : i32
    %dma_start3A_50 = arith.constant 0 : i32
    %dma_start3A_51 = tpu.memref_slice %arg10[%dma_start3A_48, %dma_start3A_49, %dma_start3A_50] : memref<2x2x8192xf32, #tpu.memory_space<vmem>> -> memref<1x2x8192xf32, #tpu.memory_space<vmem>>
    %dma_start3A_52 = tpu.memref_squeeze %dma_start3A_51 : memref<1x2x8192xf32, #tpu.memory_space<vmem>> -> memref<2x8192xf32, #tpu.memory_space<vmem>>
    %dma_start3A_53 = arith.constant 8192 : i32
    %dma_start3A_54 = tpu.memref_slice %arg2[%mul3A_47, %dma_start3A_53] : memref<64x262144xf32, #tpu.memory_space<hbm>> -> memref<2x8192xf32, #tpu.memory_space<hbm>>
    %dma_start3A_55 = arith.constant 0 : i32
    %dma_start3A_56 = arith.constant 0 : i32
    %dma_start3A_57 = tpu.memref_slice %arg10[%dma_start3A_48, %dma_start3A_55, %dma_start3A_56] : memref<2x2x8192xf32, #tpu.memory_space<vmem>> -> memref<1x2x8192xf32, #tpu.memory_space<vmem>>
    %dma_start3A_58 = tpu.memref_squeeze %dma_start3A_57 : memref<1x2x8192xf32, #tpu.memory_space<vmem>> -> memref<2x8192xf32, #tpu.memory_space<vmem>>
    %dma_start3A_59 = arith.constant 8192 : i32
    %dma_start3A_60 = tpu.memref_slice %arg2[%mul3A_47, %dma_start3A_59] : memref<64x262144xf32, #tpu.memory_space<hbm>> -> memref<2x8192xf32, #tpu.memory_space<hbm>>
    tpu.enqueue_dma source(%dma_start3A_60 : memref<2x8192xf32, #tpu.memory_space<hbm>>) target(%dma_start3A_58 : memref<2x8192xf32, #tpu.memory_space<vmem>>) target_semaphore(%arg14 : memref<!tpu.dma_semaphore, #tpu.memory_space<semaphore_mem>>)
    %scan3A_61 = arith.constant 0 : i32
    %scan3A_62 = arith.constant 0 : i32
    %scan3A_63 = arith.constant 16 : i32
    %scan3A_64 = arith.addi %scan3A_62, %scan3A_63 : i32
    %scan3A_65 = arith.constant 1 : i32
    %scan3A_66 = scf.for %scan3A_110 = %scan3A_62 to %scan3A_64 step %scan3A_65 iter_args(%scan3A_111 = %scan3A_61) -> (i32)  : i32 {
      %mul3A_112 = arith.constant 2 : i32
      %mul3A_113 = arith.muli %scan3A_110, %mul3A_112 : i32
      %add3A_114 = arith.constant 0 : i32
      %add3A_115 = arith.addi %mul3A_113, %add3A_114 : i32
      %mul3A_116 = arith.constant 8192 : i32
      %mul3A_117 = arith.muli %add3A_115, %mul3A_116 : i32
      %dma_wait3A = arith.constant 0 : i32
      %dma_wait3A_118 = arith.constant 0 : i32
      %dma_wait3A_119 = tpu.memref_slice %arg9[%dma_wait3A, %dma_wait3A_118] : memref<2x8192xi32, #tpu.memory_space<vmem>> -> memref<1x8192xi32, #tpu.memory_space<vmem>>
      %dma_wait3A_120 = tpu.memref_squeeze %dma_wait3A_119 : memref<1x8192xi32, #tpu.memory_space<vmem>> -> memref<8192xi32, #tpu.memory_space<vmem>>
      %dma_wait3A_121 = tpu.memref_slice %arg3[%mul3A_117] : memref<262144xi32, #tpu.memory_space<hbm>> -> memref<8192xi32, #tpu.memory_space<hbm>>
      %dma_wait3A_122 = arith.constant 0 : i32
      %dma_wait3A_123 = tpu.memref_slice %arg9[%dma_wait3A, %dma_wait3A_122] : memref<2x8192xi32, #tpu.memory_space<vmem>> -> memref<1x8192xi32, #tpu.memory_space<vmem>>
      %dma_wait3A_124 = tpu.memref_squeeze %dma_wait3A_123 : memref<1x8192xi32, #tpu.memory_space<vmem>> -> memref<8192xi32, #tpu.memory_space<vmem>>
      %dma_wait3A_125 = tpu.memref_slice %arg3[%mul3A_117] : memref<262144xi32, #tpu.memory_space<hbm>> -> memref<8192xi32, #tpu.memory_space<hbm>>
      tpu.wait_dma2 semaphore(%arg11 : memref<!tpu.dma_semaphore, #tpu.memory_space<semaphore_mem>>) src(%dma_wait3A_125 : memref<8192xi32, #tpu.memory_space<hbm>>) dst(%dma_wait3A_124 : memref<8192xi32, #tpu.memory_space<vmem>>)
      %mul3A_126 = arith.constant 2 : i32
      %mul3A_127 = arith.muli %add3A, %mul3A_126 : i32
      %mul3A_128 = arith.constant 8192 : i32
      %mul3A_129 = arith.muli %add3A_115, %mul3A_128 : i32
      %dma_wait3A_130 = arith.constant 0 : i32
      %dma_wait3A_131 = arith.constant 0 : i32
      %dma_wait3A_132 = arith.constant 0 : i32
      %dma_wait3A_133 = tpu.memref_slice %arg10[%dma_wait3A_130, %dma_wait3A_131, %dma_wait3A_132] : memref<2x2x8192xf32, #tpu.memory_space<vmem>> -> memref<1x2x8192xf32, #tpu.memory_space<vmem>>
      %dma_wait3A_134 = tpu.memref_squeeze %dma_wait3A_133 : memref<1x2x8192xf32, #tpu.memory_space<vmem>> -> memref<2x8192xf32, #tpu.memory_space<vmem>>
      %dma_wait3A_135 = tpu.memref_slice %arg2[%mul3A_127, %mul3A_129] : memref<64x262144xf32, #tpu.memory_space<hbm>> -> memref<2x8192xf32, #tpu.memory_space<hbm>>
      %dma_wait3A_136 = arith.constant 0 : i32
      %dma_wait3A_137 = arith.constant 0 : i32
      %dma_wait3A_138 = tpu.memref_slice %arg10[%dma_wait3A_130, %dma_wait3A_136, %dma_wait3A_137] : memref<2x2x8192xf32, #tpu.memory_space<vmem>> -> memref<1x2x8192xf32, #tpu.memory_space<vmem>>
      %dma_wait3A_139 = tpu.memref_squeeze %dma_wait3A_138 : memref<1x2x8192xf32, #tpu.memory_space<vmem>> -> memref<2x8192xf32, #tpu.memory_space<vmem>>
      %dma_wait3A_140 = tpu.memref_slice %arg2[%mul3A_127, %mul3A_129] : memref<64x262144xf32, #tpu.memory_space<hbm>> -> memref<2x8192xf32, #tpu.memory_space<hbm>>
      tpu.wait_dma2 semaphore(%arg13 : memref<!tpu.dma_semaphore, #tpu.memory_space<semaphore_mem>>) src(%dma_wait3A_140 : memref<2x8192xf32, #tpu.memory_space<hbm>>) dst(%dma_wait3A_139 : memref<2x8192xf32, #tpu.memory_space<vmem>>)
      %add3A_141 = arith.constant 0 : i32
      %add3A_142 = arith.addi %mul3A_113, %add3A_141 : i32
      %scan3A_143 = arith.constant 0 : i32
      %scan3A_144 = arith.constant 0 : i32
      %scan3A_145 = arith.constant 64 : i32
      %scan3A_146 = arith.addi %scan3A_144, %scan3A_145 : i32
      %scan3A_147 = arith.constant 1 : i32
      %scan3A_148 = scf.for %scan3A_205 = %scan3A_144 to %scan3A_146 step %scan3A_147 iter_args(%scan3A_206 = %scan3A_143) -> (i32)  : i32 {
        %mul3A_207 = arith.constant 128 : i32
        %mul3A_208 = arith.muli %scan3A_205, %mul3A_207 : i32
        %broadcast_in_dim3A_209 = arith.constant false
        %broadcast_in_dim3A_210 = vector.broadcast %broadcast_in_dim3A_209 : i1 to vector<16xi1>
        %add3A_211 = arith.constant 0 : i32
        %add3A_212 = arith.addi %mul3A_208, %add3A_211 : i32
        %get3A = arith.constant 0 : i32
        %get3A_213 = arith.index_cast %get3A : i32 to index
        %get3A_214 = arith.index_cast %add3A_212 : i32 to index
        %get3A_215 = tpu.vector_load %arg9[%get3A_213, %get3A_214] {strides = array<i32>} : memref<2x8192xi32, #tpu.memory_space<vmem>>, vector<16xi32>,
        %get3A_216 = arith.constant 0 : i32
        %get3A_217 = arith.constant 0 : i32
        %get3A_218 = arith.index_cast %get3A_216 : i32 to index
        %get3A_219 = arith.index_cast %get3A_217 : i32 to index
        %get3A_220 = arith.index_cast %add3A_212 : i32 to index
        %get3A_221 = tpu.vector_load %arg10[%get3A_218, %get3A_219, %get3A_220] {strides = array<i32>} : memref<2x2x8192xf32, #tpu.memory_space<vmem>>, vector<16xf32>,
        %add3A_222 = arith.constant 1.000000e+00 : f32
        %add3A_223 = vector.broadcast %add3A_222 : f32 to vector<16xf32>
        %add3A_224 = arith.addf %get3A_221, %add3A_223 : vector<16xf32>
        %get3A_225 = arith.constant 0 : i32
        %get3A_226 = arith.constant 1 : i32
        %get3A_227 = arith.index_cast %get3A_225 : i32 to index
        %get3A_228 = arith.index_cast %get3A_226 : i32 to index
        %get3A_229 = arith.index_cast %add3A_212 : i32 to index
        %get3A_230 = tpu.vector_load %arg10[%get3A_227, %get3A_228, %get3A_229] {strides = array<i32>} : memref<2x2x8192xf32, #tpu.memory_space<vmem>>, vector<16xf32>,
        %gather3A = tpu.vector_load_idx %arg6[%get3A_215] : memref<16384xf32, #tpu.memory_space<vmem>>[vector<16xi32>], vector<16xf32>,
        %gather3A_231 = tpu.vector_load_idx %arg7[%get3A_215] : memref<16384xf32, #tpu.memory_space<vmem>>[vector<16xi32>], vector<16xf32>,
        %gt3A = arith.cmpf ogt, %add3A_224, %gather3A : vector<16xf32>
        tpu.vector_store_idx %arg6[%get3A_215], %add3A_224 masked %gt3A : memref<16384xf32, #tpu.memory_space<vmem>>[vector<16xi32>], vector<16xf32>, vector<16xi1>
        %gt3A_232 = arith.cmpf ogt, %get3A_230, %gather3A_231 : vector<16xf32>
        tpu.vector_store_idx %arg7[%get3A_215], %get3A_230 masked %gt3A_232 : memref<16384xf32, #tpu.memory_space<vmem>>[vector<16xi32>], vector<16xf32>, vector<16xi1>
        %gather3A_233 = tpu.vector_load_idx %arg6[%get3A_215] : memref<16384xf32, #tpu.memory_space<vmem>>[vector<16xi32>], vector<16xf32>,
        %gather3A_234 = tpu.vector_load_idx %arg7[%get3A_215] : memref<16384xf32, #tpu.memory_space<vmem>>[vector<16xi32>], vector<16xf32>,
        %gt3A_235 = arith.cmpf ogt, %add3A_224, %gather3A_233 : vector<16xf32>
        %or3A = arith.ori %broadcast_in_dim3A_210, %gt3A_235 : vector<16xi1>
        %gt3A_236 = arith.cmpf ogt, %get3A_230, %gather3A_234 : vector<16xf32>
        %or3A_237 = arith.ori %or3A, %gt3A_236 : vector<16xi1>
        %add3A_238 = arith.constant 16 : i32
        %add3A_239 = arith.addi %mul3A_208, %add3A_238 : i32
        %get3A_240 = arith.constant 0 : i32
        %get3A_241 = arith.index_cast %get3A_240 : i32 to index
        %get3A_242 = arith.index_cast %add3A_239 : i32 to index
        %get3A_243 = tpu.vector_load %arg9[%get3A_241, %get3A_242] {strides = array<i32>} : memref<2x8192xi32, #tpu.memory_space<vmem>>, vector<16xi32>,
        %get3A_244 = arith.constant 0 : i32
        %get3A_245 = arith.constant 0 : i32
        %get3A_246 = arith.index_cast %get3A_244 : i32 to index
        %get3A_247 = arith.index_cast %get3A_245 : i32 to index
        %get3A_248 = arith.index_cast %add3A_239 : i32 to index
        %get3A_249 = tpu.vector_load %arg10[%get3A_246, %get3A_247, %get3A_248] {strides = array<i32>} : memref<2x2x8192xf32, #tpu.memory_space<vmem>>, vector<16xf32>,
        %add3A_250 = arith.constant 1.000000e+00 : f32
        %add3A_251 = vector.broadcast %add3A_250 : f32 to vector<16xf32>
        %add3A_252 = arith.addf %get3A_249, %add3A_251 : vector<16xf32>
        %get3A_253 = arith.constant 0 : i32
        %get3A_254 = arith.constant 1 : i32
        %get3A_255 = arith.index_cast %get3A_253 : i32 to index
        %get3A_256 = arith.index_cast %get3A_254 : i32 to index
        %get3A_257 = arith.index_cast %add3A_239 : i32 to index
        %get3A_258 = tpu.vector_load %arg10[%get3A_255, %get3A_256, %get3A_257] {strides = array<i32>} : memref<2x2x8192xf32, #tpu.memory_space<vmem>>, vector<16xf32>,
        %gather3A_259 = tpu.vector_load_idx %arg6[%get3A_243] : memref<16384xf32, #tpu.memory_space<vmem>>[vector<16xi32>], vector<16xf32>,
        %gather3A_260 = tpu.vector_load_idx %arg7[%get3A_243] : memref<16384xf32, #tpu.memory_space<vmem>>[vector<16xi32>], vector<16xf32>,
        %gt3A_261 = arith.cmpf ogt, %add3A_252, %gather3A_259 : vector<16xf32>
        tpu.vector_store_idx %arg6[%get3A_243], %add3A_252 masked %gt3A_261 : memref<16384xf32, #tpu.memory_space<vmem>>[vector<16xi32>], vector<16xf32>, vector<16xi1>
        %gt3A_262 = arith.cmpf ogt, %get3A_258, %gather3A_260 : vector<16xf32>
        tpu.vector_store_idx %arg7[%get3A_243], %get3A_258 masked %gt3A_262 : memref<16384xf32, #tpu.memory_space<vmem>>[vector<16xi32>], vector<16xf32>, vector<16xi1>
        %gather3A_263 = tpu.vector_load_idx %arg6[%get3A_243] : memref<16384xf32, #tpu.memory_space<vmem>>[vector<16xi32>], vector<16xf32>,
        %gather3A_264 = tpu.vector_load_idx %arg7[%get3A_243] : memref<16384xf32, #tpu.memory_space<vmem>>[vector<16xi32>], vector<16xf32>,
        %gt3A_265 = arith.cmpf ogt, %add3A_252, %gather3A_263 : vector<16xf32>
        %or3A_266 = arith.ori %or3A_237, %gt3A_265 : vector<16xi1>
        %gt3A_267 = arith.cmpf ogt, %get3A_258, %gather3A_264 : vector<16xf32>
        %or3A_268 = arith.ori %or3A_266, %gt3A_267 : vector<16xi1>
        %add3A_269 = arith.constant 32 : i32
        %add3A_270 = arith.addi %mul3A_208, %add3A_269 : i32
        %get3A_271 = arith.constant 0 : i32
        %get3A_272 = arith.index_cast %get3A_271 : i32 to index
        %get3A_273 = arith.index_cast %add3A_270 : i32 to index
        %get3A_274 = tpu.vector_load %arg9[%get3A_272, %get3A_273] {strides = array<i32>} : memref<2x8192xi32, #tpu.memory_space<vmem>>, vector<16xi32>,
        %get3A_275 = arith.constant 0 : i32
        %get3A_276 = arith.constant 0 : i32
        %get3A_277 = arith.index_cast %get3A_275 : i32 to index
        %get3A_278 = arith.index_cast %get3A_276 : i32 to index
        %get3A_279 = arith.index_cast %add3A_270 : i32 to index
        %get3A_280 = tpu.vector_load %arg10[%get3A_277, %get3A_278, %get3A_279] {strides = array<i32>} : memref<2x2x8192xf32, #tpu.memory_space<vmem>>, vector<16xf32>,
        %add3A_281 = arith.constant 1.000000e+00 : f32
        %add3A_282 = vector.broadcast %add3A_281 : f32 to vector<16xf32>
        %add3A_283 = arith.addf %get3A_280, %add3A_282 : vector<16xf32>
        %get3A_284 = arith.constant 0 : i32
        %get3A_285 = arith.constant 1 : i32
        %get3A_286 = arith.index_cast %get3A_284 : i32 to index
        %get3A_287 = arith.index_cast %get3A_285 : i32 to index
        %get3A_288 = arith.index_cast %add3A_270 : i32 to index
        %get3A_289 = tpu.vector_load %arg10[%get3A_286, %get3A_287, %get3A_288] {strides = array<i32>} : memref<2x2x8192xf32, #tpu.memory_space<vmem>>, vector<16xf32>,
        %gather3A_290 = tpu.vector_load_idx %arg6[%get3A_274] : memref<16384xf32, #tpu.memory_space<vmem>>[vector<16xi32>], vector<16xf32>,
        %gather3A_291 = tpu.vector_load_idx %arg7[%get3A_274] : memref<16384xf32, #tpu.memory_space<vmem>>[vector<16xi32>], vector<16xf32>,
        %gt3A_292 = arith.cmpf ogt, %add3A_283, %gather3A_290 : vector<16xf32>
        tpu.vector_store_idx %arg6[%get3A_274], %add3A_283 masked %gt3A_292 : memref<16384xf32, #tpu.memory_space<vmem>>[vector<16xi32>], vector<16xf32>, vector<16xi1>
        %gt3A_293 = arith.cmpf ogt, %get3A_289, %gather3A_291 : vector<16xf32>
        tpu.vector_store_idx %arg7[%get3A_274], %get3A_289 masked %gt3A_293 : memref<16384xf32, #tpu.memory_space<vmem>>[vector<16xi32>], vector<16xf32>, vector<16xi1>
        %gather3A_294 = tpu.vector_load_idx %arg6[%get3A_274] : memref<16384xf32, #tpu.memory_space<vmem>>[vector<16xi32>], vector<16xf32>,
        %gather3A_295 = tpu.vector_load_idx %arg7[%get3A_274] : memref<16384xf32, #tpu.memory_space<vmem>>[vector<16xi32>], vector<16xf32>,
        %gt3A_296 = arith.cmpf ogt, %add3A_283, %gather3A_294 : vector<16xf32>
        %or3A_297 = arith.ori %or3A_268, %gt3A_296 : vector<16xi1>
        %gt3A_298 = arith.cmpf ogt, %get3A_289, %gather3A_295 : vector<16xf32>
        %or3A_299 = arith.ori %or3A_297, %gt3A_298 : vector<16xi1>
        %add3A_300 = arith.constant 48 : i32
        %add3A_301 = arith.addi %mul3A_208, %add3A_300 : i32
        %get3A_302 = arith.constant 0 : i32
        %get3A_303 = arith.index_cast %get3A_302 : i32 to index
        %get3A_304 = arith.index_cast %add3A_301 : i32 to index
        %get3A_305 = tpu.vector_load %arg9[%get3A_303, %get3A_304] {strides = array<i32>} : memref<2x8192xi32, #tpu.memory_space<vmem>>, vector<16xi32>,
        %get3A_306 = arith.constant 0 : i32
        %get3A_307 = arith.constant 0 : i32
        %get3A_308 = arith.index_cast %get3A_306 : i32 to index
        %get3A_309 = arith.index_cast %get3A_307 : i32 to index
        %get3A_310 = arith.index_cast %add3A_301 : i32 to index
        %get3A_311 = tpu.vector_load %arg10[%get3A_308, %get3A_309, %get3A_310] {strides = array<i32>} : memref<2x2x8192xf32, #tpu.memory_space<vmem>>, vector<16xf32>,
        %add3A_312 = arith.constant 1.000000e+00 : f32
        %add3A_313 = vector.broadcast %add3A_312 : f32 to vector<16xf32>
        %add3A_314 = arith.addf %get3A_311, %add3A_313 : vector<16xf32>
        %get3A_315 = arith.constant 0 : i32
        %get3A_316 = arith.constant 1 : i32
        %get3A_317 = arith.index_cast %get3A_315 : i32 to index
        %get3A_318 = arith.index_cast %get3A_316 : i32 to index
        %get3A_319 = arith.index_cast %add3A_301 : i32 to index
        %get3A_320 = tpu.vector_load %arg10[%get3A_317, %get3A_318, %get3A_319] {strides = array<i32>} : memref<2x2x8192xf32, #tpu.memory_space<vmem>>, vector<16xf32>,
        %gather3A_321 = tpu.vector_load_idx %arg6[%get3A_305] : memref<16384xf32, #tpu.memory_space<vmem>>[vector<16xi32>], vector<16xf32>,
        %gather3A_322 = tpu.vector_load_idx %arg7[%get3A_305] : memref<16384xf32, #tpu.memory_space<vmem>>[vector<16xi32>], vector<16xf32>,
        %gt3A_323 = arith.cmpf ogt, %add3A_314, %gather3A_321 : vector<16xf32>
        tpu.vector_store_idx %arg6[%get3A_305], %add3A_314 masked %gt3A_323 : memref<16384xf32, #tpu.memory_space<vmem>>[vector<16xi32>], vector<16xf32>, vector<16xi1>
        %gt3A_324 = arith.cmpf ogt, %get3A_320, %gather3A_322 : vector<16xf32>
        tpu.vector_store_idx %arg7[%get3A_305], %get3A_320 masked %gt3A_324 : memref<16384xf32, #tpu.memory_space<vmem>>[vector<16xi32>], vector<16xf32>, vector<16xi1>
        %gather3A_325 = tpu.vector_load_idx %arg6[%get3A_305] : memref<16384xf32, #tpu.memory_space<vmem>>[vector<16xi32>], vector<16xf32>,
        %gather3A_326 = tpu.vector_load_idx %arg7[%get3A_305] : memref<16384xf32, #tpu.memory_space<vmem>>[vector<16xi32>], vector<16xf32>,
        %gt3A_327 = arith.cmpf ogt, %add3A_314, %gather3A_325 : vector<16xf32>
        %or3A_328 = arith.ori %or3A_299, %gt3A_327 : vector<16xi1>
        %gt3A_329 = arith.cmpf ogt, %get3A_320, %gather3A_326 : vector<16xf32>
        %or3A_330 = arith.ori %or3A_328, %gt3A_329 : vector<16xi1>
        %add3A_331 = arith.constant 64 : i32
        %add3A_332 = arith.addi %mul3A_208, %add3A_331 : i32
        %get3A_333 = arith.constant 0 : i32
        %get3A_334 = arith.index_cast %get3A_333 : i32 to index
        %get3A_335 = arith.index_cast %add3A_332 : i32 to index
        %get3A_336 = tpu.vector_load %arg9[%get3A_334, %get3A_335] {strides = array<i32>} : memref<2x8192xi32, #tpu.memory_space<vmem>>, vector<16xi32>,
        %get3A_337 = arith.constant 0 : i32
        %get3A_338 = arith.constant 0 : i32
        %get3A_339 = arith.index_cast %get3A_337 : i32 to index
        %get3A_340 = arith.index_cast %get3A_338 : i32 to index
        %get3A_341 = arith.index_cast %add3A_332 : i32 to index
        %get3A_342 = tpu.vector_load %arg10[%get3A_339, %get3A_340, %get3A_341] {strides = array<i32>} : memref<2x2x8192xf32, #tpu.memory_space<vmem>>, vector<16xf32>,
        %add3A_343 = arith.constant 1.000000e+00 : f32
        %add3A_344 = vector.broadcast %add3A_343 : f32 to vector<16xf32>
        %add3A_345 = arith.addf %get3A_342, %add3A_344 : vector<16xf32>
        %get3A_346 = arith.constant 0 : i32
        %get3A_347 = arith.constant 1 : i32
        %get3A_348 = arith.index_cast %get3A_346 : i32 to index
        %get3A_349 = arith.index_cast %get3A_347 : i32 to index
        %get3A_350 = arith.index_cast %add3A_332 : i32 to index
        %get3A_351 = tpu.vector_load %arg10[%get3A_348, %get3A_349, %get3A_350] {strides = array<i32>} : memref<2x2x8192xf32, #tpu.memory_space<vmem>>, vector<16xf32>,
        %gather3A_352 = tpu.vector_load_idx %arg6[%get3A_336] : memref<16384xf32, #tpu.memory_space<vmem>>[vector<16xi32>], vector<16xf32>,
        %gather3A_353 = tpu.vector_load_idx %arg7[%get3A_336] : memref<16384xf32, #tpu.memory_space<vmem>>[vector<16xi32>], vector<16xf32>,
        %gt3A_354 = arith.cmpf ogt, %add3A_345, %gather3A_352 : vector<16xf32>
        tpu.vector_store_idx %arg6[%get3A_336], %add3A_345 masked %gt3A_354 : memref<16384xf32, #tpu.memory_space<vmem>>[vector<16xi32>], vector<16xf32>, vector<16xi1>
        %gt3A_355 = arith.cmpf ogt, %get3A_351, %gather3A_353 : vector<16xf32>
        tpu.vector_store_idx %arg7[%get3A_336], %get3A_351 masked %gt3A_355 : memref<16384xf32, #tpu.memory_space<vmem>>[vector<16xi32>], vector<16xf32>, vector<16xi1>
        %gather3A_356 = tpu.vector_load_idx %arg6[%get3A_336] : memref<16384xf32, #tpu.memory_space<vmem>>[vector<16xi32>], vector<16xf32>,
        %gather3A_357 = tpu.vector_load_idx %arg7[%get3A_336] : memref<16384xf32, #tpu.memory_space<vmem>>[vector<16xi32>], vector<16xf32>,
        %gt3A_358 = arith.cmpf ogt, %add3A_345, %gather3A_356 : vector<16xf32>
        %or3A_359 = arith.ori %or3A_330, %gt3A_358 : vector<16xi1>
        %gt3A_360 = arith.cmpf ogt, %get3A_351, %gather3A_357 : vector<16xf32>
        %or3A_361 = arith.ori %or3A_359, %gt3A_360 : vector<16xi1>
        %add3A_362 = arith.constant 80 : i32
        %add3A_363 = arith.addi %mul3A_208, %add3A_362 : i32
        %get3A_364 = arith.constant 0 : i32
        %get3A_365 = arith.index_cast %get3A_364 : i32 to index
        %get3A_366 = arith.index_cast %add3A_363 : i32 to index
        %get3A_367 = tpu.vector_load %arg9[%get3A_365, %get3A_366] {strides = array<i32>} : memref<2x8192xi32, #tpu.memory_space<vmem>>, vector<16xi32>,
        %get3A_368 = arith.constant 0 : i32
        %get3A_369 = arith.constant 0 : i32
        %get3A_370 = arith.index_cast %get3A_368 : i32 to index
        %get3A_371 = arith.index_cast %get3A_369 : i32 to index
        %get3A_372 = arith.index_cast %add3A_363 : i32 to index
        %get3A_373 = tpu.vector_load %arg10[%get3A_370, %get3A_371, %get3A_372] {strides = array<i32>} : memref<2x2x8192xf32, #tpu.memory_space<vmem>>, vector<16xf32>,
        %add3A_374 = arith.constant 1.000000e+00 : f32
        %add3A_375 = vector.broadcast %add3A_374 : f32 to vector<16xf32>
        %add3A_376 = arith.addf %get3A_373, %add3A_375 : vector<16xf32>
        %get3A_377 = arith.constant 0 : i32
        %get3A_378 = arith.constant 1 : i32
        %get3A_379 = arith.index_cast %get3A_377 : i32 to index
        %get3A_380 = arith.index_cast %get3A_378 : i32 to index
        %get3A_381 = arith.index_cast %add3A_363 : i32 to index
        %get3A_382 = tpu.vector_load %arg10[%get3A_379, %get3A_380, %get3A_381] {strides = array<i32>} : memref<2x2x8192xf32, #tpu.memory_space<vmem>>, vector<16xf32>,
        %gather3A_383 = tpu.vector_load_idx %arg6[%get3A_367] : memref<16384xf32, #tpu.memory_space<vmem>>[vector<16xi32>], vector<16xf32>,
        %gather3A_384 = tpu.vector_load_idx %arg7[%get3A_367] : memref<16384xf32, #tpu.memory_space<vmem>>[vector<16xi32>], vector<16xf32>,
        %gt3A_385 = arith.cmpf ogt, %add3A_376, %gather3A_383 : vector<16xf32>
        tpu.vector_store_idx %arg6[%get3A_367], %add3A_376 masked %gt3A_385 : memref<16384xf32, #tpu.memory_space<vmem>>[vector<16xi32>], vector<16xf32>, vector<16xi1>
        %gt3A_386 = arith.cmpf ogt, %get3A_382, %gather3A_384 : vector<16xf32>
        tpu.vector_store_idx %arg7[%get3A_367], %get3A_382 masked %gt3A_386 : memref<16384xf32, #tpu.memory_space<vmem>>[vector<16xi32>], vector<16xf32>, vector<16xi1>
        %gather3A_387 = tpu.vector_load_idx %arg6[%get3A_367] : memref<16384xf32, #tpu.memory_space<vmem>>[vector<16xi32>], vector<16xf32>,
        %gather3A_388 = tpu.vector_load_idx %arg7[%get3A_367] : memref<16384xf32, #tpu.memory_space<vmem>>[vector<16xi32>], vector<16xf32>,
        %gt3A_389 = arith.cmpf ogt, %add3A_376, %gather3A_387 : vector<16xf32>
        %or3A_390 = arith.ori %or3A_361, %gt3A_389 : vector<16xi1>
        %gt3A_391 = arith.cmpf ogt, %get3A_382, %gather3A_388 : vector<16xf32>
        %or3A_392 = arith.ori %or3A_390, %gt3A_391 : vector<16xi1>
        %add3A_393 = arith.constant 96 : i32
        %add3A_394 = arith.addi %mul3A_208, %add3A_393 : i32
        %get3A_395 = arith.constant 0 : i32
        %get3A_396 = arith.index_cast %get3A_395 : i32 to index
        %get3A_397 = arith.index_cast %add3A_394 : i32 to index
        %get3A_398 = tpu.vector_load %arg9[%get3A_396, %get3A_397] {strides = array<i32>} : memref<2x8192xi32, #tpu.memory_space<vmem>>, vector<16xi32>,
        %get3A_399 = arith.constant 0 : i32
        %get3A_400 = arith.constant 0 : i32
        %get3A_401 = arith.index_cast %get3A_399 : i32 to index
        %get3A_402 = arith.index_cast %get3A_400 : i32 to index
        %get3A_403 = arith.index_cast %add3A_394 : i32 to index
        %get3A_404 = tpu.vector_load %arg10[%get3A_401, %get3A_402, %get3A_403] {strides = array<i32>} : memref<2x2x8192xf32, #tpu.memory_space<vmem>>, vector<16xf32>,
        %add3A_405 = arith.constant 1.000000e+00 : f32
        %add3A_406 = vector.broadcast %add3A_405 : f32 to vector<16xf32>
        %add3A_407 = arith.addf %get3A_404, %add3A_406 : vector<16xf32>
        %get3A_408 = arith.constant 0 : i32
        %get3A_409 = arith.constant 1 : i32
        %get3A_410 = arith.index_cast %get3A_408 : i32 to index
        %get3A_411 = arith.index_cast %get3A_409 : i32 to index
        %get3A_412 = arith.index_cast %add3A_394 : i32 to index
        %get3A_413 = tpu.vector_load %arg10[%get3A_410, %get3A_411, %get3A_412] {strides = array<i32>} : memref<2x2x8192xf32, #tpu.memory_space<vmem>>, vector<16xf32>,
        %gather3A_414 = tpu.vector_load_idx %arg6[%get3A_398] : memref<16384xf32, #tpu.memory_space<vmem>>[vector<16xi32>], vector<16xf32>,
        %gather3A_415 = tpu.vector_load_idx %arg7[%get3A_398] : memref<16384xf32, #tpu.memory_space<vmem>>[vector<16xi32>], vector<16xf32>,
        %gt3A_416 = arith.cmpf ogt, %add3A_407, %gather3A_414 : vector<16xf32>
        tpu.vector_store_idx %arg6[%get3A_398], %add3A_407 masked %gt3A_416 : memref<16384xf32, #tpu.memory_space<vmem>>[vector<16xi32>], vector<16xf32>, vector<16xi1>
        %gt3A_417 = arith.cmpf ogt, %get3A_413, %gather3A_415 : vector<16xf32>
        tpu.vector_store_idx %arg7[%get3A_398], %get3A_413 masked %gt3A_417 : memref<16384xf32, #tpu.memory_space<vmem>>[vector<16xi32>], vector<16xf32>, vector<16xi1>
        %gather3A_418 = tpu.vector_load_idx %arg6[%get3A_398] : memref<16384xf32, #tpu.memory_space<vmem>>[vector<16xi32>], vector<16xf32>,
        %gather3A_419 = tpu.vector_load_idx %arg7[%get3A_398] : memref<16384xf32, #tpu.memory_space<vmem>>[vector<16xi32>], vector<16xf32>,
        %gt3A_420 = arith.cmpf ogt, %add3A_407, %gather3A_418 : vector<16xf32>
        %or3A_421 = arith.ori %or3A_392, %gt3A_420 : vector<16xi1>
        %gt3A_422 = arith.cmpf ogt, %get3A_413, %gather3A_419 : vector<16xf32>
        %or3A_423 = arith.ori %or3A_421, %gt3A_422 : vector<16xi1>
        %add3A_424 = arith.constant 112 : i32
        %add3A_425 = arith.addi %mul3A_208, %add3A_424 : i32
        %get3A_426 = arith.constant 0 : i32
        %get3A_427 = arith.index_cast %get3A_426 : i32 to index
        %get3A_428 = arith.index_cast %add3A_425 : i32 to index
        %get3A_429 = tpu.vector_load %arg9[%get3A_427, %get3A_428] {strides = array<i32>} : memref<2x8192xi32, #tpu.memory_space<vmem>>, vector<16xi32>,
        %get3A_430 = arith.constant 0 : i32
        %get3A_431 = arith.constant 0 : i32
        %get3A_432 = arith.index_cast %get3A_430 : i32 to index
        %get3A_433 = arith.index_cast %get3A_431 : i32 to index
        %get3A_434 = arith.index_cast %add3A_425 : i32 to index
        %get3A_435 = tpu.vector_load %arg10[%get3A_432, %get3A_433, %get3A_434] {strides = array<i32>} : memref<2x2x8192xf32, #tpu.memory_space<vmem>>, vector<16xf32>,
        %add3A_436 = arith.constant 1.000000e+00 : f32
        %add3A_437 = vector.broadcast %add3A_436 : f32 to vector<16xf32>
        %add3A_438 = arith.addf %get3A_435, %add3A_437 : vector<16xf32>
        %get3A_439 = arith.constant 0 : i32
        %get3A_440 = arith.constant 1 : i32
        %get3A_441 = arith.index_cast %get3A_439 : i32 to index
        %get3A_442 = arith.index_cast %get3A_440 : i32 to index
        %get3A_443 = arith.index_cast %add3A_425 : i32 to index
        %get3A_444 = tpu.vector_load %arg10[%get3A_441, %get3A_442, %get3A_443] {strides = array<i32>} : memref<2x2x8192xf32, #tpu.memory_space<vmem>>, vector<16xf32>,
        %gather3A_445 = tpu.vector_load_idx %arg6[%get3A_429] : memref<16384xf32, #tpu.memory_space<vmem>>[vector<16xi32>], vector<16xf32>,
        %gather3A_446 = tpu.vector_load_idx %arg7[%get3A_429] : memref<16384xf32, #tpu.memory_space<vmem>>[vector<16xi32>], vector<16xf32>,
        %gt3A_447 = arith.cmpf ogt, %add3A_438, %gather3A_445 : vector<16xf32>
        tpu.vector_store_idx %arg6[%get3A_429], %add3A_438 masked %gt3A_447 : memref<16384xf32, #tpu.memory_space<vmem>>[vector<16xi32>], vector<16xf32>, vector<16xi1>
        %gt3A_448 = arith.cmpf ogt, %get3A_444, %gather3A_446 : vector<16xf32>
        tpu.vector_store_idx %arg7[%get3A_429], %get3A_444 masked %gt3A_448 : memref<16384xf32, #tpu.memory_space<vmem>>[vector<16xi32>], vector<16xf32>, vector<16xi1>
        %gather3A_449 = tpu.vector_load_idx %arg6[%get3A_429] : memref<16384xf32, #tpu.memory_space<vmem>>[vector<16xi32>], vector<16xf32>,
        %gather3A_450 = tpu.vector_load_idx %arg7[%get3A_429] : memref<16384xf32, #tpu.memory_space<vmem>>[vector<16xi32>], vector<16xf32>,
        %gt3A_451 = arith.cmpf ogt, %add3A_438, %gather3A_449 : vector<16xf32>
        %or3A_452 = arith.ori %or3A_423, %gt3A_451 : vector<16xi1>
        %gt3A_453 = arith.cmpf ogt, %get3A_444, %gather3A_450 : vector<16xf32>
        %or3A_454 = arith.ori %or3A_452, %gt3A_453 : vector<16xi1>
        %reduce_or3A = arith.constant 1.000000e+00 : f32
        %reduce_or3A_455 = arith.constant 0.000000e+00 : f32
        %reduce_or3A_456 = vector.broadcast %reduce_or3A : f32 to vector<16xf32>
        %reduce_or3A_457 = vector.broadcast %reduce_or3A_455 : f32 to vector<16xf32>
        %reduce_or3A_458 = arith.select %or3A_454, %reduce_or3A_456, %reduce_or3A_457 : vector<16xi1>, vector<16xf32>
        %reduce_or3A_459 = arith.constant true
        %reduce_or3A_460 = vector.broadcast %reduce_or3A_459 : i1 to vector<16xi1>
        %reduce_or3A_461 = tpu.scan <max>, %reduce_or3A_458 masked %reduce_or3A_460 : vector<16xf32>, vector<16xi1> -> vector<16xf32>
        %reduce_or3A_462 = vector.extract %reduce_or3A_461[15] : f32 from vector<16xf32>
        %reduce_or3A_463 = arith.constant 0.000000e+00 : f32
        %reduce_or3A_464 = arith.cmpf ogt, %reduce_or3A_462, %reduce_or3A_463 : f32
        %convert_element_type3A_465 = arith.extui %reduce_or3A_464 : i1 to i32
        %cond3A_466 = arith.constant 0 : i32
        %cond3A_467 = arith.cmpi ne, %convert_element_type3A_465, %cond3A_466 : i32
        scf.if %cond3A_467 {
          %while3A_469 = scf.while (%while3A_470 = %or3A_454) : (vector<16xi1>) -> vector<16xi1> {
            %reduce_or3A_471 = arith.constant 1.000000e+00 : f32
            %reduce_or3A_472 = arith.constant 0.000000e+00 : f32
            %reduce_or3A_473 = vector.broadcast %reduce_or3A_471 : f32 to vector<16xf32>
            %reduce_or3A_474 = vector.broadcast %reduce_or3A_472 : f32 to vector<16xf32>
            %reduce_or3A_475 = arith.select %while3A_470, %reduce_or3A_473, %reduce_or3A_474 : vector<16xi1>, vector<16xf32>
            %reduce_or3A_476 = arith.constant true
            %reduce_or3A_477 = vector.broadcast %reduce_or3A_476 : i1 to vector<16xi1>
            %reduce_or3A_478 = tpu.scan <max>, %reduce_or3A_475 masked %reduce_or3A_477 : vector<16xf32>, vector<16xi1> -> vector<16xf32>
            %reduce_or3A_479 = vector.extract %reduce_or3A_478[15] : f32 from vector<16xf32>
            %reduce_or3A_480 = arith.constant 0.000000e+00 : f32
            %reduce_or3A_481 = arith.cmpf ogt, %reduce_or3A_479, %reduce_or3A_480 : f32
            scf.condition(%reduce_or3A_481) %while3A_470 : vector<16xi1>
          } do {
          ^bb0(%while3A_470: vector<16xi1>):
            %broadcast_in_dim3A_471 = arith.constant false
            %broadcast_in_dim3A_472 = vector.broadcast %broadcast_in_dim3A_471 : i1 to vector<16xi1>
            %add3A_473 = arith.constant 0 : i32
            %add3A_474 = arith.addi %mul3A_208, %add3A_473 : i32
            %get3A_475 = arith.constant 0 : i32
            %get3A_476 = arith.index_cast %get3A_475 : i32 to index
            %get3A_477 = arith.index_cast %add3A_474 : i32 to index
            %get3A_478 = tpu.vector_load %arg9[%get3A_476, %get3A_477] {strides = array<i32>} : memref<2x8192xi32, #tpu.memory_space<vmem>>, vector<16xi32>,
            %get3A_479 = arith.constant 0 : i32
            %get3A_480 = arith.constant 0 : i32
            %get3A_481 = arith.index_cast %get3A_479 : i32 to index
            %get3A_482 = arith.index_cast %get3A_480 : i32 to index
            %get3A_483 = arith.index_cast %add3A_474 : i32 to index
            %get3A_484 = tpu.vector_load %arg10[%get3A_481, %get3A_482, %get3A_483] {strides = array<i32>} : memref<2x2x8192xf32, #tpu.memory_space<vmem>>, vector<16xf32>,
            %add3A_485 = arith.constant 1.000000e+00 : f32
            %add3A_486 = vector.broadcast %add3A_485 : f32 to vector<16xf32>
            %add3A_487 = arith.addf %get3A_484, %add3A_486 : vector<16xf32>
            %get3A_488 = arith.constant 0 : i32
            %get3A_489 = arith.constant 1 : i32
            %get3A_490 = arith.index_cast %get3A_488 : i32 to index
            %get3A_491 = arith.index_cast %get3A_489 : i32 to index
            %get3A_492 = arith.index_cast %add3A_474 : i32 to index
            %get3A_493 = tpu.vector_load %arg10[%get3A_490, %get3A_491, %get3A_492] {strides = array<i32>} : memref<2x2x8192xf32, #tpu.memory_space<vmem>>, vector<16xf32>,
            %gather3A_494 = tpu.vector_load_idx %arg6[%get3A_478] : memref<16384xf32, #tpu.memory_space<vmem>>[vector<16xi32>], vector<16xf32>,
            %gather3A_495 = tpu.vector_load_idx %arg7[%get3A_478] : memref<16384xf32, #tpu.memory_space<vmem>>[vector<16xi32>], vector<16xf32>,
            %gt3A_496 = arith.cmpf ogt, %add3A_487, %gather3A_494 : vector<16xf32>
            tpu.vector_store_idx %arg6[%get3A_478], %add3A_487 masked %gt3A_496 : memref<16384xf32, #tpu.memory_space<vmem>>[vector<16xi32>], vector<16xf32>, vector<16xi1>
            %gt3A_497 = arith.cmpf ogt, %get3A_493, %gather3A_495 : vector<16xf32>
            tpu.vector_store_idx %arg7[%get3A_478], %get3A_493 masked %gt3A_497 : memref<16384xf32, #tpu.memory_space<vmem>>[vector<16xi32>], vector<16xf32>, vector<16xi1>
            %gather3A_498 = tpu.vector_load_idx %arg6[%get3A_478] : memref<16384xf32, #tpu.memory_space<vmem>>[vector<16xi32>], vector<16xf32>,
            %gather3A_499 = tpu.vector_load_idx %arg7[%get3A_478] : memref<16384xf32, #tpu.memory_space<vmem>>[vector<16xi32>], vector<16xf32>,
            %gt3A_500 = arith.cmpf ogt, %add3A_487, %gather3A_498 : vector<16xf32>
            %or3A_501 = arith.ori %broadcast_in_dim3A_472, %gt3A_500 : vector<16xi1>
            %gt3A_502 = arith.cmpf ogt, %get3A_493, %gather3A_499 : vector<16xf32>
            %or3A_503 = arith.ori %or3A_501, %gt3A_502 : vector<16xi1>
            %add3A_504 = arith.constant 16 : i32
            %add3A_505 = arith.addi %mul3A_208, %add3A_504 : i32
            %get3A_506 = arith.constant 0 : i32
            %get3A_507 = arith.index_cast %get3A_506 : i32 to index
            %get3A_508 = arith.index_cast %add3A_505 : i32 to index
            %get3A_509 = tpu.vector_load %arg9[%get3A_507, %get3A_508] {strides = array<i32>} : memref<2x8192xi32, #tpu.memory_space<vmem>>, vector<16xi32>,
            %get3A_510 = arith.constant 0 : i32
            %get3A_511 = arith.constant 0 : i32
            %get3A_512 = arith.index_cast %get3A_510 : i32 to index
            %get3A_513 = arith.index_cast %get3A_511 : i32 to index
            %get3A_514 = arith.index_cast %add3A_505 : i32 to index
            %get3A_515 = tpu.vector_load %arg10[%get3A_512, %get3A_513, %get3A_514] {strides = array<i32>} : memref<2x2x8192xf32, #tpu.memory_space<vmem>>, vector<16xf32>,
            %add3A_516 = arith.constant 1.000000e+00 : f32
            %add3A_517 = vector.broadcast %add3A_516 : f32 to vector<16xf32>
            %add3A_518 = arith.addf %get3A_515, %add3A_517 : vector<16xf32>
            %get3A_519 = arith.constant 0 : i32
            %get3A_520 = arith.constant 1 : i32
            %get3A_521 = arith.index_cast %get3A_519 : i32 to index
            %get3A_522 = arith.index_cast %get3A_520 : i32 to index
            %get3A_523 = arith.index_cast %add3A_505 : i32 to index
            %get3A_524 = tpu.vector_load %arg10[%get3A_521, %get3A_522, %get3A_523] {strides = array<i32>} : memref<2x2x8192xf32, #tpu.memory_space<vmem>>, vector<16xf32>,
            %gather3A_525 = tpu.vector_load_idx %arg6[%get3A_509] : memref<16384xf32, #tpu.memory_space<vmem>>[vector<16xi32>], vector<16xf32>,
            %gather3A_526 = tpu.vector_load_idx %arg7[%get3A_509] : memref<16384xf32, #tpu.memory_space<vmem>>[vector<16xi32>], vector<16xf32>,
            %gt3A_527 = arith.cmpf ogt, %add3A_518, %gather3A_525 : vector<16xf32>
            tpu.vector_store_idx %arg6[%get3A_509], %add3A_518 masked %gt3A_527 : memref<16384xf32, #tpu.memory_space<vmem>>[vector<16xi32>], vector<16xf32>, vector<16xi1>
            %gt3A_528 = arith.cmpf ogt, %get3A_524, %gather3A_526 : vector<16xf32>
            tpu.vector_store_idx %arg7[%get3A_509], %get3A_524 masked %gt3A_528 : memref<16384xf32, #tpu.memory_space<vmem>>[vector<16xi32>], vector<16xf32>, vector<16xi1>
            %gather3A_529 = tpu.vector_load_idx %arg6[%get3A_509] : memref<16384xf32, #tpu.memory_space<vmem>>[vector<16xi32>], vector<16xf32>,
            %gather3A_530 = tpu.vector_load_idx %arg7[%get3A_509] : memref<16384xf32, #tpu.memory_space<vmem>>[vector<16xi32>], vector<16xf32>,
            %gt3A_531 = arith.cmpf ogt, %add3A_518, %gather3A_529 : vector<16xf32>
            %or3A_532 = arith.ori %or3A_503, %gt3A_531 : vector<16xi1>
            %gt3A_533 = arith.cmpf ogt, %get3A_524, %gather3A_530 : vector<16xf32>
            %or3A_534 = arith.ori %or3A_532, %gt3A_533 : vector<16xi1>
            %add3A_535 = arith.constant 32 : i32
            %add3A_536 = arith.addi %mul3A_208, %add3A_535 : i32
            %get3A_537 = arith.constant 0 : i32
            %get3A_538 = arith.index_cast %get3A_537 : i32 to index
            %get3A_539 = arith.index_cast %add3A_536 : i32 to index
            %get3A_540 = tpu.vector_load %arg9[%get3A_538, %get3A_539] {strides = array<i32>} : memref<2x8192xi32, #tpu.memory_space<vmem>>, vector<16xi32>,
            %get3A_541 = arith.constant 0 : i32
            %get3A_542 = arith.constant 0 : i32
            %get3A_543 = arith.index_cast %get3A_541 : i32 to index
            %get3A_544 = arith.index_cast %get3A_542 : i32 to index
            %get3A_545 = arith.index_cast %add3A_536 : i32 to index
            %get3A_546 = tpu.vector_load %arg10[%get3A_543, %get3A_544, %get3A_545] {strides = array<i32>} : memref<2x2x8192xf32, #tpu.memory_space<vmem>>, vector<16xf32>,
            %add3A_547 = arith.constant 1.000000e+00 : f32
            %add3A_548 = vector.broadcast %add3A_547 : f32 to vector<16xf32>
            %add3A_549 = arith.addf %get3A_546, %add3A_548 : vector<16xf32>
            %get3A_550 = arith.constant 0 : i32
            %get3A_551 = arith.constant 1 : i32
            %get3A_552 = arith.index_cast %get3A_550 : i32 to index
            %get3A_553 = arith.index_cast %get3A_551 : i32 to index
            %get3A_554 = arith.index_cast %add3A_536 : i32 to index
            %get3A_555 = tpu.vector_load %arg10[%get3A_552, %get3A_553, %get3A_554] {strides = array<i32>} : memref<2x2x8192xf32, #tpu.memory_space<vmem>>, vector<16xf32>,
            %gather3A_556 = tpu.vector_load_idx %arg6[%get3A_540] : memref<16384xf32, #tpu.memory_space<vmem>>[vector<16xi32>], vector<16xf32>,
            %gather3A_557 = tpu.vector_load_idx %arg7[%get3A_540] : memref<16384xf32, #tpu.memory_space<vmem>>[vector<16xi32>], vector<16xf32>,
            %gt3A_558 = arith.cmpf ogt, %add3A_549, %gather3A_556 : vector<16xf32>
            tpu.vector_store_idx %arg6[%get3A_540], %add3A_549 masked %gt3A_558 : memref<16384xf32, #tpu.memory_space<vmem>>[vector<16xi32>], vector<16xf32>, vector<16xi1>
            %gt3A_559 = arith.cmpf ogt, %get3A_555, %gather3A_557 : vector<16xf32>
            tpu.vector_store_idx %arg7[%get3A_540], %get3A_555 masked %gt3A_559 : memref<16384xf32, #tpu.memory_space<vmem>>[vector<16xi32>], vector<16xf32>, vector<16xi1>
            %gather3A_560 = tpu.vector_load_idx %arg6[%get3A_540] : memref<16384xf32, #tpu.memory_space<vmem>>[vector<16xi32>], vector<16xf32>,
            %gather3A_561 = tpu.vector_load_idx %arg7[%get3A_540] : memref<16384xf32, #tpu.memory_space<vmem>>[vector<16xi32>], vector<16xf32>,
            %gt3A_562 = arith.cmpf ogt, %add3A_549, %gather3A_560 : vector<16xf32>
            %or3A_563 = arith.ori %or3A_534, %gt3A_562 : vector<16xi1>
            %gt3A_564 = arith.cmpf ogt, %get3A_555, %gather3A_561 : vector<16xf32>
            %or3A_565 = arith.ori %or3A_563, %gt3A_564 : vector<16xi1>
            %add3A_566 = arith.constant 48 : i32
            %add3A_567 = arith.addi %mul3A_208, %add3A_566 : i32
            %get3A_568 = arith.constant 0 : i32
            %get3A_569 = arith.index_cast %get3A_568 : i32 to index
            %get3A_570 = arith.index_cast %add3A_567 : i32 to index
            %get3A_571 = tpu.vector_load %arg9[%get3A_569, %get3A_570] {strides = array<i32>} : memref<2x8192xi32, #tpu.memory_space<vmem>>, vector<16xi32>,
            %get3A_572 = arith.constant 0 : i32
            %get3A_573 = arith.constant 0 : i32
            %get3A_574 = arith.index_cast %get3A_572 : i32 to index
            %get3A_575 = arith.index_cast %get3A_573 : i32 to index
            %get3A_576 = arith.index_cast %add3A_567 : i32 to index
            %get3A_577 = tpu.vector_load %arg10[%get3A_574, %get3A_575, %get3A_576] {strides = array<i32>} : memref<2x2x8192xf32, #tpu.memory_space<vmem>>, vector<16xf32>,
            %add3A_578 = arith.constant 1.000000e+00 : f32
            %add3A_579 = vector.broadcast %add3A_578 : f32 to vector<16xf32>
            %add3A_580 = arith.addf %get3A_577, %add3A_579 : vector<16xf32>
            %get3A_581 = arith.constant 0 : i32
            %get3A_582 = arith.constant 1 : i32
            %get3A_583 = arith.index_cast %get3A_581 : i32 to index
            %get3A_584 = arith.index_cast %get3A_582 : i32 to index
            %get3A_585 = arith.index_cast %add3A_567 : i32 to index
            %get3A_586 = tpu.vector_load %arg10[%get3A_583, %get3A_584, %get3A_585] {strides = array<i32>} : memref<2x2x8192xf32, #tpu.memory_space<vmem>>, vector<16xf32>,
            %gather3A_587 = tpu.vector_load_idx %arg6[%get3A_571] : memref<16384xf32, #tpu.memory_space<vmem>>[vector<16xi32>], vector<16xf32>,
            %gather3A_588 = tpu.vector_load_idx %arg7[%get3A_571] : memref<16384xf32, #tpu.memory_space<vmem>>[vector<16xi32>], vector<16xf32>,
            %gt3A_589 = arith.cmpf ogt, %add3A_580, %gather3A_587 : vector<16xf32>
            tpu.vector_store_idx %arg6[%get3A_571], %add3A_580 masked %gt3A_589 : memref<16384xf32, #tpu.memory_space<vmem>>[vector<16xi32>], vector<16xf32>, vector<16xi1>
            %gt3A_590 = arith.cmpf ogt, %get3A_586, %gather3A_588 : vector<16xf32>
            tpu.vector_store_idx %arg7[%get3A_571], %get3A_586 masked %gt3A_590 : memref<16384xf32, #tpu.memory_space<vmem>>[vector<16xi32>], vector<16xf32>, vector<16xi1>
            %gather3A_591 = tpu.vector_load_idx %arg6[%get3A_571] : memref<16384xf32, #tpu.memory_space<vmem>>[vector<16xi32>], vector<16xf32>,
            %gather3A_592 = tpu.vector_load_idx %arg7[%get3A_571] : memref<16384xf32, #tpu.memory_space<vmem>>[vector<16xi32>], vector<16xf32>,
            %gt3A_593 = arith.cmpf ogt, %add3A_580, %gather3A_591 : vector<16xf32>
            %or3A_594 = arith.ori %or3A_565, %gt3A_593 : vector<16xi1>
            %gt3A_595 = arith.cmpf ogt, %get3A_586, %gather3A_592 : vector<16xf32>
            %or3A_596 = arith.ori %or3A_594, %gt3A_595 : vector<16xi1>
            %add3A_597 = arith.constant 64 : i32
            %add3A_598 = arith.addi %mul3A_208, %add3A_597 : i32
            %get3A_599 = arith.constant 0 : i32
            %get3A_600 = arith.index_cast %get3A_599 : i32 to index
            %get3A_601 = arith.index_cast %add3A_598 : i32 to index
            %get3A_602 = tpu.vector_load %arg9[%get3A_600, %get3A_601] {strides = array<i32>} : memref<2x8192xi32, #tpu.memory_space<vmem>>, vector<16xi32>,
            %get3A_603 = arith.constant 0 : i32
            %get3A_604 = arith.constant 0 : i32
            %get3A_605 = arith.index_cast %get3A_603 : i32 to index
            %get3A_606 = arith.index_cast %get3A_604 : i32 to index
            %get3A_607 = arith.index_cast %add3A_598 : i32 to index
            %get3A_608 = tpu.vector_load %arg10[%get3A_605, %get3A_606, %get3A_607] {strides = array<i32>} : memref<2x2x8192xf32, #tpu.memory_space<vmem>>, vector<16xf32>,
            %add3A_609 = arith.constant 1.000000e+00 : f32
            %add3A_610 = vector.broadcast %add3A_609 : f32 to vector<16xf32>
            %add3A_611 = arith.addf %get3A_608, %add3A_610 : vector<16xf32>
            %get3A_612 = arith.constant 0 : i32
            %get3A_613 = arith.constant 1 : i32
            %get3A_614 = arith.index_cast %get3A_612 : i32 to index
            %get3A_615 = arith.index_cast %get3A_613 : i32 to index
            %get3A_616 = arith.index_cast %add3A_598 : i32 to index
            %get3A_617 = tpu.vector_load %arg10[%get3A_614, %get3A_615, %get3A_616] {strides = array<i32>} : memref<2x2x8192xf32, #tpu.memory_space<vmem>>, vector<16xf32>,
            %gather3A_618 = tpu.vector_load_idx %arg6[%get3A_602] : memref<16384xf32, #tpu.memory_space<vmem>>[vector<16xi32>], vector<16xf32>,
            %gather3A_619 = tpu.vector_load_idx %arg7[%get3A_602] : memref<16384xf32, #tpu.memory_space<vmem>>[vector<16xi32>], vector<16xf32>,
            %gt3A_620 = arith.cmpf ogt, %add3A_611, %gather3A_618 : vector<16xf32>
            tpu.vector_store_idx %arg6[%get3A_602], %add3A_611 masked %gt3A_620 : memref<16384xf32, #tpu.memory_space<vmem>>[vector<16xi32>], vector<16xf32>, vector<16xi1>
            %gt3A_621 = arith.cmpf ogt, %get3A_617, %gather3A_619 : vector<16xf32>
            tpu.vector_store_idx %arg7[%get3A_602], %get3A_617 masked %gt3A_621 : memref<16384xf32, #tpu.memory_space<vmem>>[vector<16xi32>], vector<16xf32>, vector<16xi1>
            %gather3A_622 = tpu.vector_load_idx %arg6[%get3A_602] : memref<16384xf32, #tpu.memory_space<vmem>>[vector<16xi32>], vector<16xf32>,
            %gather3A_623 = tpu.vector_load_idx %arg7[%get3A_602] : memref<16384xf32, #tpu.memory_space<vmem>>[vector<16xi32>], vector<16xf32>,
            %gt3A_624 = arith.cmpf ogt, %add3A_611, %gather3A_622 : vector<16xf32>
            %or3A_625 = arith.ori %or3A_596, %gt3A_624 : vector<16xi1>
            %gt3A_626 = arith.cmpf ogt, %get3A_617, %gather3A_623 : vector<16xf32>
            %or3A_627 = arith.ori %or3A_625, %gt3A_626 : vector<16xi1>
            %add3A_628 = arith.constant 80 : i32
            %add3A_629 = arith.addi %mul3A_208, %add3A_628 : i32
            %get3A_630 = arith.constant 0 : i32
            %get3A_631 = arith.index_cast %get3A_630 : i32 to index
            %get3A_632 = arith.index_cast %add3A_629 : i32 to index
            %get3A_633 = tpu.vector_load %arg9[%get3A_631, %get3A_632] {strides = array<i32>} : memref<2x8192xi32, #tpu.memory_space<vmem>>, vector<16xi32>,
            %get3A_634 = arith.constant 0 : i32
            %get3A_635 = arith.constant 0 : i32
            %get3A_636 = arith.index_cast %get3A_634 : i32 to index
            %get3A_637 = arith.index_cast %get3A_635 : i32 to index
            %get3A_638 = arith.index_cast %add3A_629 : i32 to index
            %get3A_639 = tpu.vector_load %arg10[%get3A_636, %get3A_637, %get3A_638] {strides = array<i32>} : memref<2x2x8192xf32, #tpu.memory_space<vmem>>, vector<16xf32>,
            %add3A_640 = arith.constant 1.000000e+00 : f32
            %add3A_641 = vector.broadcast %add3A_640 : f32 to vector<16xf32>
            %add3A_642 = arith.addf %get3A_639, %add3A_641 : vector<16xf32>
            %get3A_643 = arith.constant 0 : i32
            %get3A_644 = arith.constant 1 : i32
            %get3A_645 = arith.index_cast %get3A_643 : i32 to index
            %get3A_646 = arith.index_cast %get3A_644 : i32 to index
            %get3A_647 = arith.index_cast %add3A_629 : i32 to index
            %get3A_648 = tpu.vector_load %arg10[%get3A_645, %get3A_646, %get3A_647] {strides = array<i32>} : memref<2x2x8192xf32, #tpu.memory_space<vmem>>, vector<16xf32>,
            %gather3A_649 = tpu.vector_load_idx %arg6[%get3A_633] : memref<16384xf32, #tpu.memory_space<vmem>>[vector<16xi32>], vector<16xf32>,
            %gather3A_650 = tpu.vector_load_idx %arg7[%get3A_633] : memref<16384xf32, #tpu.memory_space<vmem>>[vector<16xi32>], vector<16xf32>,
            %gt3A_651 = arith.cmpf ogt, %add3A_642, %gather3A_649 : vector<16xf32>
            tpu.vector_store_idx %arg6[%get3A_633], %add3A_642 masked %gt3A_651 : memref<16384xf32, #tpu.memory_space<vmem>>[vector<16xi32>], vector<16xf32>, vector<16xi1>
            %gt3A_652 = arith.cmpf ogt, %get3A_648, %gather3A_650 : vector<16xf32>
            tpu.vector_store_idx %arg7[%get3A_633], %get3A_648 masked %gt3A_652 : memref<16384xf32, #tpu.memory_space<vmem>>[vector<16xi32>], vector<16xf32>, vector<16xi1>
            %gather3A_653 = tpu.vector_load_idx %arg6[%get3A_633] : memref<16384xf32, #tpu.memory_space<vmem>>[vector<16xi32>], vector<16xf32>,
            %gather3A_654 = tpu.vector_load_idx %arg7[%get3A_633] : memref<16384xf32, #tpu.memory_space<vmem>>[vector<16xi32>], vector<16xf32>,
            %gt3A_655 = arith.cmpf ogt, %add3A_642, %gather3A_653 : vector<16xf32>
            %or3A_656 = arith.ori %or3A_627, %gt3A_655 : vector<16xi1>
            %gt3A_657 = arith.cmpf ogt, %get3A_648, %gather3A_654 : vector<16xf32>
            %or3A_658 = arith.ori %or3A_656, %gt3A_657 : vector<16xi1>
            %add3A_659 = arith.constant 96 : i32
            %add3A_660 = arith.addi %mul3A_208, %add3A_659 : i32
            %get3A_661 = arith.constant 0 : i32
            %get3A_662 = arith.index_cast %get3A_661 : i32 to index
            %get3A_663 = arith.index_cast %add3A_660 : i32 to index
            %get3A_664 = tpu.vector_load %arg9[%get3A_662, %get3A_663] {strides = array<i32>} : memref<2x8192xi32, #tpu.memory_space<vmem>>, vector<16xi32>,
            %get3A_665 = arith.constant 0 : i32
            %get3A_666 = arith.constant 0 : i32
            %get3A_667 = arith.index_cast %get3A_665 : i32 to index
            %get3A_668 = arith.index_cast %get3A_666 : i32 to index
            %get3A_669 = arith.index_cast %add3A_660 : i32 to index
            %get3A_670 = tpu.vector_load %arg10[%get3A_667, %get3A_668, %get3A_669] {strides = array<i32>} : memref<2x2x8192xf32, #tpu.memory_space<vmem>>, vector<16xf32>,
            %add3A_671 = arith.constant 1.000000e+00 : f32
            %add3A_672 = vector.broadcast %add3A_671 : f32 to vector<16xf32>
            %add3A_673 = arith.addf %get3A_670, %add3A_672 : vector<16xf32>
            %get3A_674 = arith.constant 0 : i32
            %get3A_675 = arith.constant 1 : i32
            %get3A_676 = arith.index_cast %get3A_674 : i32 to index
            %get3A_677 = arith.index_cast %get3A_675 : i32 to index
            %get3A_678 = arith.index_cast %add3A_660 : i32 to index
            %get3A_679 = tpu.vector_load %arg10[%get3A_676, %get3A_677, %get3A_678] {strides = array<i32>} : memref<2x2x8192xf32, #tpu.memory_space<vmem>>, vector<16xf32>,
            %gather3A_680 = tpu.vector_load_idx %arg6[%get3A_664] : memref<16384xf32, #tpu.memory_space<vmem>>[vector<16xi32>], vector<16xf32>,
            %gather3A_681 = tpu.vector_load_idx %arg7[%get3A_664] : memref<16384xf32, #tpu.memory_space<vmem>>[vector<16xi32>], vector<16xf32>,
            %gt3A_682 = arith.cmpf ogt, %add3A_673, %gather3A_680 : vector<16xf32>
            tpu.vector_store_idx %arg6[%get3A_664], %add3A_673 masked %gt3A_682 : memref<16384xf32, #tpu.memory_space<vmem>>[vector<16xi32>], vector<16xf32>, vector<16xi1>
            %gt3A_683 = arith.cmpf ogt, %get3A_679, %gather3A_681 : vector<16xf32>
            tpu.vector_store_idx %arg7[%get3A_664], %get3A_679 masked %gt3A_683 : memref<16384xf32, #tpu.memory_space<vmem>>[vector<16xi32>], vector<16xf32>, vector<16xi1>
            %gather3A_684 = tpu.vector_load_idx %arg6[%get3A_664] : memref<16384xf32, #tpu.memory_space<vmem>>[vector<16xi32>], vector<16xf32>,
            %gather3A_685 = tpu.vector_load_idx %arg7[%get3A_664] : memref<16384xf32, #tpu.memory_space<vmem>>[vector<16xi32>], vector<16xf32>,
            %gt3A_686 = arith.cmpf ogt, %add3A_673, %gather3A_684 : vector<16xf32>
            %or3A_687 = arith.ori %or3A_658, %gt3A_686 : vector<16xi1>
            %gt3A_688 = arith.cmpf ogt, %get3A_679, %gather3A_685 : vector<16xf32>
            %or3A_689 = arith.ori %or3A_687, %gt3A_688 : vector<16xi1>
            %add3A_690 = arith.constant 112 : i32
            %add3A_691 = arith.addi %mul3A_208, %add3A_690 : i32
            %get3A_692 = arith.constant 0 : i32
            %get3A_693 = arith.index_cast %get3A_692 : i32 to index
            %get3A_694 = arith.index_cast %add3A_691 : i32 to index
            %get3A_695 = tpu.vector_load %arg9[%get3A_693, %get3A_694] {strides = array<i32>} : memref<2x8192xi32, #tpu.memory_space<vmem>>, vector<16xi32>,
            %get3A_696 = arith.constant 0 : i32
            %get3A_697 = arith.constant 0 : i32
            %get3A_698 = arith.index_cast %get3A_696 : i32 to index
            %get3A_699 = arith.index_cast %get3A_697 : i32 to index
            %get3A_700 = arith.index_cast %add3A_691 : i32 to index
            %get3A_701 = tpu.vector_load %arg10[%get3A_698, %get3A_699, %get3A_700] {strides = array<i32>} : memref<2x2x8192xf32, #tpu.memory_space<vmem>>, vector<16xf32>,
            %add3A_702 = arith.constant 1.000000e+00 : f32
            %add3A_703 = vector.broadcast %add3A_702 : f32 to vector<16xf32>
            %add3A_704 = arith.addf %get3A_701, %add3A_703 : vector<16xf32>
            %get3A_705 = arith.constant 0 : i32
            %get3A_706 = arith.constant 1 : i32
            %get3A_707 = arith.index_cast %get3A_705 : i32 to index
            %get3A_708 = arith.index_cast %get3A_706 : i32 to index
            %get3A_709 = arith.index_cast %add3A_691 : i32 to index
            %get3A_710 = tpu.vector_load %arg10[%get3A_707, %get3A_708, %get3A_709] {strides = array<i32>} : memref<2x2x8192xf32, #tpu.memory_space<vmem>>, vector<16xf32>,
            %gather3A_711 = tpu.vector_load_idx %arg6[%get3A_695] : memref<16384xf32, #tpu.memory_space<vmem>>[vector<16xi32>], vector<16xf32>,
            %gather3A_712 = tpu.vector_load_idx %arg7[%get3A_695] : memref<16384xf32, #tpu.memory_space<vmem>>[vector<16xi32>], vector<16xf32>,
            %gt3A_713 = arith.cmpf ogt, %add3A_704, %gather3A_711 : vector<16xf32>
            tpu.vector_store_idx %arg6[%get3A_695], %add3A_704 masked %gt3A_713 : memref<16384xf32, #tpu.memory_space<vmem>>[vector<16xi32>], vector<16xf32>, vector<16xi1>
            %gt3A_714 = arith.cmpf ogt, %get3A_710, %gather3A_712 : vector<16xf32>
            tpu.vector_store_idx %arg7[%get3A_695], %get3A_710 masked %gt3A_714 : memref<16384xf32, #tpu.memory_space<vmem>>[vector<16xi32>], vector<16xf32>, vector<16xi1>
            %gather3A_715 = tpu.vector_load_idx %arg6[%get3A_695] : memref<16384xf32, #tpu.memory_space<vmem>>[vector<16xi32>], vector<16xf32>,
            %gather3A_716 = tpu.vector_load_idx %arg7[%get3A_695] : memref<16384xf32, #tpu.memory_space<vmem>>[vector<16xi32>], vector<16xf32>,
            %gt3A_717 = arith.cmpf ogt, %add3A_704, %gather3A_715 : vector<16xf32>
            %or3A_718 = arith.ori %or3A_689, %gt3A_717 : vector<16xi1>
            %gt3A_719 = arith.cmpf ogt, %get3A_710, %gather3A_716 : vector<16xf32>
            %or3A_720 = arith.ori %or3A_718, %gt3A_719 : vector<16xi1>
            scf.yield %or3A_720 : vector<16xi1>
          }
        } else {
        }
        %scan3A_468 = arith.constant 0 : i32
        scf.yield %scan3A_468 : i32
      }
      %scan3A_149 = arith.constant 64 : i32
      %add3A_150 = arith.constant 0 : i32
      %add3A_151 = arith.addi %mul3A_113, %add3A_150 : i32
      %add3A_152 = arith.constant 2 : i32
      %add3A_153 = arith.addi %add3A_151, %add3A_152 : i32
      %lt3A = arith.constant 32 : i32
      %lt3A_154 = arith.cmpi slt, %add3A_153, %lt3A : i32
      %convert_element_type3A_155 = arith.extui %lt3A_154 : i1 to i32
      %cond3A_156 = arith.constant 0 : i32
      %cond3A_157 = arith.cmpi ne, %convert_element_type3A_155, %cond3A_156 : i32
      scf.if %cond3A_157 {
        %add3A_205 = arith.constant 0 : i32
        %add3A_206 = arith.addi %mul3A_113, %add3A_205 : i32
        %add3A_207 = arith.constant 2 : i32
        %add3A_208 = arith.addi %add3A_206, %add3A_207 : i32
        %mul3A_209 = arith.constant 8192 : i32
        %mul3A_210 = arith.muli %add3A_208, %mul3A_209 : i32
        %dma_start3A_211 = arith.constant 0 : i32
        %dma_start3A_212 = arith.constant 0 : i32
        %dma_start3A_213 = tpu.memref_slice %arg9[%dma_start3A_211, %dma_start3A_212] : memref<2x8192xi32, #tpu.memory_space<vmem>> -> memref<1x8192xi32, #tpu.memory_space<vmem>>
        %dma_start3A_214 = tpu.memref_squeeze %dma_start3A_213 : memref<1x8192xi32, #tpu.memory_space<vmem>> -> memref<8192xi32, #tpu.memory_space<vmem>>
        %dma_start3A_215 = tpu.memref_slice %arg3[%mul3A_210] : memref<262144xi32, #tpu.memory_space<hbm>> -> memref<8192xi32, #tpu.memory_space<hbm>>
        %dma_start3A_216 = arith.constant 0 : i32
        %dma_start3A_217 = tpu.memref_slice %arg9[%dma_start3A_211, %dma_start3A_216] : memref<2x8192xi32, #tpu.memory_space<vmem>> -> memref<1x8192xi32, #tpu.memory_space<vmem>>
        %dma_start3A_218 = tpu.memref_squeeze %dma_start3A_217 : memref<1x8192xi32, #tpu.memory_space<vmem>> -> memref<8192xi32, #tpu.memory_space<vmem>>
        %dma_start3A_219 = tpu.memref_slice %arg3[%mul3A_210] : memref<262144xi32, #tpu.memory_space<hbm>> -> memref<8192xi32, #tpu.memory_space<hbm>>
        tpu.enqueue_dma source(%dma_start3A_219 : memref<8192xi32, #tpu.memory_space<hbm>>) target(%dma_start3A_218 : memref<8192xi32, #tpu.memory_space<vmem>>) target_semaphore(%arg11 : memref<!tpu.dma_semaphore, #tpu.memory_space<semaphore_mem>>)
        %mul3A_220 = arith.constant 2 : i32
        %mul3A_221 = arith.muli %add3A, %mul3A_220 : i32
        %mul3A_222 = arith.constant 8192 : i32
        %mul3A_223 = arith.muli %add3A_208, %mul3A_222 : i32
        %dma_start3A_224 = arith.constant 0 : i32
        %dma_start3A_225 = arith.constant 0 : i32
        %dma_start3A_226 = arith.constant 0 : i32
        %dma_start3A_227 = tpu.memref_slice %arg10[%dma_start3A_224, %dma_start3A_225, %dma_start3A_226] : memref<2x2x8192xf32, #tpu.memory_space<vmem>> -> memref<1x2x8192xf32, #tpu.memory_space<vmem>>
        %dma_start3A_228 = tpu.memref_squeeze %dma_start3A_227 : memref<1x2x8192xf32, #tpu.memory_space<vmem>> -> memref<2x8192xf32, #tpu.memory_space<vmem>>
        %dma_start3A_229 = tpu.memref_slice %arg2[%mul3A_221, %mul3A_223] : memref<64x262144xf32, #tpu.memory_space<hbm>> -> memref<2x8192xf32, #tpu.memory_space<hbm>>
        %dma_start3A_230 = arith.constant 0 : i32
        %dma_start3A_231 = arith.constant 0 : i32
        %dma_start3A_232 = tpu.memref_slice %arg10[%dma_start3A_224, %dma_start3A_230, %dma_start3A_231] : memref<2x2x8192xf32, #tpu.memory_space<vmem>> -> memref<1x2x8192xf32, #tpu.memory_space<vmem>>
        %dma_start3A_233 = tpu.memref_squeeze %dma_start3A_232 : memref<1x2x8192xf32, #tpu.memory_space<vmem>> -> memref<2x8192xf32, #tpu.memory_space<vmem>>
        %dma_start3A_234 = tpu.memref_slice %arg2[%mul3A_221, %mul3A_223] : memref<64x262144xf32, #tpu.memory_space<hbm>> -> memref<2x8192xf32, #tpu.memory_space<hbm>>
        tpu.enqueue_dma source(%dma_start3A_234 : memref<2x8192xf32, #tpu.memory_space<hbm>>) target(%dma_start3A_233 : memref<2x8192xf32, #tpu.memory_space<vmem>>) target_semaphore(%arg13 : memref<!tpu.dma_semaphore, #tpu.memory_space<semaphore_mem>>)
      } else {
      }
      %add3A_158 = arith.constant 1 : i32
      %add3A_159 = arith.addi %mul3A_113, %add3A_158 : i32
      %mul3A_160 = arith.constant 8192 : i32
      %mul3A_161 = arith.muli %add3A_159, %mul3A_160 : i32
      %dma_wait3A_162 = arith.constant 1 : i32
      %dma_wait3A_163 = arith.constant 0 : i32
      %dma_wait3A_164 = tpu.memref_slice %arg9[%dma_wait3A_162, %dma_wait3A_163] : memref<2x8192xi32, #tpu.memory_space<vmem>> -> memref<1x8192xi32, #tpu.memory_space<vmem>>
      %dma_wait3A_165 = tpu.memref_squeeze %dma_wait3A_164 : memref<1x8192xi32, #tpu.memory_space<vmem>> -> memref<8192xi32, #tpu.memory_space<vmem>>
      %dma_wait3A_166 = tpu.memref_slice %arg3[%mul3A_161] : memref<262144xi32, #tpu.memory_space<hbm>> -> memref<8192xi32, #tpu.memory_space<hbm>>
      %dma_wait3A_167 = arith.constant 0 : i32
      %dma_wait3A_168 = tpu.memref_slice %arg9[%dma_wait3A_162, %dma_wait3A_167] : memref<2x8192xi32, #tpu.memory_space<vmem>> -> memref<1x8192xi32, #tpu.memory_space<vmem>>
      %dma_wait3A_169 = tpu.memref_squeeze %dma_wait3A_168 : memref<1x8192xi32, #tpu.memory_space<vmem>> -> memref<8192xi32, #tpu.memory_space<vmem>>
      %dma_wait3A_170 = tpu.memref_slice %arg3[%mul3A_161] : memref<262144xi32, #tpu.memory_space<hbm>> -> memref<8192xi32, #tpu.memory_space<hbm>>
      tpu.wait_dma2 semaphore(%arg12 : memref<!tpu.dma_semaphore, #tpu.memory_space<semaphore_mem>>) src(%dma_wait3A_170 : memref<8192xi32, #tpu.memory_space<hbm>>) dst(%dma_wait3A_169 : memref<8192xi32, #tpu.memory_space<vmem>>)
      %mul3A_171 = arith.constant 2 : i32
      %mul3A_172 = arith.muli %add3A, %mul3A_171 : i32
      %mul3A_173 = arith.constant 8192 : i32
      %mul3A_174 = arith.muli %add3A_159, %mul3A_173 : i32
      %dma_wait3A_175 = arith.constant 1 : i32
      %dma_wait3A_176 = arith.constant 0 : i32
      %dma_wait3A_177 = arith.constant 0 : i32
      %dma_wait3A_178 = tpu.memref_slice %arg10[%dma_wait3A_175, %dma_wait3A_176, %dma_wait3A_177] : memref<2x2x8192xf32, #tpu.memory_space<vmem>> -> memref<1x2x8192xf32, #tpu.memory_space<vmem>>
      %dma_wait3A_179 = tpu.memref_squeeze %dma_wait3A_178 : memref<1x2x8192xf32, #tpu.memory_space<vmem>> -> memref<2x8192xf32, #tpu.memory_space<vmem>>
      %dma_wait3A_180 = tpu.memref_slice %arg2[%mul3A_172, %mul3A_174] : memref<64x262144xf32, #tpu.memory_space<hbm>> -> memref<2x8192xf32, #tpu.memory_space<hbm>>
      %dma_wait3A_181 = arith.constant 0 : i32
      %dma_wait3A_182 = arith.constant 0 : i32
      %dma_wait3A_183 = tpu.memref_slice %arg10[%dma_wait3A_175, %dma_wait3A_181, %dma_wait3A_182] : memref<2x2x8192xf32, #tpu.memory_space<vmem>> -> memref<1x2x8192xf32, #tpu.memory_space<vmem>>
      %dma_wait3A_184 = tpu.memref_squeeze %dma_wait3A_183 : memref<1x2x8192xf32, #tpu.memory_space<vmem>> -> memref<2x8192xf32, #tpu.memory_space<vmem>>
      %dma_wait3A_185 = tpu.memref_slice %arg2[%mul3A_172, %mul3A_174] : memref<64x262144xf32, #tpu.memory_space<hbm>> -> memref<2x8192xf32, #tpu.memory_space<hbm>>
      tpu.wait_dma2 semaphore(%arg14 : memref<!tpu.dma_semaphore, #tpu.memory_space<semaphore_mem>>) src(%dma_wait3A_185 : memref<2x8192xf32, #tpu.memory_space<hbm>>) dst(%dma_wait3A_184 : memref<2x8192xf32, #tpu.memory_space<vmem>>)
      %add3A_186 = arith.constant 1 : i32
      %add3A_187 = arith.addi %mul3A_113, %add3A_186 : i32
      %scan3A_188 = arith.constant 0 : i32
      %scan3A_189 = arith.constant 0 : i32
      %scan3A_190 = arith.constant 64 : i32
      %scan3A_191 = arith.addi %scan3A_189, %scan3A_190 : i32
      %scan3A_192 = arith.constant 1 : i32
      %scan3A_193 = scf.for %scan3A_205 = %scan3A_189 to %scan3A_191 step %scan3A_192 iter_args(%scan3A_206 = %scan3A_188) -> (i32)  : i32 {
        %mul3A_207 = arith.constant 128 : i32
        %mul3A_208 = arith.muli %scan3A_205, %mul3A_207 : i32
        %broadcast_in_dim3A_209 = arith.constant false
        %broadcast_in_dim3A_210 = vector.broadcast %broadcast_in_dim3A_209 : i1 to vector<16xi1>
        %add3A_211 = arith.constant 0 : i32
        %add3A_212 = arith.addi %mul3A_208, %add3A_211 : i32
        %get3A = arith.constant 1 : i32
        %get3A_213 = arith.index_cast %get3A : i32 to index
        %get3A_214 = arith.index_cast %add3A_212 : i32 to index
        %get3A_215 = tpu.vector_load %arg9[%get3A_213, %get3A_214] {strides = array<i32>} : memref<2x8192xi32, #tpu.memory_space<vmem>>, vector<16xi32>,
        %get3A_216 = arith.constant 1 : i32
        %get3A_217 = arith.constant 0 : i32
        %get3A_218 = arith.index_cast %get3A_216 : i32 to index
        %get3A_219 = arith.index_cast %get3A_217 : i32 to index
        %get3A_220 = arith.index_cast %add3A_212 : i32 to index
        %get3A_221 = tpu.vector_load %arg10[%get3A_218, %get3A_219, %get3A_220] {strides = array<i32>} : memref<2x2x8192xf32, #tpu.memory_space<vmem>>, vector<16xf32>,
        %add3A_222 = arith.constant 1.000000e+00 : f32
        %add3A_223 = vector.broadcast %add3A_222 : f32 to vector<16xf32>
        %add3A_224 = arith.addf %get3A_221, %add3A_223 : vector<16xf32>
        %get3A_225 = arith.constant 1 : i32
        %get3A_226 = arith.constant 1 : i32
        %get3A_227 = arith.index_cast %get3A_225 : i32 to index
        %get3A_228 = arith.index_cast %get3A_226 : i32 to index
        %get3A_229 = arith.index_cast %add3A_212 : i32 to index
        %get3A_230 = tpu.vector_load %arg10[%get3A_227, %get3A_228, %get3A_229] {strides = array<i32>} : memref<2x2x8192xf32, #tpu.memory_space<vmem>>, vector<16xf32>,
        %gather3A = tpu.vector_load_idx %arg6[%get3A_215] : memref<16384xf32, #tpu.memory_space<vmem>>[vector<16xi32>], vector<16xf32>,
        %gather3A_231 = tpu.vector_load_idx %arg7[%get3A_215] : memref<16384xf32, #tpu.memory_space<vmem>>[vector<16xi32>], vector<16xf32>,
        %gt3A = arith.cmpf ogt, %add3A_224, %gather3A : vector<16xf32>
        tpu.vector_store_idx %arg6[%get3A_215], %add3A_224 masked %gt3A : memref<16384xf32, #tpu.memory_space<vmem>>[vector<16xi32>], vector<16xf32>, vector<16xi1>
        %gt3A_232 = arith.cmpf ogt, %get3A_230, %gather3A_231 : vector<16xf32>
        tpu.vector_store_idx %arg7[%get3A_215], %get3A_230 masked %gt3A_232 : memref<16384xf32, #tpu.memory_space<vmem>>[vector<16xi32>], vector<16xf32>, vector<16xi1>
        %gather3A_233 = tpu.vector_load_idx %arg6[%get3A_215] : memref<16384xf32, #tpu.memory_space<vmem>>[vector<16xi32>], vector<16xf32>,
        %gather3A_234 = tpu.vector_load_idx %arg7[%get3A_215] : memref<16384xf32, #tpu.memory_space<vmem>>[vector<16xi32>], vector<16xf32>,
        %gt3A_235 = arith.cmpf ogt, %add3A_224, %gather3A_233 : vector<16xf32>
        %or3A = arith.ori %broadcast_in_dim3A_210, %gt3A_235 : vector<16xi1>
        %gt3A_236 = arith.cmpf ogt, %get3A_230, %gather3A_234 : vector<16xf32>
        %or3A_237 = arith.ori %or3A, %gt3A_236 : vector<16xi1>
        %add3A_238 = arith.constant 16 : i32
        %add3A_239 = arith.addi %mul3A_208, %add3A_238 : i32
        %get3A_240 = arith.constant 1 : i32
        %get3A_241 = arith.index_cast %get3A_240 : i32 to index
        %get3A_242 = arith.index_cast %add3A_239 : i32 to index
        %get3A_243 = tpu.vector_load %arg9[%get3A_241, %get3A_242] {strides = array<i32>} : memref<2x8192xi32, #tpu.memory_space<vmem>>, vector<16xi32>,
        %get3A_244 = arith.constant 1 : i32
        %get3A_245 = arith.constant 0 : i32
        %get3A_246 = arith.index_cast %get3A_244 : i32 to index
        %get3A_247 = arith.index_cast %get3A_245 : i32 to index
        %get3A_248 = arith.index_cast %add3A_239 : i32 to index
        %get3A_249 = tpu.vector_load %arg10[%get3A_246, %get3A_247, %get3A_248] {strides = array<i32>} : memref<2x2x8192xf32, #tpu.memory_space<vmem>>, vector<16xf32>,
        %add3A_250 = arith.constant 1.000000e+00 : f32
        %add3A_251 = vector.broadcast %add3A_250 : f32 to vector<16xf32>
        %add3A_252 = arith.addf %get3A_249, %add3A_251 : vector<16xf32>
        %get3A_253 = arith.constant 1 : i32
        %get3A_254 = arith.constant 1 : i32
        %get3A_255 = arith.index_cast %get3A_253 : i32 to index
        %get3A_256 = arith.index_cast %get3A_254 : i32 to index
        %get3A_257 = arith.index_cast %add3A_239 : i32 to index
        %get3A_258 = tpu.vector_load %arg10[%get3A_255, %get3A_256, %get3A_257] {strides = array<i32>} : memref<2x2x8192xf32, #tpu.memory_space<vmem>>, vector<16xf32>,
        %gather3A_259 = tpu.vector_load_idx %arg6[%get3A_243] : memref<16384xf32, #tpu.memory_space<vmem>>[vector<16xi32>], vector<16xf32>,
        %gather3A_260 = tpu.vector_load_idx %arg7[%get3A_243] : memref<16384xf32, #tpu.memory_space<vmem>>[vector<16xi32>], vector<16xf32>,
        %gt3A_261 = arith.cmpf ogt, %add3A_252, %gather3A_259 : vector<16xf32>
        tpu.vector_store_idx %arg6[%get3A_243], %add3A_252 masked %gt3A_261 : memref<16384xf32, #tpu.memory_space<vmem>>[vector<16xi32>], vector<16xf32>, vector<16xi1>
        %gt3A_262 = arith.cmpf ogt, %get3A_258, %gather3A_260 : vector<16xf32>
        tpu.vector_store_idx %arg7[%get3A_243], %get3A_258 masked %gt3A_262 : memref<16384xf32, #tpu.memory_space<vmem>>[vector<16xi32>], vector<16xf32>, vector<16xi1>
        %gather3A_263 = tpu.vector_load_idx %arg6[%get3A_243] : memref<16384xf32, #tpu.memory_space<vmem>>[vector<16xi32>], vector<16xf32>,
        %gather3A_264 = tpu.vector_load_idx %arg7[%get3A_243] : memref<16384xf32, #tpu.memory_space<vmem>>[vector<16xi32>], vector<16xf32>,
        %gt3A_265 = arith.cmpf ogt, %add3A_252, %gather3A_263 : vector<16xf32>
        %or3A_266 = arith.ori %or3A_237, %gt3A_265 : vector<16xi1>
        %gt3A_267 = arith.cmpf ogt, %get3A_258, %gather3A_264 : vector<16xf32>
        %or3A_268 = arith.ori %or3A_266, %gt3A_267 : vector<16xi1>
        %add3A_269 = arith.constant 32 : i32
        %add3A_270 = arith.addi %mul3A_208, %add3A_269 : i32
        %get3A_271 = arith.constant 1 : i32
        %get3A_272 = arith.index_cast %get3A_271 : i32 to index
        %get3A_273 = arith.index_cast %add3A_270 : i32 to index
        %get3A_274 = tpu.vector_load %arg9[%get3A_272, %get3A_273] {strides = array<i32>} : memref<2x8192xi32, #tpu.memory_space<vmem>>, vector<16xi32>,
        %get3A_275 = arith.constant 1 : i32
        %get3A_276 = arith.constant 0 : i32
        %get3A_277 = arith.index_cast %get3A_275 : i32 to index
        %get3A_278 = arith.index_cast %get3A_276 : i32 to index
        %get3A_279 = arith.index_cast %add3A_270 : i32 to index
        %get3A_280 = tpu.vector_load %arg10[%get3A_277, %get3A_278, %get3A_279] {strides = array<i32>} : memref<2x2x8192xf32, #tpu.memory_space<vmem>>, vector<16xf32>,
        %add3A_281 = arith.constant 1.000000e+00 : f32
        %add3A_282 = vector.broadcast %add3A_281 : f32 to vector<16xf32>
        %add3A_283 = arith.addf %get3A_280, %add3A_282 : vector<16xf32>
        %get3A_284 = arith.constant 1 : i32
        %get3A_285 = arith.constant 1 : i32
        %get3A_286 = arith.index_cast %get3A_284 : i32 to index
        %get3A_287 = arith.index_cast %get3A_285 : i32 to index
        %get3A_288 = arith.index_cast %add3A_270 : i32 to index
        %get3A_289 = tpu.vector_load %arg10[%get3A_286, %get3A_287, %get3A_288] {strides = array<i32>} : memref<2x2x8192xf32, #tpu.memory_space<vmem>>, vector<16xf32>,
        %gather3A_290 = tpu.vector_load_idx %arg6[%get3A_274] : memref<16384xf32, #tpu.memory_space<vmem>>[vector<16xi32>], vector<16xf32>,
        %gather3A_291 = tpu.vector_load_idx %arg7[%get3A_274] : memref<16384xf32, #tpu.memory_space<vmem>>[vector<16xi32>], vector<16xf32>,
        %gt3A_292 = arith.cmpf ogt, %add3A_283, %gather3A_290 : vector<16xf32>
        tpu.vector_store_idx %arg6[%get3A_274], %add3A_283 masked %gt3A_292 : memref<16384xf32, #tpu.memory_space<vmem>>[vector<16xi32>], vector<16xf32>, vector<16xi1>
        %gt3A_293 = arith.cmpf ogt, %get3A_289, %gather3A_291 : vector<16xf32>
        tpu.vector_store_idx %arg7[%get3A_274], %get3A_289 masked %gt3A_293 : memref<16384xf32, #tpu.memory_space<vmem>>[vector<16xi32>], vector<16xf32>, vector<16xi1>
        %gather3A_294 = tpu.vector_load_idx %arg6[%get3A_274] : memref<16384xf32, #tpu.memory_space<vmem>>[vector<16xi32>], vector<16xf32>,
        %gather3A_295 = tpu.vector_load_idx %arg7[%get3A_274] : memref<16384xf32, #tpu.memory_space<vmem>>[vector<16xi32>], vector<16xf32>,
        %gt3A_296 = arith.cmpf ogt, %add3A_283, %gather3A_294 : vector<16xf32>
        %or3A_297 = arith.ori %or3A_268, %gt3A_296 : vector<16xi1>
        %gt3A_298 = arith.cmpf ogt, %get3A_289, %gather3A_295 : vector<16xf32>
        %or3A_299 = arith.ori %or3A_297, %gt3A_298 : vector<16xi1>
        %add3A_300 = arith.constant 48 : i32
        %add3A_301 = arith.addi %mul3A_208, %add3A_300 : i32
        %get3A_302 = arith.constant 1 : i32
        %get3A_303 = arith.index_cast %get3A_302 : i32 to index
        %get3A_304 = arith.index_cast %add3A_301 : i32 to index
        %get3A_305 = tpu.vector_load %arg9[%get3A_303, %get3A_304] {strides = array<i32>} : memref<2x8192xi32, #tpu.memory_space<vmem>>, vector<16xi32>,
        %get3A_306 = arith.constant 1 : i32
        %get3A_307 = arith.constant 0 : i32
        %get3A_308 = arith.index_cast %get3A_306 : i32 to index
        %get3A_309 = arith.index_cast %get3A_307 : i32 to index
        %get3A_310 = arith.index_cast %add3A_301 : i32 to index
        %get3A_311 = tpu.vector_load %arg10[%get3A_308, %get3A_309, %get3A_310] {strides = array<i32>} : memref<2x2x8192xf32, #tpu.memory_space<vmem>>, vector<16xf32>,
        %add3A_312 = arith.constant 1.000000e+00 : f32
        %add3A_313 = vector.broadcast %add3A_312 : f32 to vector<16xf32>
        %add3A_314 = arith.addf %get3A_311, %add3A_313 : vector<16xf32>
        %get3A_315 = arith.constant 1 : i32
        %get3A_316 = arith.constant 1 : i32
        %get3A_317 = arith.index_cast %get3A_315 : i32 to index
        %get3A_318 = arith.index_cast %get3A_316 : i32 to index
        %get3A_319 = arith.index_cast %add3A_301 : i32 to index
        %get3A_320 = tpu.vector_load %arg10[%get3A_317, %get3A_318, %get3A_319] {strides = array<i32>} : memref<2x2x8192xf32, #tpu.memory_space<vmem>>, vector<16xf32>,
        %gather3A_321 = tpu.vector_load_idx %arg6[%get3A_305] : memref<16384xf32, #tpu.memory_space<vmem>>[vector<16xi32>], vector<16xf32>,
        %gather3A_322 = tpu.vector_load_idx %arg7[%get3A_305] : memref<16384xf32, #tpu.memory_space<vmem>>[vector<16xi32>], vector<16xf32>,
        %gt3A_323 = arith.cmpf ogt, %add3A_314, %gather3A_321 : vector<16xf32>
        tpu.vector_store_idx %arg6[%get3A_305], %add3A_314 masked %gt3A_323 : memref<16384xf32, #tpu.memory_space<vmem>>[vector<16xi32>], vector<16xf32>, vector<16xi1>
        %gt3A_324 = arith.cmpf ogt, %get3A_320, %gather3A_322 : vector<16xf32>
        tpu.vector_store_idx %arg7[%get3A_305], %get3A_320 masked %gt3A_324 : memref<16384xf32, #tpu.memory_space<vmem>>[vector<16xi32>], vector<16xf32>, vector<16xi1>
        %gather3A_325 = tpu.vector_load_idx %arg6[%get3A_305] : memref<16384xf32, #tpu.memory_space<vmem>>[vector<16xi32>], vector<16xf32>,
        %gather3A_326 = tpu.vector_load_idx %arg7[%get3A_305] : memref<16384xf32, #tpu.memory_space<vmem>>[vector<16xi32>], vector<16xf32>,
        %gt3A_327 = arith.cmpf ogt, %add3A_314, %gather3A_325 : vector<16xf32>
        %or3A_328 = arith.ori %or3A_299, %gt3A_327 : vector<16xi1>
        %gt3A_329 = arith.cmpf ogt, %get3A_320, %gather3A_326 : vector<16xf32>
        %or3A_330 = arith.ori %or3A_328, %gt3A_329 : vector<16xi1>
        %add3A_331 = arith.constant 64 : i32
        %add3A_332 = arith.addi %mul3A_208, %add3A_331 : i32
        %get3A_333 = arith.constant 1 : i32
        %get3A_334 = arith.index_cast %get3A_333 : i32 to index
        %get3A_335 = arith.index_cast %add3A_332 : i32 to index
        %get3A_336 = tpu.vector_load %arg9[%get3A_334, %get3A_335] {strides = array<i32>} : memref<2x8192xi32, #tpu.memory_space<vmem>>, vector<16xi32>,
        %get3A_337 = arith.constant 1 : i32
        %get3A_338 = arith.constant 0 : i32
        %get3A_339 = arith.index_cast %get3A_337 : i32 to index
        %get3A_340 = arith.index_cast %get3A_338 : i32 to index
        %get3A_341 = arith.index_cast %add3A_332 : i32 to index
        %get3A_342 = tpu.vector_load %arg10[%get3A_339, %get3A_340, %get3A_341] {strides = array<i32>} : memref<2x2x8192xf32, #tpu.memory_space<vmem>>, vector<16xf32>,
        %add3A_343 = arith.constant 1.000000e+00 : f32
        %add3A_344 = vector.broadcast %add3A_343 : f32 to vector<16xf32>
        %add3A_345 = arith.addf %get3A_342, %add3A_344 : vector<16xf32>
        %get3A_346 = arith.constant 1 : i32
        %get3A_347 = arith.constant 1 : i32
        %get3A_348 = arith.index_cast %get3A_346 : i32 to index
        %get3A_349 = arith.index_cast %get3A_347 : i32 to index
        %get3A_350 = arith.index_cast %add3A_332 : i32 to index
        %get3A_351 = tpu.vector_load %arg10[%get3A_348, %get3A_349, %get3A_350] {strides = array<i32>} : memref<2x2x8192xf32, #tpu.memory_space<vmem>>, vector<16xf32>,
        %gather3A_352 = tpu.vector_load_idx %arg6[%get3A_336] : memref<16384xf32, #tpu.memory_space<vmem>>[vector<16xi32>], vector<16xf32>,
        %gather3A_353 = tpu.vector_load_idx %arg7[%get3A_336] : memref<16384xf32, #tpu.memory_space<vmem>>[vector<16xi32>], vector<16xf32>,
        %gt3A_354 = arith.cmpf ogt, %add3A_345, %gather3A_352 : vector<16xf32>
        tpu.vector_store_idx %arg6[%get3A_336], %add3A_345 masked %gt3A_354 : memref<16384xf32, #tpu.memory_space<vmem>>[vector<16xi32>], vector<16xf32>, vector<16xi1>
        %gt3A_355 = arith.cmpf ogt, %get3A_351, %gather3A_353 : vector<16xf32>
        tpu.vector_store_idx %arg7[%get3A_336], %get3A_351 masked %gt3A_355 : memref<16384xf32, #tpu.memory_space<vmem>>[vector<16xi32>], vector<16xf32>, vector<16xi1>
        %gather3A_356 = tpu.vector_load_idx %arg6[%get3A_336] : memref<16384xf32, #tpu.memory_space<vmem>>[vector<16xi32>], vector<16xf32>,
        %gather3A_357 = tpu.vector_load_idx %arg7[%get3A_336] : memref<16384xf32, #tpu.memory_space<vmem>>[vector<16xi32>], vector<16xf32>,
        %gt3A_358 = arith.cmpf ogt, %add3A_345, %gather3A_356 : vector<16xf32>
        %or3A_359 = arith.ori %or3A_330, %gt3A_358 : vector<16xi1>
        %gt3A_360 = arith.cmpf ogt, %get3A_351, %gather3A_357 : vector<16xf32>
        %or3A_361 = arith.ori %or3A_359, %gt3A_360 : vector<16xi1>
        %add3A_362 = arith.constant 80 : i32
        %add3A_363 = arith.addi %mul3A_208, %add3A_362 : i32
        %get3A_364 = arith.constant 1 : i32
        %get3A_365 = arith.index_cast %get3A_364 : i32 to index
        %get3A_366 = arith.index_cast %add3A_363 : i32 to index
        %get3A_367 = tpu.vector_load %arg9[%get3A_365, %get3A_366] {strides = array<i32>} : memref<2x8192xi32, #tpu.memory_space<vmem>>, vector<16xi32>,
        %get3A_368 = arith.constant 1 : i32
        %get3A_369 = arith.constant 0 : i32
        %get3A_370 = arith.index_cast %get3A_368 : i32 to index
        %get3A_371 = arith.index_cast %get3A_369 : i32 to index
        %get3A_372 = arith.index_cast %add3A_363 : i32 to index
        %get3A_373 = tpu.vector_load %arg10[%get3A_370, %get3A_371, %get3A_372] {strides = array<i32>} : memref<2x2x8192xf32, #tpu.memory_space<vmem>>, vector<16xf32>,
        %add3A_374 = arith.constant 1.000000e+00 : f32
        %add3A_375 = vector.broadcast %add3A_374 : f32 to vector<16xf32>
        %add3A_376 = arith.addf %get3A_373, %add3A_375 : vector<16xf32>
        %get3A_377 = arith.constant 1 : i32
        %get3A_378 = arith.constant 1 : i32
        %get3A_379 = arith.index_cast %get3A_377 : i32 to index
        %get3A_380 = arith.index_cast %get3A_378 : i32 to index
        %get3A_381 = arith.index_cast %add3A_363 : i32 to index
        %get3A_382 = tpu.vector_load %arg10[%get3A_379, %get3A_380, %get3A_381] {strides = array<i32>} : memref<2x2x8192xf32, #tpu.memory_space<vmem>>, vector<16xf32>,
        %gather3A_383 = tpu.vector_load_idx %arg6[%get3A_367] : memref<16384xf32, #tpu.memory_space<vmem>>[vector<16xi32>], vector<16xf32>,
        %gather3A_384 = tpu.vector_load_idx %arg7[%get3A_367] : memref<16384xf32, #tpu.memory_space<vmem>>[vector<16xi32>], vector<16xf32>,
        %gt3A_385 = arith.cmpf ogt, %add3A_376, %gather3A_383 : vector<16xf32>
        tpu.vector_store_idx %arg6[%get3A_367], %add3A_376 masked %gt3A_385 : memref<16384xf32, #tpu.memory_space<vmem>>[vector<16xi32>], vector<16xf32>, vector<16xi1>
        %gt3A_386 = arith.cmpf ogt, %get3A_382, %gather3A_384 : vector<16xf32>
        tpu.vector_store_idx %arg7[%get3A_367], %get3A_382 masked %gt3A_386 : memref<16384xf32, #tpu.memory_space<vmem>>[vector<16xi32>], vector<16xf32>, vector<16xi1>
        %gather3A_387 = tpu.vector_load_idx %arg6[%get3A_367] : memref<16384xf32, #tpu.memory_space<vmem>>[vector<16xi32>], vector<16xf32>,
        %gather3A_388 = tpu.vector_load_idx %arg7[%get3A_367] : memref<16384xf32, #tpu.memory_space<vmem>>[vector<16xi32>], vector<16xf32>,
        %gt3A_389 = arith.cmpf ogt, %add3A_376, %gather3A_387 : vector<16xf32>
        %or3A_390 = arith.ori %or3A_361, %gt3A_389 : vector<16xi1>
        %gt3A_391 = arith.cmpf ogt, %get3A_382, %gather3A_388 : vector<16xf32>
        %or3A_392 = arith.ori %or3A_390, %gt3A_391 : vector<16xi1>
        %add3A_393 = arith.constant 96 : i32
        %add3A_394 = arith.addi %mul3A_208, %add3A_393 : i32
        %get3A_395 = arith.constant 1 : i32
        %get3A_396 = arith.index_cast %get3A_395 : i32 to index
        %get3A_397 = arith.index_cast %add3A_394 : i32 to index
        %get3A_398 = tpu.vector_load %arg9[%get3A_396, %get3A_397] {strides = array<i32>} : memref<2x8192xi32, #tpu.memory_space<vmem>>, vector<16xi32>,
        %get3A_399 = arith.constant 1 : i32
        %get3A_400 = arith.constant 0 : i32
        %get3A_401 = arith.index_cast %get3A_399 : i32 to index
        %get3A_402 = arith.index_cast %get3A_400 : i32 to index
        %get3A_403 = arith.index_cast %add3A_394 : i32 to index
        %get3A_404 = tpu.vector_load %arg10[%get3A_401, %get3A_402, %get3A_403] {strides = array<i32>} : memref<2x2x8192xf32, #tpu.memory_space<vmem>>, vector<16xf32>,
        %add3A_405 = arith.constant 1.000000e+00 : f32
        %add3A_406 = vector.broadcast %add3A_405 : f32 to vector<16xf32>
        %add3A_407 = arith.addf %get3A_404, %add3A_406 : vector<16xf32>
        %get3A_408 = arith.constant 1 : i32
        %get3A_409 = arith.constant 1 : i32
        %get3A_410 = arith.index_cast %get3A_408 : i32 to index
        %get3A_411 = arith.index_cast %get3A_409 : i32 to index
        %get3A_412 = arith.index_cast %add3A_394 : i32 to index
        %get3A_413 = tpu.vector_load %arg10[%get3A_410, %get3A_411, %get3A_412] {strides = array<i32>} : memref<2x2x8192xf32, #tpu.memory_space<vmem>>, vector<16xf32>,
        %gather3A_414 = tpu.vector_load_idx %arg6[%get3A_398] : memref<16384xf32, #tpu.memory_space<vmem>>[vector<16xi32>], vector<16xf32>,
        %gather3A_415 = tpu.vector_load_idx %arg7[%get3A_398] : memref<16384xf32, #tpu.memory_space<vmem>>[vector<16xi32>], vector<16xf32>,
        %gt3A_416 = arith.cmpf ogt, %add3A_407, %gather3A_414 : vector<16xf32>
        tpu.vector_store_idx %arg6[%get3A_398], %add3A_407 masked %gt3A_416 : memref<16384xf32, #tpu.memory_space<vmem>>[vector<16xi32>], vector<16xf32>, vector<16xi1>
        %gt3A_417 = arith.cmpf ogt, %get3A_413, %gather3A_415 : vector<16xf32>
        tpu.vector_store_idx %arg7[%get3A_398], %get3A_413 masked %gt3A_417 : memref<16384xf32, #tpu.memory_space<vmem>>[vector<16xi32>], vector<16xf32>, vector<16xi1>
        %gather3A_418 = tpu.vector_load_idx %arg6[%get3A_398] : memref<16384xf32, #tpu.memory_space<vmem>>[vector<16xi32>], vector<16xf32>,
        %gather3A_419 = tpu.vector_load_idx %arg7[%get3A_398] : memref<16384xf32, #tpu.memory_space<vmem>>[vector<16xi32>], vector<16xf32>,
        %gt3A_420 = arith.cmpf ogt, %add3A_407, %gather3A_418 : vector<16xf32>
        %or3A_421 = arith.ori %or3A_392, %gt3A_420 : vector<16xi1>
        %gt3A_422 = arith.cmpf ogt, %get3A_413, %gather3A_419 : vector<16xf32>
        %or3A_423 = arith.ori %or3A_421, %gt3A_422 : vector<16xi1>
        %add3A_424 = arith.constant 112 : i32
        %add3A_425 = arith.addi %mul3A_208, %add3A_424 : i32
        %get3A_426 = arith.constant 1 : i32
        %get3A_427 = arith.index_cast %get3A_426 : i32 to index
        %get3A_428 = arith.index_cast %add3A_425 : i32 to index
        %get3A_429 = tpu.vector_load %arg9[%get3A_427, %get3A_428] {strides = array<i32>} : memref<2x8192xi32, #tpu.memory_space<vmem>>, vector<16xi32>,
        %get3A_430 = arith.constant 1 : i32
        %get3A_431 = arith.constant 0 : i32
        %get3A_432 = arith.index_cast %get3A_430 : i32 to index
        %get3A_433 = arith.index_cast %get3A_431 : i32 to index
        %get3A_434 = arith.index_cast %add3A_425 : i32 to index
        %get3A_435 = tpu.vector_load %arg10[%get3A_432, %get3A_433, %get3A_434] {strides = array<i32>} : memref<2x2x8192xf32, #tpu.memory_space<vmem>>, vector<16xf32>,
        %add3A_436 = arith.constant 1.000000e+00 : f32
        %add3A_437 = vector.broadcast %add3A_436 : f32 to vector<16xf32>
        %add3A_438 = arith.addf %get3A_435, %add3A_437 : vector<16xf32>
        %get3A_439 = arith.constant 1 : i32
        %get3A_440 = arith.constant 1 : i32
        %get3A_441 = arith.index_cast %get3A_439 : i32 to index
        %get3A_442 = arith.index_cast %get3A_440 : i32 to index
        %get3A_443 = arith.index_cast %add3A_425 : i32 to index
        %get3A_444 = tpu.vector_load %arg10[%get3A_441, %get3A_442, %get3A_443] {strides = array<i32>} : memref<2x2x8192xf32, #tpu.memory_space<vmem>>, vector<16xf32>,
        %gather3A_445 = tpu.vector_load_idx %arg6[%get3A_429] : memref<16384xf32, #tpu.memory_space<vmem>>[vector<16xi32>], vector<16xf32>,
        %gather3A_446 = tpu.vector_load_idx %arg7[%get3A_429] : memref<16384xf32, #tpu.memory_space<vmem>>[vector<16xi32>], vector<16xf32>,
        %gt3A_447 = arith.cmpf ogt, %add3A_438, %gather3A_445 : vector<16xf32>
        tpu.vector_store_idx %arg6[%get3A_429], %add3A_438 masked %gt3A_447 : memref<16384xf32, #tpu.memory_space<vmem>>[vector<16xi32>], vector<16xf32>, vector<16xi1>
        %gt3A_448 = arith.cmpf ogt, %get3A_444, %gather3A_446 : vector<16xf32>
        tpu.vector_store_idx %arg7[%get3A_429], %get3A_444 masked %gt3A_448 : memref<16384xf32, #tpu.memory_space<vmem>>[vector<16xi32>], vector<16xf32>, vector<16xi1>
        %gather3A_449 = tpu.vector_load_idx %arg6[%get3A_429] : memref<16384xf32, #tpu.memory_space<vmem>>[vector<16xi32>], vector<16xf32>,
        %gather3A_450 = tpu.vector_load_idx %arg7[%get3A_429] : memref<16384xf32, #tpu.memory_space<vmem>>[vector<16xi32>], vector<16xf32>,
        %gt3A_451 = arith.cmpf ogt, %add3A_438, %gather3A_449 : vector<16xf32>
        %or3A_452 = arith.ori %or3A_423, %gt3A_451 : vector<16xi1>
        %gt3A_453 = arith.cmpf ogt, %get3A_444, %gather3A_450 : vector<16xf32>
        %or3A_454 = arith.ori %or3A_452, %gt3A_453 : vector<16xi1>
        %reduce_or3A = arith.constant 1.000000e+00 : f32
        %reduce_or3A_455 = arith.constant 0.000000e+00 : f32
        %reduce_or3A_456 = vector.broadcast %reduce_or3A : f32 to vector<16xf32>
        %reduce_or3A_457 = vector.broadcast %reduce_or3A_455 : f32 to vector<16xf32>
        %reduce_or3A_458 = arith.select %or3A_454, %reduce_or3A_456, %reduce_or3A_457 : vector<16xi1>, vector<16xf32>
        %reduce_or3A_459 = arith.constant true
        %reduce_or3A_460 = vector.broadcast %reduce_or3A_459 : i1 to vector<16xi1>
        %reduce_or3A_461 = tpu.scan <max>, %reduce_or3A_458 masked %reduce_or3A_460 : vector<16xf32>, vector<16xi1> -> vector<16xf32>
        %reduce_or3A_462 = vector.extract %reduce_or3A_461[15] : f32 from vector<16xf32>
        %reduce_or3A_463 = arith.constant 0.000000e+00 : f32
        %reduce_or3A_464 = arith.cmpf ogt, %reduce_or3A_462, %reduce_or3A_463 : f32
        %convert_element_type3A_465 = arith.extui %reduce_or3A_464 : i1 to i32
        %cond3A_466 = arith.constant 0 : i32
        %cond3A_467 = arith.cmpi ne, %convert_element_type3A_465, %cond3A_466 : i32
        scf.if %cond3A_467 {
          %while3A_469 = scf.while (%while3A_470 = %or3A_454) : (vector<16xi1>) -> vector<16xi1> {
            %reduce_or3A_471 = arith.constant 1.000000e+00 : f32
            %reduce_or3A_472 = arith.constant 0.000000e+00 : f32
            %reduce_or3A_473 = vector.broadcast %reduce_or3A_471 : f32 to vector<16xf32>
            %reduce_or3A_474 = vector.broadcast %reduce_or3A_472 : f32 to vector<16xf32>
            %reduce_or3A_475 = arith.select %while3A_470, %reduce_or3A_473, %reduce_or3A_474 : vector<16xi1>, vector<16xf32>
            %reduce_or3A_476 = arith.constant true
            %reduce_or3A_477 = vector.broadcast %reduce_or3A_476 : i1 to vector<16xi1>
            %reduce_or3A_478 = tpu.scan <max>, %reduce_or3A_475 masked %reduce_or3A_477 : vector<16xf32>, vector<16xi1> -> vector<16xf32>
            %reduce_or3A_479 = vector.extract %reduce_or3A_478[15] : f32 from vector<16xf32>
            %reduce_or3A_480 = arith.constant 0.000000e+00 : f32
            %reduce_or3A_481 = arith.cmpf ogt, %reduce_or3A_479, %reduce_or3A_480 : f32
            scf.condition(%reduce_or3A_481) %while3A_470 : vector<16xi1>
          } do {
          ^bb0(%while3A_470: vector<16xi1>):
            %broadcast_in_dim3A_471 = arith.constant false
            %broadcast_in_dim3A_472 = vector.broadcast %broadcast_in_dim3A_471 : i1 to vector<16xi1>
            %add3A_473 = arith.constant 0 : i32
            %add3A_474 = arith.addi %mul3A_208, %add3A_473 : i32
            %get3A_475 = arith.constant 1 : i32
            %get3A_476 = arith.index_cast %get3A_475 : i32 to index
            %get3A_477 = arith.index_cast %add3A_474 : i32 to index
            %get3A_478 = tpu.vector_load %arg9[%get3A_476, %get3A_477] {strides = array<i32>} : memref<2x8192xi32, #tpu.memory_space<vmem>>, vector<16xi32>,
            %get3A_479 = arith.constant 1 : i32
            %get3A_480 = arith.constant 0 : i32
            %get3A_481 = arith.index_cast %get3A_479 : i32 to index
            %get3A_482 = arith.index_cast %get3A_480 : i32 to index
            %get3A_483 = arith.index_cast %add3A_474 : i32 to index
            %get3A_484 = tpu.vector_load %arg10[%get3A_481, %get3A_482, %get3A_483] {strides = array<i32>} : memref<2x2x8192xf32, #tpu.memory_space<vmem>>, vector<16xf32>,
            %add3A_485 = arith.constant 1.000000e+00 : f32
            %add3A_486 = vector.broadcast %add3A_485 : f32 to vector<16xf32>
            %add3A_487 = arith.addf %get3A_484, %add3A_486 : vector<16xf32>
            %get3A_488 = arith.constant 1 : i32
            %get3A_489 = arith.constant 1 : i32
            %get3A_490 = arith.index_cast %get3A_488 : i32 to index
            %get3A_491 = arith.index_cast %get3A_489 : i32 to index
            %get3A_492 = arith.index_cast %add3A_474 : i32 to index
            %get3A_493 = tpu.vector_load %arg10[%get3A_490, %get3A_491, %get3A_492] {strides = array<i32>} : memref<2x2x8192xf32, #tpu.memory_space<vmem>>, vector<16xf32>,
            %gather3A_494 = tpu.vector_load_idx %arg6[%get3A_478] : memref<16384xf32, #tpu.memory_space<vmem>>[vector<16xi32>], vector<16xf32>,
            %gather3A_495 = tpu.vector_load_idx %arg7[%get3A_478] : memref<16384xf32, #tpu.memory_space<vmem>>[vector<16xi32>], vector<16xf32>,
            %gt3A_496 = arith.cmpf ogt, %add3A_487, %gather3A_494 : vector<16xf32>
            tpu.vector_store_idx %arg6[%get3A_478], %add3A_487 masked %gt3A_496 : memref<16384xf32, #tpu.memory_space<vmem>>[vector<16xi32>], vector<16xf32>, vector<16xi1>
            %gt3A_497 = arith.cmpf ogt, %get3A_493, %gather3A_495 : vector<16xf32>
            tpu.vector_store_idx %arg7[%get3A_478], %get3A_493 masked %gt3A_497 : memref<16384xf32, #tpu.memory_space<vmem>>[vector<16xi32>], vector<16xf32>, vector<16xi1>
            %gather3A_498 = tpu.vector_load_idx %arg6[%get3A_478] : memref<16384xf32, #tpu.memory_space<vmem>>[vector<16xi32>], vector<16xf32>,
            %gather3A_499 = tpu.vector_load_idx %arg7[%get3A_478] : memref<16384xf32, #tpu.memory_space<vmem>>[vector<16xi32>], vector<16xf32>,
            %gt3A_500 = arith.cmpf ogt, %add3A_487, %gather3A_498 : vector<16xf32>
            %or3A_501 = arith.ori %broadcast_in_dim3A_472, %gt3A_500 : vector<16xi1>
            %gt3A_502 = arith.cmpf ogt, %get3A_493, %gather3A_499 : vector<16xf32>
            %or3A_503 = arith.ori %or3A_501, %gt3A_502 : vector<16xi1>
            %add3A_504 = arith.constant 16 : i32
            %add3A_505 = arith.addi %mul3A_208, %add3A_504 : i32
            %get3A_506 = arith.constant 1 : i32
            %get3A_507 = arith.index_cast %get3A_506 : i32 to index
            %get3A_508 = arith.index_cast %add3A_505 : i32 to index
            %get3A_509 = tpu.vector_load %arg9[%get3A_507, %get3A_508] {strides = array<i32>} : memref<2x8192xi32, #tpu.memory_space<vmem>>, vector<16xi32>,
            %get3A_510 = arith.constant 1 : i32
            %get3A_511 = arith.constant 0 : i32
            %get3A_512 = arith.index_cast %get3A_510 : i32 to index
            %get3A_513 = arith.index_cast %get3A_511 : i32 to index
            %get3A_514 = arith.index_cast %add3A_505 : i32 to index
            %get3A_515 = tpu.vector_load %arg10[%get3A_512, %get3A_513, %get3A_514] {strides = array<i32>} : memref<2x2x8192xf32, #tpu.memory_space<vmem>>, vector<16xf32>,
            %add3A_516 = arith.constant 1.000000e+00 : f32
            %add3A_517 = vector.broadcast %add3A_516 : f32 to vector<16xf32>
            %add3A_518 = arith.addf %get3A_515, %add3A_517 : vector<16xf32>
            %get3A_519 = arith.constant 1 : i32
            %get3A_520 = arith.constant 1 : i32
            %get3A_521 = arith.index_cast %get3A_519 : i32 to index
            %get3A_522 = arith.index_cast %get3A_520 : i32 to index
            %get3A_523 = arith.index_cast %add3A_505 : i32 to index
            %get3A_524 = tpu.vector_load %arg10[%get3A_521, %get3A_522, %get3A_523] {strides = array<i32>} : memref<2x2x8192xf32, #tpu.memory_space<vmem>>, vector<16xf32>,
            %gather3A_525 = tpu.vector_load_idx %arg6[%get3A_509] : memref<16384xf32, #tpu.memory_space<vmem>>[vector<16xi32>], vector<16xf32>,
            %gather3A_526 = tpu.vector_load_idx %arg7[%get3A_509] : memref<16384xf32, #tpu.memory_space<vmem>>[vector<16xi32>], vector<16xf32>,
            %gt3A_527 = arith.cmpf ogt, %add3A_518, %gather3A_525 : vector<16xf32>
            tpu.vector_store_idx %arg6[%get3A_509], %add3A_518 masked %gt3A_527 : memref<16384xf32, #tpu.memory_space<vmem>>[vector<16xi32>], vector<16xf32>, vector<16xi1>
            %gt3A_528 = arith.cmpf ogt, %get3A_524, %gather3A_526 : vector<16xf32>
            tpu.vector_store_idx %arg7[%get3A_509], %get3A_524 masked %gt3A_528 : memref<16384xf32, #tpu.memory_space<vmem>>[vector<16xi32>], vector<16xf32>, vector<16xi1>
            %gather3A_529 = tpu.vector_load_idx %arg6[%get3A_509] : memref<16384xf32, #tpu.memory_space<vmem>>[vector<16xi32>], vector<16xf32>,
            %gather3A_530 = tpu.vector_load_idx %arg7[%get3A_509] : memref<16384xf32, #tpu.memory_space<vmem>>[vector<16xi32>], vector<16xf32>,
            %gt3A_531 = arith.cmpf ogt, %add3A_518, %gather3A_529 : vector<16xf32>
            %or3A_532 = arith.ori %or3A_503, %gt3A_531 : vector<16xi1>
            %gt3A_533 = arith.cmpf ogt, %get3A_524, %gather3A_530 : vector<16xf32>
            %or3A_534 = arith.ori %or3A_532, %gt3A_533 : vector<16xi1>
            %add3A_535 = arith.constant 32 : i32
            %add3A_536 = arith.addi %mul3A_208, %add3A_535 : i32
            %get3A_537 = arith.constant 1 : i32
            %get3A_538 = arith.index_cast %get3A_537 : i32 to index
            %get3A_539 = arith.index_cast %add3A_536 : i32 to index
            %get3A_540 = tpu.vector_load %arg9[%get3A_538, %get3A_539] {strides = array<i32>} : memref<2x8192xi32, #tpu.memory_space<vmem>>, vector<16xi32>,
            %get3A_541 = arith.constant 1 : i32
            %get3A_542 = arith.constant 0 : i32
            %get3A_543 = arith.index_cast %get3A_541 : i32 to index
            %get3A_544 = arith.index_cast %get3A_542 : i32 to index
            %get3A_545 = arith.index_cast %add3A_536 : i32 to index
            %get3A_546 = tpu.vector_load %arg10[%get3A_543, %get3A_544, %get3A_545] {strides = array<i32>} : memref<2x2x8192xf32, #tpu.memory_space<vmem>>, vector<16xf32>,
            %add3A_547 = arith.constant 1.000000e+00 : f32
            %add3A_548 = vector.broadcast %add3A_547 : f32 to vector<16xf32>
            %add3A_549 = arith.addf %get3A_546, %add3A_548 : vector<16xf32>
            %get3A_550 = arith.constant 1 : i32
            %get3A_551 = arith.constant 1 : i32
            %get3A_552 = arith.index_cast %get3A_550 : i32 to index
            %get3A_553 = arith.index_cast %get3A_551 : i32 to index
            %get3A_554 = arith.index_cast %add3A_536 : i32 to index
            %get3A_555 = tpu.vector_load %arg10[%get3A_552, %get3A_553, %get3A_554] {strides = array<i32>} : memref<2x2x8192xf32, #tpu.memory_space<vmem>>, vector<16xf32>,
            %gather3A_556 = tpu.vector_load_idx %arg6[%get3A_540] : memref<16384xf32, #tpu.memory_space<vmem>>[vector<16xi32>], vector<16xf32>,
            %gather3A_557 = tpu.vector_load_idx %arg7[%get3A_540] : memref<16384xf32, #tpu.memory_space<vmem>>[vector<16xi32>], vector<16xf32>,
            %gt3A_558 = arith.cmpf ogt, %add3A_549, %gather3A_556 : vector<16xf32>
            tpu.vector_store_idx %arg6[%get3A_540], %add3A_549 masked %gt3A_558 : memref<16384xf32, #tpu.memory_space<vmem>>[vector<16xi32>], vector<16xf32>, vector<16xi1>
            %gt3A_559 = arith.cmpf ogt, %get3A_555, %gather3A_557 : vector<16xf32>
            tpu.vector_store_idx %arg7[%get3A_540], %get3A_555 masked %gt3A_559 : memref<16384xf32, #tpu.memory_space<vmem>>[vector<16xi32>], vector<16xf32>, vector<16xi1>
            %gather3A_560 = tpu.vector_load_idx %arg6[%get3A_540] : memref<16384xf32, #tpu.memory_space<vmem>>[vector<16xi32>], vector<16xf32>,
            %gather3A_561 = tpu.vector_load_idx %arg7[%get3A_540] : memref<16384xf32, #tpu.memory_space<vmem>>[vector<16xi32>], vector<16xf32>,
            %gt3A_562 = arith.cmpf ogt, %add3A_549, %gather3A_560 : vector<16xf32>
            %or3A_563 = arith.ori %or3A_534, %gt3A_562 : vector<16xi1>
            %gt3A_564 = arith.cmpf ogt, %get3A_555, %gather3A_561 : vector<16xf32>
            %or3A_565 = arith.ori %or3A_563, %gt3A_564 : vector<16xi1>
            %add3A_566 = arith.constant 48 : i32
            %add3A_567 = arith.addi %mul3A_208, %add3A_566 : i32
            %get3A_568 = arith.constant 1 : i32
            %get3A_569 = arith.index_cast %get3A_568 : i32 to index
            %get3A_570 = arith.index_cast %add3A_567 : i32 to index
            %get3A_571 = tpu.vector_load %arg9[%get3A_569, %get3A_570] {strides = array<i32>} : memref<2x8192xi32, #tpu.memory_space<vmem>>, vector<16xi32>,
            %get3A_572 = arith.constant 1 : i32
            %get3A_573 = arith.constant 0 : i32
            %get3A_574 = arith.index_cast %get3A_572 : i32 to index
            %get3A_575 = arith.index_cast %get3A_573 : i32 to index
            %get3A_576 = arith.index_cast %add3A_567 : i32 to index
            %get3A_577 = tpu.vector_load %arg10[%get3A_574, %get3A_575, %get3A_576] {strides = array<i32>} : memref<2x2x8192xf32, #tpu.memory_space<vmem>>, vector<16xf32>,
            %add3A_578 = arith.constant 1.000000e+00 : f32
            %add3A_579 = vector.broadcast %add3A_578 : f32 to vector<16xf32>
            %add3A_580 = arith.addf %get3A_577, %add3A_579 : vector<16xf32>
            %get3A_581 = arith.constant 1 : i32
            %get3A_582 = arith.constant 1 : i32
            %get3A_583 = arith.index_cast %get3A_581 : i32 to index
            %get3A_584 = arith.index_cast %get3A_582 : i32 to index
            %get3A_585 = arith.index_cast %add3A_567 : i32 to index
            %get3A_586 = tpu.vector_load %arg10[%get3A_583, %get3A_584, %get3A_585] {strides = array<i32>} : memref<2x2x8192xf32, #tpu.memory_space<vmem>>, vector<16xf32>,
            %gather3A_587 = tpu.vector_load_idx %arg6[%get3A_571] : memref<16384xf32, #tpu.memory_space<vmem>>[vector<16xi32>], vector<16xf32>,
            %gather3A_588 = tpu.vector_load_idx %arg7[%get3A_571] : memref<16384xf32, #tpu.memory_space<vmem>>[vector<16xi32>], vector<16xf32>,
            %gt3A_589 = arith.cmpf ogt, %add3A_580, %gather3A_587 : vector<16xf32>
            tpu.vector_store_idx %arg6[%get3A_571], %add3A_580 masked %gt3A_589 : memref<16384xf32, #tpu.memory_space<vmem>>[vector<16xi32>], vector<16xf32>, vector<16xi1>
            %gt3A_590 = arith.cmpf ogt, %get3A_586, %gather3A_588 : vector<16xf32>
            tpu.vector_store_idx %arg7[%get3A_571], %get3A_586 masked %gt3A_590 : memref<16384xf32, #tpu.memory_space<vmem>>[vector<16xi32>], vector<16xf32>, vector<16xi1>
            %gather3A_591 = tpu.vector_load_idx %arg6[%get3A_571] : memref<16384xf32, #tpu.memory_space<vmem>>[vector<16xi32>], vector<16xf32>,
            %gather3A_592 = tpu.vector_load_idx %arg7[%get3A_571] : memref<16384xf32, #tpu.memory_space<vmem>>[vector<16xi32>], vector<16xf32>,
            %gt3A_593 = arith.cmpf ogt, %add3A_580, %gather3A_591 : vector<16xf32>
            %or3A_594 = arith.ori %or3A_565, %gt3A_593 : vector<16xi1>
            %gt3A_595 = arith.cmpf ogt, %get3A_586, %gather3A_592 : vector<16xf32>
            %or3A_596 = arith.ori %or3A_594, %gt3A_595 : vector<16xi1>
            %add3A_597 = arith.constant 64 : i32
            %add3A_598 = arith.addi %mul3A_208, %add3A_597 : i32
            %get3A_599 = arith.constant 1 : i32
            %get3A_600 = arith.index_cast %get3A_599 : i32 to index
            %get3A_601 = arith.index_cast %add3A_598 : i32 to index
            %get3A_602 = tpu.vector_load %arg9[%get3A_600, %get3A_601] {strides = array<i32>} : memref<2x8192xi32, #tpu.memory_space<vmem>>, vector<16xi32>,
            %get3A_603 = arith.constant 1 : i32
            %get3A_604 = arith.constant 0 : i32
            %get3A_605 = arith.index_cast %get3A_603 : i32 to index
            %get3A_606 = arith.index_cast %get3A_604 : i32 to index
            %get3A_607 = arith.index_cast %add3A_598 : i32 to index
            %get3A_608 = tpu.vector_load %arg10[%get3A_605, %get3A_606, %get3A_607] {strides = array<i32>} : memref<2x2x8192xf32, #tpu.memory_space<vmem>>, vector<16xf32>,
            %add3A_609 = arith.constant 1.000000e+00 : f32
            %add3A_610 = vector.broadcast %add3A_609 : f32 to vector<16xf32>
            %add3A_611 = arith.addf %get3A_608, %add3A_610 : vector<16xf32>
            %get3A_612 = arith.constant 1 : i32
            %get3A_613 = arith.constant 1 : i32
            %get3A_614 = arith.index_cast %get3A_612 : i32 to index
            %get3A_615 = arith.index_cast %get3A_613 : i32 to index
            %get3A_616 = arith.index_cast %add3A_598 : i32 to index
            %get3A_617 = tpu.vector_load %arg10[%get3A_614, %get3A_615, %get3A_616] {strides = array<i32>} : memref<2x2x8192xf32, #tpu.memory_space<vmem>>, vector<16xf32>,
            %gather3A_618 = tpu.vector_load_idx %arg6[%get3A_602] : memref<16384xf32, #tpu.memory_space<vmem>>[vector<16xi32>], vector<16xf32>,
            %gather3A_619 = tpu.vector_load_idx %arg7[%get3A_602] : memref<16384xf32, #tpu.memory_space<vmem>>[vector<16xi32>], vector<16xf32>,
            %gt3A_620 = arith.cmpf ogt, %add3A_611, %gather3A_618 : vector<16xf32>
            tpu.vector_store_idx %arg6[%get3A_602], %add3A_611 masked %gt3A_620 : memref<16384xf32, #tpu.memory_space<vmem>>[vector<16xi32>], vector<16xf32>, vector<16xi1>
            %gt3A_621 = arith.cmpf ogt, %get3A_617, %gather3A_619 : vector<16xf32>
            tpu.vector_store_idx %arg7[%get3A_602], %get3A_617 masked %gt3A_621 : memref<16384xf32, #tpu.memory_space<vmem>>[vector<16xi32>], vector<16xf32>, vector<16xi1>
            %gather3A_622 = tpu.vector_load_idx %arg6[%get3A_602] : memref<16384xf32, #tpu.memory_space<vmem>>[vector<16xi32>], vector<16xf32>,
            %gather3A_623 = tpu.vector_load_idx %arg7[%get3A_602] : memref<16384xf32, #tpu.memory_space<vmem>>[vector<16xi32>], vector<16xf32>,
            %gt3A_624 = arith.cmpf ogt, %add3A_611, %gather3A_622 : vector<16xf32>
            %or3A_625 = arith.ori %or3A_596, %gt3A_624 : vector<16xi1>
            %gt3A_626 = arith.cmpf ogt, %get3A_617, %gather3A_623 : vector<16xf32>
            %or3A_627 = arith.ori %or3A_625, %gt3A_626 : vector<16xi1>
            %add3A_628 = arith.constant 80 : i32
            %add3A_629 = arith.addi %mul3A_208, %add3A_628 : i32
            %get3A_630 = arith.constant 1 : i32
            %get3A_631 = arith.index_cast %get3A_630 : i32 to index
            %get3A_632 = arith.index_cast %add3A_629 : i32 to index
            %get3A_633 = tpu.vector_load %arg9[%get3A_631, %get3A_632] {strides = array<i32>} : memref<2x8192xi32, #tpu.memory_space<vmem>>, vector<16xi32>,
            %get3A_634 = arith.constant 1 : i32
            %get3A_635 = arith.constant 0 : i32
            %get3A_636 = arith.index_cast %get3A_634 : i32 to index
            %get3A_637 = arith.index_cast %get3A_635 : i32 to index
            %get3A_638 = arith.index_cast %add3A_629 : i32 to index
            %get3A_639 = tpu.vector_load %arg10[%get3A_636, %get3A_637, %get3A_638] {strides = array<i32>} : memref<2x2x8192xf32, #tpu.memory_space<vmem>>, vector<16xf32>,
            %add3A_640 = arith.constant 1.000000e+00 : f32
            %add3A_641 = vector.broadcast %add3A_640 : f32 to vector<16xf32>
            %add3A_642 = arith.addf %get3A_639, %add3A_641 : vector<16xf32>
            %get3A_643 = arith.constant 1 : i32
            %get3A_644 = arith.constant 1 : i32
            %get3A_645 = arith.index_cast %get3A_643 : i32 to index
            %get3A_646 = arith.index_cast %get3A_644 : i32 to index
            %get3A_647 = arith.index_cast %add3A_629 : i32 to index
            %get3A_648 = tpu.vector_load %arg10[%get3A_645, %get3A_646, %get3A_647] {strides = array<i32>} : memref<2x2x8192xf32, #tpu.memory_space<vmem>>, vector<16xf32>,
            %gather3A_649 = tpu.vector_load_idx %arg6[%get3A_633] : memref<16384xf32, #tpu.memory_space<vmem>>[vector<16xi32>], vector<16xf32>,
            %gather3A_650 = tpu.vector_load_idx %arg7[%get3A_633] : memref<16384xf32, #tpu.memory_space<vmem>>[vector<16xi32>], vector<16xf32>,
            %gt3A_651 = arith.cmpf ogt, %add3A_642, %gather3A_649 : vector<16xf32>
            tpu.vector_store_idx %arg6[%get3A_633], %add3A_642 masked %gt3A_651 : memref<16384xf32, #tpu.memory_space<vmem>>[vector<16xi32>], vector<16xf32>, vector<16xi1>
            %gt3A_652 = arith.cmpf ogt, %get3A_648, %gather3A_650 : vector<16xf32>
            tpu.vector_store_idx %arg7[%get3A_633], %get3A_648 masked %gt3A_652 : memref<16384xf32, #tpu.memory_space<vmem>>[vector<16xi32>], vector<16xf32>, vector<16xi1>
            %gather3A_653 = tpu.vector_load_idx %arg6[%get3A_633] : memref<16384xf32, #tpu.memory_space<vmem>>[vector<16xi32>], vector<16xf32>,
            %gather3A_654 = tpu.vector_load_idx %arg7[%get3A_633] : memref<16384xf32, #tpu.memory_space<vmem>>[vector<16xi32>], vector<16xf32>,
            %gt3A_655 = arith.cmpf ogt, %add3A_642, %gather3A_653 : vector<16xf32>
            %or3A_656 = arith.ori %or3A_627, %gt3A_655 : vector<16xi1>
            %gt3A_657 = arith.cmpf ogt, %get3A_648, %gather3A_654 : vector<16xf32>
            %or3A_658 = arith.ori %or3A_656, %gt3A_657 : vector<16xi1>
            %add3A_659 = arith.constant 96 : i32
            %add3A_660 = arith.addi %mul3A_208, %add3A_659 : i32
            %get3A_661 = arith.constant 1 : i32
            %get3A_662 = arith.index_cast %get3A_661 : i32 to index
            %get3A_663 = arith.index_cast %add3A_660 : i32 to index
            %get3A_664 = tpu.vector_load %arg9[%get3A_662, %get3A_663] {strides = array<i32>} : memref<2x8192xi32, #tpu.memory_space<vmem>>, vector<16xi32>,
            %get3A_665 = arith.constant 1 : i32
            %get3A_666 = arith.constant 0 : i32
            %get3A_667 = arith.index_cast %get3A_665 : i32 to index
            %get3A_668 = arith.index_cast %get3A_666 : i32 to index
            %get3A_669 = arith.index_cast %add3A_660 : i32 to index
            %get3A_670 = tpu.vector_load %arg10[%get3A_667, %get3A_668, %get3A_669] {strides = array<i32>} : memref<2x2x8192xf32, #tpu.memory_space<vmem>>, vector<16xf32>,
            %add3A_671 = arith.constant 1.000000e+00 : f32
            %add3A_672 = vector.broadcast %add3A_671 : f32 to vector<16xf32>
            %add3A_673 = arith.addf %get3A_670, %add3A_672 : vector<16xf32>
            %get3A_674 = arith.constant 1 : i32
            %get3A_675 = arith.constant 1 : i32
            %get3A_676 = arith.index_cast %get3A_674 : i32 to index
            %get3A_677 = arith.index_cast %get3A_675 : i32 to index
            %get3A_678 = arith.index_cast %add3A_660 : i32 to index
            %get3A_679 = tpu.vector_load %arg10[%get3A_676, %get3A_677, %get3A_678] {strides = array<i32>} : memref<2x2x8192xf32, #tpu.memory_space<vmem>>, vector<16xf32>,
            %gather3A_680 = tpu.vector_load_idx %arg6[%get3A_664] : memref<16384xf32, #tpu.memory_space<vmem>>[vector<16xi32>], vector<16xf32>,
            %gather3A_681 = tpu.vector_load_idx %arg7[%get3A_664] : memref<16384xf32, #tpu.memory_space<vmem>>[vector<16xi32>], vector<16xf32>,
            %gt3A_682 = arith.cmpf ogt, %add3A_673, %gather3A_680 : vector<16xf32>
            tpu.vector_store_idx %arg6[%get3A_664], %add3A_673 masked %gt3A_682 : memref<16384xf32, #tpu.memory_space<vmem>>[vector<16xi32>], vector<16xf32>, vector<16xi1>
            %gt3A_683 = arith.cmpf ogt, %get3A_679, %gather3A_681 : vector<16xf32>
            tpu.vector_store_idx %arg7[%get3A_664], %get3A_679 masked %gt3A_683 : memref<16384xf32, #tpu.memory_space<vmem>>[vector<16xi32>], vector<16xf32>, vector<16xi1>
            %gather3A_684 = tpu.vector_load_idx %arg6[%get3A_664] : memref<16384xf32, #tpu.memory_space<vmem>>[vector<16xi32>], vector<16xf32>,
            %gather3A_685 = tpu.vector_load_idx %arg7[%get3A_664] : memref<16384xf32, #tpu.memory_space<vmem>>[vector<16xi32>], vector<16xf32>,
            %gt3A_686 = arith.cmpf ogt, %add3A_673, %gather3A_684 : vector<16xf32>
            %or3A_687 = arith.ori %or3A_658, %gt3A_686 : vector<16xi1>
            %gt3A_688 = arith.cmpf ogt, %get3A_679, %gather3A_685 : vector<16xf32>
            %or3A_689 = arith.ori %or3A_687, %gt3A_688 : vector<16xi1>
            %add3A_690 = arith.constant 112 : i32
            %add3A_691 = arith.addi %mul3A_208, %add3A_690 : i32
            %get3A_692 = arith.constant 1 : i32
            %get3A_693 = arith.index_cast %get3A_692 : i32 to index
            %get3A_694 = arith.index_cast %add3A_691 : i32 to index
            %get3A_695 = tpu.vector_load %arg9[%get3A_693, %get3A_694] {strides = array<i32>} : memref<2x8192xi32, #tpu.memory_space<vmem>>, vector<16xi32>,
            %get3A_696 = arith.constant 1 : i32
            %get3A_697 = arith.constant 0 : i32
            %get3A_698 = arith.index_cast %get3A_696 : i32 to index
            %get3A_699 = arith.index_cast %get3A_697 : i32 to index
            %get3A_700 = arith.index_cast %add3A_691 : i32 to index
            %get3A_701 = tpu.vector_load %arg10[%get3A_698, %get3A_699, %get3A_700] {strides = array<i32>} : memref<2x2x8192xf32, #tpu.memory_space<vmem>>, vector<16xf32>,
            %add3A_702 = arith.constant 1.000000e+00 : f32
            %add3A_703 = vector.broadcast %add3A_702 : f32 to vector<16xf32>
            %add3A_704 = arith.addf %get3A_701, %add3A_703 : vector<16xf32>
            %get3A_705 = arith.constant 1 : i32
            %get3A_706 = arith.constant 1 : i32
            %get3A_707 = arith.index_cast %get3A_705 : i32 to index
            %get3A_708 = arith.index_cast %get3A_706 : i32 to index
            %get3A_709 = arith.index_cast %add3A_691 : i32 to index
            %get3A_710 = tpu.vector_load %arg10[%get3A_707, %get3A_708, %get3A_709] {strides = array<i32>} : memref<2x2x8192xf32, #tpu.memory_space<vmem>>, vector<16xf32>,
            %gather3A_711 = tpu.vector_load_idx %arg6[%get3A_695] : memref<16384xf32, #tpu.memory_space<vmem>>[vector<16xi32>], vector<16xf32>,
            %gather3A_712 = tpu.vector_load_idx %arg7[%get3A_695] : memref<16384xf32, #tpu.memory_space<vmem>>[vector<16xi32>], vector<16xf32>,
            %gt3A_713 = arith.cmpf ogt, %add3A_704, %gather3A_711 : vector<16xf32>
            tpu.vector_store_idx %arg6[%get3A_695], %add3A_704 masked %gt3A_713 : memref<16384xf32, #tpu.memory_space<vmem>>[vector<16xi32>], vector<16xf32>, vector<16xi1>
            %gt3A_714 = arith.cmpf ogt, %get3A_710, %gather3A_712 : vector<16xf32>
            tpu.vector_store_idx %arg7[%get3A_695], %get3A_710 masked %gt3A_714 : memref<16384xf32, #tpu.memory_space<vmem>>[vector<16xi32>], vector<16xf32>, vector<16xi1>
            %gather3A_715 = tpu.vector_load_idx %arg6[%get3A_695] : memref<16384xf32, #tpu.memory_space<vmem>>[vector<16xi32>], vector<16xf32>,
            %gather3A_716 = tpu.vector_load_idx %arg7[%get3A_695] : memref<16384xf32, #tpu.memory_space<vmem>>[vector<16xi32>], vector<16xf32>,
            %gt3A_717 = arith.cmpf ogt, %add3A_704, %gather3A_715 : vector<16xf32>
            %or3A_718 = arith.ori %or3A_689, %gt3A_717 : vector<16xi1>
            %gt3A_719 = arith.cmpf ogt, %get3A_710, %gather3A_716 : vector<16xf32>
            %or3A_720 = arith.ori %or3A_718, %gt3A_719 : vector<16xi1>
            scf.yield %or3A_720 : vector<16xi1>
          }
        } else {
        }
        %scan3A_468 = arith.constant 0 : i32
        scf.yield %scan3A_468 : i32
      }
      %scan3A_194 = arith.constant 64 : i32
      %add3A_195 = arith.constant 1 : i32
      %add3A_196 = arith.addi %mul3A_113, %add3A_195 : i32
      %add3A_197 = arith.constant 2 : i32
      %add3A_198 = arith.addi %add3A_196, %add3A_197 : i32
      %lt3A_199 = arith.constant 32 : i32
      %lt3A_200 = arith.cmpi slt, %add3A_198, %lt3A_199 : i32
      %convert_element_type3A_201 = arith.extui %lt3A_200 : i1 to i32
      %cond3A_202 = arith.constant 0 : i32
      %cond3A_203 = arith.cmpi ne, %convert_element_type3A_201, %cond3A_202 : i32
      scf.if %cond3A_203 {
        %add3A_205 = arith.constant 1 : i32
        %add3A_206 = arith.addi %mul3A_113, %add3A_205 : i32
        %add3A_207 = arith.constant 2 : i32
        %add3A_208 = arith.addi %add3A_206, %add3A_207 : i32
        %mul3A_209 = arith.constant 8192 : i32
        %mul3A_210 = arith.muli %add3A_208, %mul3A_209 : i32
        %dma_start3A_211 = arith.constant 1 : i32
        %dma_start3A_212 = arith.constant 0 : i32
        %dma_start3A_213 = tpu.memref_slice %arg9[%dma_start3A_211, %dma_start3A_212] : memref<2x8192xi32, #tpu.memory_space<vmem>> -> memref<1x8192xi32, #tpu.memory_space<vmem>>
        %dma_start3A_214 = tpu.memref_squeeze %dma_start3A_213 : memref<1x8192xi32, #tpu.memory_space<vmem>> -> memref<8192xi32, #tpu.memory_space<vmem>>
        %dma_start3A_215 = tpu.memref_slice %arg3[%mul3A_210] : memref<262144xi32, #tpu.memory_space<hbm>> -> memref<8192xi32, #tpu.memory_space<hbm>>
        %dma_start3A_216 = arith.constant 0 : i32
        %dma_start3A_217 = tpu.memref_slice %arg9[%dma_start3A_211, %dma_start3A_216] : memref<2x8192xi32, #tpu.memory_space<vmem>> -> memref<1x8192xi32, #tpu.memory_space<vmem>>
        %dma_start3A_218 = tpu.memref_squeeze %dma_start3A_217 : memref<1x8192xi32, #tpu.memory_space<vmem>> -> memref<8192xi32, #tpu.memory_space<vmem>>
        %dma_start3A_219 = tpu.memref_slice %arg3[%mul3A_210] : memref<262144xi32, #tpu.memory_space<hbm>> -> memref<8192xi32, #tpu.memory_space<hbm>>
        tpu.enqueue_dma source(%dma_start3A_219 : memref<8192xi32, #tpu.memory_space<hbm>>) target(%dma_start3A_218 : memref<8192xi32, #tpu.memory_space<vmem>>) target_semaphore(%arg12 : memref<!tpu.dma_semaphore, #tpu.memory_space<semaphore_mem>>)
        %mul3A_220 = arith.constant 2 : i32
        %mul3A_221 = arith.muli %add3A, %mul3A_220 : i32
        %mul3A_222 = arith.constant 8192 : i32
        %mul3A_223 = arith.muli %add3A_208, %mul3A_222 : i32
        %dma_start3A_224 = arith.constant 1 : i32
        %dma_start3A_225 = arith.constant 0 : i32
        %dma_start3A_226 = arith.constant 0 : i32
        %dma_start3A_227 = tpu.memref_slice %arg10[%dma_start3A_224, %dma_start3A_225, %dma_start3A_226] : memref<2x2x8192xf32, #tpu.memory_space<vmem>> -> memref<1x2x8192xf32, #tpu.memory_space<vmem>>
        %dma_start3A_228 = tpu.memref_squeeze %dma_start3A_227 : memref<1x2x8192xf32, #tpu.memory_space<vmem>> -> memref<2x8192xf32, #tpu.memory_space<vmem>>
        %dma_start3A_229 = tpu.memref_slice %arg2[%mul3A_221, %mul3A_223] : memref<64x262144xf32, #tpu.memory_space<hbm>> -> memref<2x8192xf32, #tpu.memory_space<hbm>>
        %dma_start3A_230 = arith.constant 0 : i32
        %dma_start3A_231 = arith.constant 0 : i32
        %dma_start3A_232 = tpu.memref_slice %arg10[%dma_start3A_224, %dma_start3A_230, %dma_start3A_231] : memref<2x2x8192xf32, #tpu.memory_space<vmem>> -> memref<1x2x8192xf32, #tpu.memory_space<vmem>>
        %dma_start3A_233 = tpu.memref_squeeze %dma_start3A_232 : memref<1x2x8192xf32, #tpu.memory_space<vmem>> -> memref<2x8192xf32, #tpu.memory_space<vmem>>
        %dma_start3A_234 = tpu.memref_slice %arg2[%mul3A_221, %mul3A_223] : memref<64x262144xf32, #tpu.memory_space<hbm>> -> memref<2x8192xf32, #tpu.memory_space<hbm>>
        tpu.enqueue_dma source(%dma_start3A_234 : memref<2x8192xf32, #tpu.memory_space<hbm>>) target(%dma_start3A_233 : memref<2x8192xf32, #tpu.memory_space<vmem>>) target_semaphore(%arg14 : memref<!tpu.dma_semaphore, #tpu.memory_space<semaphore_mem>>)
      } else {
      }
      %scan3A_204 = arith.constant 0 : i32
      scf.yield %scan3A_204 : i32
    }
    %scan3A_67 = arith.constant 16 : i32
    %scan3A_68 = arith.constant 0 : i32
    %scan3A_69 = arith.constant 0 : i32
    %scan3A_70 = arith.constant 1024 : i32
    %scan3A_71 = arith.addi %scan3A_69, %scan3A_70 : i32
    %scan3A_72 = arith.constant 1 : i32
    %scan3A_73 = scf.for %scan3A_110 = %scan3A_69 to %scan3A_71 step %scan3A_72 iter_args(%scan3A_111 = %scan3A_68) -> (i32)  : i32 {
      %mul3A_112 = arith.constant 16 : i32
      %mul3A_113 = arith.muli %scan3A_110, %mul3A_112 : i32
      %get3A = arith.index_cast %mul3A_113 : i32 to index
      %get3A_114 = tpu.vector_load %arg6[%get3A] {strides = array<i32>} : memref<16384xf32, #tpu.memory_space<vmem>>, vector<16xf32>,
      %gt3A = arith.constant 0.000000e+00 : f32
      %gt3A_115 = vector.broadcast %gt3A : f32 to vector<16xf32>
      %gt3A_116 = arith.cmpf ogt, %get3A_114, %gt3A_115 : vector<16xf32>
      %jit3A_117 = arith.constant 1 : i32
      %jit3A_118 = arith.constant 0 : i32
      %broadcast_in_dim3A_119 = vector.broadcast %jit3A_117 : i32 to vector<16xi32>
      %broadcast_in_dim3A_120 = vector.broadcast %jit3A_118 : i32 to vector<16xi32>
      %select_n3A_121 = arith.select %gt3A_116, %broadcast_in_dim3A_119, %broadcast_in_dim3A_120 : vector<16xi1>, vector<16xi32>
      %broadcast_in_dim3A_122 = arith.constant true
      %broadcast_in_dim3A_123 = vector.broadcast %broadcast_in_dim3A_122 : i1 to vector<16xi1>
      %masked_cumsum3A = tpu.scan <sum>, %select_n3A_121 masked %broadcast_in_dim3A_123 : vector<16xi32>, vector<16xi1> -> vector<16xi32>
      %sub3A_124 = arith.constant 1 : i32
      %sub3A_125 = arith.subi %scan3A_111, %sub3A_124 : i32
      %add3A_126 = vector.broadcast %sub3A_125 : i32 to vector<16xi32>
      %add3A_127 = arith.addi %masked_cumsum3A, %add3A_126 : vector<16xi32>
      %sub3A_128 = arith.constant 1.000000e+00 : f32
      %sub3A_129 = vector.broadcast %sub3A_128 : f32 to vector<16xf32>
      %sub3A_130 = arith.subf %get3A_114, %sub3A_129 : vector<16xf32>
      tpu.vector_store_idx %arg6[%add3A_127], %sub3A_130 masked %gt3A_116 : memref<16384xf32, #tpu.memory_space<vmem>>[vector<16xi32>], vector<16xf32>, vector<16xi1>
      %get3A_131 = arith.index_cast %mul3A_113 : i32 to index
      %get3A_132 = tpu.vector_load %arg7[%get3A_131] {strides = array<i32>} : memref<16384xf32, #tpu.memory_space<vmem>>, vector<16xf32>,
      tpu.vector_store_idx %arg7[%add3A_127], %get3A_132 masked %gt3A_116 : memref<16384xf32, #tpu.memory_space<vmem>>[vector<16xi32>], vector<16xf32>, vector<16xi1>
      %add3A_133 = vector.broadcast %mul3A_113 : i32 to vector<16xi32>
      %add3A_134 = arith.addi %iota3A, %add3A_133 : vector<16xi32>
      tpu.vector_store_idx %arg8[%add3A_127], %add3A_134 masked %gt3A_116 : memref<16384xi32, #tpu.memory_space<vmem>>[vector<16xi32>], vector<16xi32>, vector<16xi1>
      %reduce_sum3A = arith.constant true
      %reduce_sum3A_135 = vector.broadcast %reduce_sum3A : i1 to vector<16xi1>
      %reduce_sum3A_136 = tpu.scan <sum>, %select_n3A_121 masked %reduce_sum3A_135 : vector<16xi32>, vector<16xi1> -> vector<16xi32>
      %reduce_sum3A_137 = vector.extract %reduce_sum3A_136[15] : i32 from vector<16xi32>
      %add3A_138 = arith.addi %scan3A_111, %reduce_sum3A_137 : i32
      scf.yield %add3A_138 : i32
    }
    %scan3A_74 = arith.constant 1024 : i32
    %jit3A = arith.constant 16 : i32
    %div3A = arith.divsi %scan3A_73, %jit3A : i32
    %sign3A = arith.constant 0 : i32
    %sign3A_75 = arith.cmpi sgt, %scan3A_73, %sign3A : i32
    %sign3A_76 = arith.extui %sign3A_75 : i1 to i32
    %sign3A_77 = arith.constant 0 : i32
    %sign3A_78 = arith.cmpi slt, %scan3A_73, %sign3A_77 : i32
    %sign3A_79 = arith.extui %sign3A_78 : i1 to i32
    %sign3A_80 = arith.subi %sign3A_76, %sign3A_79 : i32
    %sign3A_81 = arith.constant 0 : i32
    %sign3A_82 = arith.cmpi sgt, %jit3A, %sign3A_81 : i32
    %sign3A_83 = arith.extui %sign3A_82 : i1 to i32
    %sign3A_84 = arith.constant 0 : i32
    %sign3A_85 = arith.cmpi slt, %jit3A, %sign3A_84 : i32
    %sign3A_86 = arith.extui %sign3A_85 : i1 to i32
    %sign3A_87 = arith.subi %sign3A_83, %sign3A_86 : i32
    %ne3A = arith.cmpi ne, %sign3A_80, %sign3A_87 : i32
    %rem3A = arith.remsi %scan3A_73, %jit3A : i32
    %ne3A_88 = arith.constant 0 : i32
    %ne3A_89 = arith.cmpi ne, %rem3A, %ne3A_88 : i32
    %and3A = arith.andi %ne3A, %ne3A_89 : i1
    %sub3A = arith.constant 1 : i32
    %sub3A_90 = arith.subi %div3A, %sub3A : i32
    %select_n3A = arith.select %and3A, %sub3A_90, %div3A : i32
    %while3A = arith.constant 1024 : i32
    %while3A_91 = arith.constant 0 : i32
    %while3A_92 = arith.subi %while3A, %select_n3A : i32
    %while3A_93 = arith.addi %select_n3A, %while3A_92 : i32
    %while3A_94 = arith.constant 1 : i32
    %while3A_95 = arith.divsi %while3A_92, %while3A_94 : i32
    %while3A_96 = arith.muli %while3A_95, %while3A_94 : i32
    %while3A_97 = arith.addi %select_n3A, %while3A_96 : i32
    %while3A_98 = arith.constant 1 : i32
    %while3A_99 = scf.for %while3A_110 = %select_n3A to %while3A_97 step %while3A_98 iter_args(%while3A_111 = %while3A_91) -> (i32)  : i32 {
      %mul3A_112 = arith.constant 16 : i32
      %mul3A_113 = arith.muli %while3A_110, %mul3A_112 : i32
      %add3A_114 = vector.broadcast %mul3A_113 : i32 to vector<16xi32>
      %add3A_115 = arith.addi %iota3A, %add3A_114 : vector<16xi32>
      %lt3A = vector.broadcast %scan3A_73 : i32 to vector<16xi32>
      %lt3A_116 = arith.cmpi slt, %add3A_115, %lt3A : vector<16xi32>
      %get3A = arith.index_cast %mul3A_113 : i32 to index
      %get3A_117 = tpu.vector_load %arg6[%get3A] {strides = array<i32>} : memref<16384xf32, #tpu.memory_space<vmem>>, vector<16xf32>,
      %jit3A_118 = arith.constant 0.000000e+00 : f32
      %broadcast_in_dim3A_119 = vector.broadcast %jit3A_118 : f32 to vector<16xf32>
      %select_n3A_120 = arith.select %lt3A_116, %get3A_117, %broadcast_in_dim3A_119 : vector<16xi1>, vector<16xf32>
      %swap3A = arith.index_cast %mul3A_113 : i32 to index
      %swap3A_121 = tpu.vector_load %arg6[%swap3A] {strides = array<i32>} : memref<16384xf32, #tpu.memory_space<vmem>>, vector<16xf32>,
      tpu.vector_store %arg6[%swap3A], %select_n3A_120 {strides = array<i32>} : memref<16384xf32, #tpu.memory_space<vmem>>, vector<16xf32>,
      %get3A_122 = arith.index_cast %mul3A_113 : i32 to index
      %get3A_123 = tpu.vector_load %arg7[%get3A_122] {strides = array<i32>} : memref<16384xf32, #tpu.memory_space<vmem>>, vector<16xf32>,
      %jit3A_124 = arith.constant 0.000000e+00 : f32
      %broadcast_in_dim3A_125 = vector.broadcast %jit3A_124 : f32 to vector<16xf32>
      %select_n3A_126 = arith.select %lt3A_116, %get3A_123, %broadcast_in_dim3A_125 : vector<16xi1>, vector<16xf32>
      %swap3A_127 = arith.index_cast %mul3A_113 : i32 to index
      %swap3A_128 = tpu.vector_load %arg7[%swap3A_127] {strides = array<i32>} : memref<16384xf32, #tpu.memory_space<vmem>>, vector<16xf32>,
      tpu.vector_store %arg7[%swap3A_127], %select_n3A_126 {strides = array<i32>} : memref<16384xf32, #tpu.memory_space<vmem>>, vector<16xf32>,
      %get3A_129 = arith.index_cast %mul3A_113 : i32 to index
      %get3A_130 = tpu.vector_load %arg8[%get3A_129] {strides = array<i32>} : memref<16384xi32, #tpu.memory_space<vmem>>, vector<16xi32>,
      %jit3A_131 = arith.constant 0 : i32
      %broadcast_in_dim3A_132 = vector.broadcast %jit3A_131 : i32 to vector<16xi32>
      %select_n3A_133 = arith.select %lt3A_116, %get3A_130, %broadcast_in_dim3A_132 : vector<16xi1>, vector<16xi32>
      %swap3A_134 = arith.index_cast %mul3A_113 : i32 to index
      %swap3A_135 = tpu.vector_load %arg8[%swap3A_134] {strides = array<i32>} : memref<16384xi32, #tpu.memory_space<vmem>>, vector<16xi32>,
      tpu.vector_store %arg8[%swap3A_134], %select_n3A_133 {strides = array<i32>} : memref<16384xi32, #tpu.memory_space<vmem>>, vector<16xi32>,
      %while3A_136 = arith.constant 0 : i32
      scf.yield %while3A_136 : i32
    }
    %while3A_100 = arith.constant 1 : i32
    %while3A_101 = scf.for %while3A_110 = %while3A_97 to %while3A_93 step %while3A_100 iter_args(%while3A_111 = %while3A_99) -> (i32)  : i32 {
      %mul3A_112 = arith.constant 16 : i32
      %mul3A_113 = arith.muli %while3A_110, %mul3A_112 : i32
      %add3A_114 = vector.broadcast %mul3A_113 : i32 to vector<16xi32>
      %add3A_115 = arith.addi %iota3A, %add3A_114 : vector<16xi32>
      %lt3A = vector.broadcast %scan3A_73 : i32 to vector<16xi32>
      %lt3A_116 = arith.cmpi slt, %add3A_115, %lt3A : vector<16xi32>
      %get3A = arith.index_cast %mul3A_113 : i32 to index
      %get3A_117 = tpu.vector_load %arg6[%get3A] {strides = array<i32>} : memref<16384xf32, #tpu.memory_space<vmem>>, vector<16xf32>,
      %jit3A_118 = arith.constant 0.000000e+00 : f32
      %broadcast_in_dim3A_119 = vector.broadcast %jit3A_118 : f32 to vector<16xf32>
      %select_n3A_120 = arith.select %lt3A_116, %get3A_117, %broadcast_in_dim3A_119 : vector<16xi1>, vector<16xf32>
      %swap3A = arith.index_cast %mul3A_113 : i32 to index
      %swap3A_121 = tpu.vector_load %arg6[%swap3A] {strides = array<i32>} : memref<16384xf32, #tpu.memory_space<vmem>>, vector<16xf32>,
      tpu.vector_store %arg6[%swap3A], %select_n3A_120 {strides = array<i32>} : memref<16384xf32, #tpu.memory_space<vmem>>, vector<16xf32>,
      %get3A_122 = arith.index_cast %mul3A_113 : i32 to index
      %get3A_123 = tpu.vector_load %arg7[%get3A_122] {strides = array<i32>} : memref<16384xf32, #tpu.memory_space<vmem>>, vector<16xf32>,
      %jit3A_124 = arith.constant 0.000000e+00 : f32
      %broadcast_in_dim3A_125 = vector.broadcast %jit3A_124 : f32 to vector<16xf32>
      %select_n3A_126 = arith.select %lt3A_116, %get3A_123, %broadcast_in_dim3A_125 : vector<16xi1>, vector<16xf32>
      %swap3A_127 = arith.index_cast %mul3A_113 : i32 to index
      %swap3A_128 = tpu.vector_load %arg7[%swap3A_127] {strides = array<i32>} : memref<16384xf32, #tpu.memory_space<vmem>>, vector<16xf32>,
      tpu.vector_store %arg7[%swap3A_127], %select_n3A_126 {strides = array<i32>} : memref<16384xf32, #tpu.memory_space<vmem>>, vector<16xf32>,
      %get3A_129 = arith.index_cast %mul3A_113 : i32 to index
      %get3A_130 = tpu.vector_load %arg8[%get3A_129] {strides = array<i32>} : memref<16384xi32, #tpu.memory_space<vmem>>, vector<16xi32>,
      %jit3A_131 = arith.constant 0 : i32
      %broadcast_in_dim3A_132 = vector.broadcast %jit3A_131 : i32 to vector<16xi32>
      %select_n3A_133 = arith.select %lt3A_116, %get3A_130, %broadcast_in_dim3A_132 : vector<16xi1>, vector<16xi32>
      %swap3A_134 = arith.index_cast %mul3A_113 : i32 to index
      %swap3A_135 = tpu.vector_load %arg8[%swap3A_134] {strides = array<i32>} : memref<16384xi32, #tpu.memory_space<vmem>>, vector<16xi32>,
      tpu.vector_store %arg8[%swap3A_134], %select_n3A_133 {strides = array<i32>} : memref<16384xi32, #tpu.memory_space<vmem>>, vector<16xi32>,
      %while3A_136 = arith.constant 0 : i32
      scf.yield %while3A_136 : i32
    }
    %mul3A_102 = arith.constant 2 : i32
    %mul3A_103 = arith.muli %add3A, %mul3A_102 : i32
    "tpu.region"() ({
      %run_scoped3A = tpu.sem_alloc : memref<!tpu.dma_semaphore, #tpu.memory_space<semaphore_mem>>
      %dma_start3A_110 = arith.constant 0 : i32
      %dma_start3A_111 = tpu.memref_slice %arg4[%mul3A_103, %dma_start3A_110] : memref<64x16384xf32, #tpu.memory_space<hbm>> -> memref<1x16384xf32, #tpu.memory_space<hbm>>
      %dma_start3A_112 = tpu.memref_squeeze %dma_start3A_111 : memref<1x16384xf32, #tpu.memory_space<hbm>> -> memref<16384xf32, #tpu.memory_space<hbm>>
      %dma_start3A_113 = arith.constant 0 : i32
      %dma_start3A_114 = tpu.memref_slice %arg4[%mul3A_103, %dma_start3A_113] : memref<64x16384xf32, #tpu.memory_space<hbm>> -> memref<1x16384xf32, #tpu.memory_space<hbm>>
      %dma_start3A_115 = tpu.memref_squeeze %dma_start3A_114 : memref<1x16384xf32, #tpu.memory_space<hbm>> -> memref<16384xf32, #tpu.memory_space<hbm>>
      tpu.enqueue_dma source(%arg6 : memref<16384xf32, #tpu.memory_space<vmem>>) target(%dma_start3A_115 : memref<16384xf32, #tpu.memory_space<hbm>>) target_semaphore(%run_scoped3A : memref<!tpu.dma_semaphore, #tpu.memory_space<semaphore_mem>>)
      %dma_wait3A = arith.constant 0 : i32
      %dma_wait3A_116 = tpu.memref_slice %arg4[%mul3A_103, %dma_wait3A] : memref<64x16384xf32, #tpu.memory_space<hbm>> -> memref<1x16384xf32, #tpu.memory_space<hbm>>
      %dma_wait3A_117 = tpu.memref_squeeze %dma_wait3A_116 : memref<1x16384xf32, #tpu.memory_space<hbm>> -> memref<16384xf32, #tpu.memory_space<hbm>>
      %dma_wait3A_118 = arith.constant 0 : i32
      %dma_wait3A_119 = tpu.memref_slice %arg4[%mul3A_103, %dma_wait3A_118] : memref<64x16384xf32, #tpu.memory_space<hbm>> -> memref<1x16384xf32, #tpu.memory_space<hbm>>
      %dma_wait3A_120 = tpu.memref_squeeze %dma_wait3A_119 : memref<1x16384xf32, #tpu.memory_space<hbm>> -> memref<16384xf32, #tpu.memory_space<hbm>>
      tpu.wait_dma2 semaphore(%run_scoped3A : memref<!tpu.dma_semaphore, #tpu.memory_space<semaphore_mem>>) src(%arg6 : memref<16384xf32, #tpu.memory_space<vmem>>) dst(%dma_wait3A_120 : memref<16384xf32, #tpu.memory_space<hbm>>)
      tpu.yield
    }) : () -> ()
    %mul3A_104 = arith.constant 2 : i32
    %mul3A_105 = arith.muli %add3A, %mul3A_104 : i32
    %add3A_106 = arith.constant 1 : i32
    %add3A_107 = arith.addi %mul3A_105, %add3A_106 : i32
    "tpu.region"() ({
      %run_scoped3A = tpu.sem_alloc : memref<!tpu.dma_semaphore, #tpu.memory_space<semaphore_mem>>
      %dma_start3A_110 = arith.constant 0 : i32
      %dma_start3A_111 = tpu.memref_slice %arg4[%add3A_107, %dma_start3A_110] : memref<64x16384xf32, #tpu.memory_space<hbm>> -> memref<1x16384xf32, #tpu.memory_space<hbm>>
      %dma_start3A_112 = tpu.memref_squeeze %dma_start3A_111 : memref<1x16384xf32, #tpu.memory_space<hbm>> -> memref<16384xf32, #tpu.memory_space<hbm>>
      %dma_start3A_113 = arith.constant 0 : i32
      %dma_start3A_114 = tpu.memref_slice %arg4[%add3A_107, %dma_start3A_113] : memref<64x16384xf32, #tpu.memory_space<hbm>> -> memref<1x16384xf32, #tpu.memory_space<hbm>>
      %dma_start3A_115 = tpu.memref_squeeze %dma_start3A_114 : memref<1x16384xf32, #tpu.memory_space<hbm>> -> memref<16384xf32, #tpu.memory_space<hbm>>
      tpu.enqueue_dma source(%arg7 : memref<16384xf32, #tpu.memory_space<vmem>>) target(%dma_start3A_115 : memref<16384xf32, #tpu.memory_space<hbm>>) target_semaphore(%run_scoped3A : memref<!tpu.dma_semaphore, #tpu.memory_space<semaphore_mem>>)
      %dma_wait3A = arith.constant 0 : i32
      %dma_wait3A_116 = tpu.memref_slice %arg4[%add3A_107, %dma_wait3A] : memref<64x16384xf32, #tpu.memory_space<hbm>> -> memref<1x16384xf32, #tpu.memory_space<hbm>>
      %dma_wait3A_117 = tpu.memref_squeeze %dma_wait3A_116 : memref<1x16384xf32, #tpu.memory_space<hbm>> -> memref<16384xf32, #tpu.memory_space<hbm>>
      %dma_wait3A_118 = arith.constant 0 : i32
      %dma_wait3A_119 = tpu.memref_slice %arg4[%add3A_107, %dma_wait3A_118] : memref<64x16384xf32, #tpu.memory_space<hbm>> -> memref<1x16384xf32, #tpu.memory_space<hbm>>
      %dma_wait3A_120 = tpu.memref_squeeze %dma_wait3A_119 : memref<1x16384xf32, #tpu.memory_space<hbm>> -> memref<16384xf32, #tpu.memory_space<hbm>>
      tpu.wait_dma2 semaphore(%run_scoped3A : memref<!tpu.dma_semaphore, #tpu.memory_space<semaphore_mem>>) src(%arg7 : memref<16384xf32, #tpu.memory_space<vmem>>) dst(%dma_wait3A_120 : memref<16384xf32, #tpu.memory_space<hbm>>)
      tpu.yield
    }) : () -> ()
    %eq3A = arith.constant 0 : i32
    %eq3A_108 = arith.cmpi eq, %add3A, %eq3A : i32
    %convert_element_type3A = arith.extui %eq3A_108 : i1 to i32
    %cond3A = arith.constant 0 : i32
    %cond3A_109 = arith.cmpi ne, %convert_element_type3A, %cond3A : i32
    scf.if %cond3A_109 {
      "tpu.region"() ({
        %run_scoped3A = tpu.sem_alloc : memref<!tpu.dma_semaphore, #tpu.memory_space<semaphore_mem>>
        tpu.enqueue_dma source(%arg8 : memref<16384xi32, #tpu.memory_space<vmem>>) target(%arg5 : memref<16384xi32, #tpu.memory_space<hbm>>) target_semaphore(%run_scoped3A : memref<!tpu.dma_semaphore, #tpu.memory_space<semaphore_mem>>)
        tpu.wait_dma2 semaphore(%run_scoped3A : memref<!tpu.dma_semaphore, #tpu.memory_space<semaphore_mem>>) src(%arg8 : memref<16384xi32, #tpu.memory_space<vmem>>) dst(%arg5 : memref<16384xi32, #tpu.memory_space<hbm>>)
        tpu.yield
      }) : () -> ()
    } else {
    }
    return
  }
}

module attributes {stable_mosaic.version = 14 : i64} {
  func.func @_hidden_body(%arg0: i32, %arg1: memref<4096x61xf32, #tpu.memory_space<vmem>>, %arg2: memref<4096x3xf32, #tpu.memory_space<vmem>>, %arg3: memref<61x64xf32, #tpu.memory_space<vmem>>, %arg4: memref<3x64xf32, #tpu.memory_space<vmem>>, %arg5: memref<1x64xf32, #tpu.memory_space<vmem>>, %arg6: memref<1x64xf32, #tpu.memory_space<vmem>>, %arg7: memref<1x64xf32, #tpu.memory_space<vmem>>, %arg8: memref<64x64xf32, #tpu.memory_space<vmem>>, %arg9: memref<1x64xf32, #tpu.memory_space<vmem>>, %arg10: memref<1x64xf32, #tpu.memory_space<vmem>>, %arg11: memref<1x64xf32, #tpu.memory_space<vmem>>, %arg12: memref<64x4096xf32, #tpu.memory_space<vmem>>) attributes {dimension_semantics = [#tpu.dimension_semantics<arbitrary>], iteration_bounds = array<i64: 64>, scalar_prefetch = 0 : i64, scratch_operands = 0 : i64, tpu.core_type = #tpu.core_type<tc>, window_params = [{transform_indices = @transform_0, window_bounds = array<i64: 4096, 61>}, {transform_indices = @transform_1, window_bounds = array<i64: 4096, 3>}, {pipeline_mode = #tpu.pipeline_mode<synchronous>, transform_indices = @transform_2, window_bounds = array<i64: 61, 64>}, {pipeline_mode = #tpu.pipeline_mode<synchronous>, transform_indices = @transform_3, window_bounds = array<i64: 3, 64>}, {pipeline_mode = #tpu.pipeline_mode<synchronous>, transform_indices = @transform_4, window_bounds = array<i64: 1, 64>}, {pipeline_mode = #tpu.pipeline_mode<synchronous>, transform_indices = @transform_5, window_bounds = array<i64: 1, 64>}, {pipeline_mode = #tpu.pipeline_mode<synchronous>, transform_indices = @transform_6, window_bounds = array<i64: 1, 64>}, {pipeline_mode = #tpu.pipeline_mode<synchronous>, transform_indices = @transform_7, window_bounds = array<i64: 64, 64>}, {pipeline_mode = #tpu.pipeline_mode<synchronous>, transform_indices = @transform_8, window_bounds = array<i64: 1, 64>}, {pipeline_mode = #tpu.pipeline_mode<synchronous>, transform_indices = @transform_9, window_bounds = array<i64: 1, 64>}, {pipeline_mode = #tpu.pipeline_mode<synchronous>, transform_indices = @transform_10, window_bounds = array<i64: 1, 64>}, {transform_indices = @transform_11, window_bounds = array<i64: 64, 4096>}]} {
    %get3A = arith.constant 0 : index
    %get3A_0 = arith.constant 0 : index
    %get3A_1 = vector.load %arg1[%get3A, %get3A_0] : memref<4096x61xf32, #tpu.memory_space<vmem>>, vector<4096x61xf32>
    %get3A_2 = arith.constant 0 : index
    %get3A_3 = arith.constant 0 : index
    %get3A_4 = vector.load %arg3[%get3A_2, %get3A_3] : memref<61x64xf32, #tpu.memory_space<vmem>>, vector<61x64xf32>
    %dot_general3A = arith.constant dense<0.000000e+00> : vector<4096x64xf32>
    %dot_general3A_5 = tpu.matmul %get3A_1, %get3A_4, %dot_general3A {dimension_numbers = #tpu.dot_dimension_numbers<[1], [0], [0], [1], [0, 0, 1, 1], [], []>, transpose_lhs_hint = false} : vector<4096x61xf32>, vector<61x64xf32>, vector<4096x64xf32> -> vector<4096x64xf32>
    %get3A_6 = arith.constant 0 : index
    %get3A_7 = arith.constant 0 : index
    %get3A_8 = vector.load %arg2[%get3A_6, %get3A_7] : memref<4096x3xf32, #tpu.memory_space<vmem>>, vector<4096x3xf32>
    %get3A_9 = arith.constant 0 : index
    %get3A_10 = arith.constant 0 : index
    %get3A_11 = vector.load %arg4[%get3A_9, %get3A_10] : memref<3x64xf32, #tpu.memory_space<vmem>>, vector<3x64xf32>
    %dot_general3A_12 = arith.constant dense<0.000000e+00> : vector<4096x64xf32>
    %dot_general3A_13 = tpu.matmul %get3A_8, %get3A_11, %dot_general3A_12 {dimension_numbers = #tpu.dot_dimension_numbers<[1], [0], [0], [1], [0, 0, 1, 1], [], []>, transpose_lhs_hint = false} : vector<4096x3xf32>, vector<3x64xf32>, vector<4096x64xf32> -> vector<4096x64xf32>
    %add3A = arith.addf %dot_general3A_5, %dot_general3A_13 : vector<4096x64xf32>
    %get3A_14 = arith.constant 0 : index
    %get3A_15 = arith.constant 0 : index
    %get3A_16 = vector.load %arg5[%get3A_14, %get3A_15] : memref<1x64xf32, #tpu.memory_space<vmem>>, vector<1x64xf32>
    %add3A_17 = vector.broadcast %get3A_16 : vector<1x64xf32> to vector<4096x64xf32>
    %add3A_18 = arith.addf %add3A, %add3A_17 : vector<4096x64xf32>
    %get3A_19 = arith.constant 0 : index
    %get3A_20 = arith.constant 0 : index
    %get3A_21 = vector.load %arg6[%get3A_19, %get3A_20] : memref<1x64xf32, #tpu.memory_space<vmem>>, vector<1x64xf32>
    %get3A_22 = arith.constant 0 : index
    %get3A_23 = arith.constant 0 : index
    %get3A_24 = vector.load %arg7[%get3A_22, %get3A_23] : memref<1x64xf32, #tpu.memory_space<vmem>>, vector<1x64xf32>
    %reduce_sum3A = arith.constant dense<0.000000e+00> : vector<4096xf32>
    %reduce_sum3A_25 = vector.multi_reduction <add>, %add3A_18, %reduce_sum3A [1] : vector<4096x64xf32> to vector<4096xf32>
    %broadcast_in_dim3A = vector.shape_cast %reduce_sum3A_25 : vector<4096xf32> to vector<4096x1xf32>
    %div3A = arith.constant 6.400000e+01 : f32
    %div3A_26 = vector.broadcast %div3A : f32 to vector<4096x1xf32>
    %div3A_27 = arith.divf %broadcast_in_dim3A, %div3A_26 : vector<4096x1xf32>
    %sub3A = vector.broadcast %div3A_27 : vector<4096x1xf32> to vector<4096x64xf32>
    %sub3A_28 = arith.subf %add3A_18, %sub3A : vector<4096x64xf32>
    %mul3A = arith.mulf %sub3A_28, %sub3A_28 : vector<4096x64xf32>
    %reduce_sum3A_29 = arith.constant dense<0.000000e+00> : vector<4096xf32>
    %reduce_sum3A_30 = vector.multi_reduction <add>, %mul3A, %reduce_sum3A_29 [1] : vector<4096x64xf32> to vector<4096xf32>
    %broadcast_in_dim3A_31 = vector.shape_cast %reduce_sum3A_30 : vector<4096xf32> to vector<4096x1xf32>
    %div3A_32 = arith.constant 6.400000e+01 : f32
    %div3A_33 = vector.broadcast %div3A_32 : f32 to vector<4096x1xf32>
    %div3A_34 = arith.divf %broadcast_in_dim3A_31, %div3A_33 : vector<4096x1xf32>
    %add3A_35 = arith.constant 1.000000e-03 : f32
    %add3A_36 = vector.broadcast %add3A_35 : f32 to vector<4096x1xf32>
    %add3A_37 = arith.addf %div3A_34, %add3A_36 : vector<4096x1xf32>
    %rsqrt3A = math.rsqrt %add3A_37 : vector<4096x1xf32>
    %mul3A_38 = vector.broadcast %rsqrt3A : vector<4096x1xf32> to vector<4096x64xf32>
    %mul3A_39 = arith.mulf %sub3A_28, %mul3A_38 : vector<4096x64xf32>
    %mul3A_40 = vector.broadcast %get3A_21 : vector<1x64xf32> to vector<4096x64xf32>
    %mul3A_41 = arith.mulf %mul3A_39, %mul3A_40 : vector<4096x64xf32>
    %add3A_42 = vector.broadcast %get3A_24 : vector<1x64xf32> to vector<4096x64xf32>
    %add3A_43 = arith.addf %mul3A_41, %add3A_42 : vector<4096x64xf32>
    %max3A = arith.constant 0.000000e+00 : f32
    %max3A_44 = vector.broadcast %max3A : f32 to vector<4096x64xf32>
    %max3A_45 = arith.maximumf %add3A_43, %max3A_44 : vector<4096x64xf32>
    %get3A_46 = arith.constant 0 : index
    %get3A_47 = arith.constant 0 : index
    %get3A_48 = vector.load %arg8[%get3A_46, %get3A_47] : memref<64x64xf32, #tpu.memory_space<vmem>>, vector<64x64xf32>
    %dot_general3A_49 = arith.constant dense<0.000000e+00> : vector<4096x64xf32>
    %dot_general3A_50 = tpu.matmul %max3A_45, %get3A_48, %dot_general3A_49 {dimension_numbers = #tpu.dot_dimension_numbers<[1], [0], [0], [1], [0, 0, 1, 1], [], []>, transpose_lhs_hint = false} : vector<4096x64xf32>, vector<64x64xf32>, vector<4096x64xf32> -> vector<4096x64xf32>
    %get3A_51 = arith.constant 0 : index
    %get3A_52 = arith.constant 0 : index
    %get3A_53 = vector.load %arg9[%get3A_51, %get3A_52] : memref<1x64xf32, #tpu.memory_space<vmem>>, vector<1x64xf32>
    %add3A_54 = vector.broadcast %get3A_53 : vector<1x64xf32> to vector<4096x64xf32>
    %add3A_55 = arith.addf %dot_general3A_50, %add3A_54 : vector<4096x64xf32>
    %get3A_56 = arith.constant 0 : index
    %get3A_57 = arith.constant 0 : index
    %get3A_58 = vector.load %arg10[%get3A_56, %get3A_57] : memref<1x64xf32, #tpu.memory_space<vmem>>, vector<1x64xf32>
    %get3A_59 = arith.constant 0 : index
    %get3A_60 = arith.constant 0 : index
    %get3A_61 = vector.load %arg11[%get3A_59, %get3A_60] : memref<1x64xf32, #tpu.memory_space<vmem>>, vector<1x64xf32>
    %reduce_sum3A_62 = arith.constant dense<0.000000e+00> : vector<4096xf32>
    %reduce_sum3A_63 = vector.multi_reduction <add>, %add3A_55, %reduce_sum3A_62 [1] : vector<4096x64xf32> to vector<4096xf32>
    %broadcast_in_dim3A_64 = vector.shape_cast %reduce_sum3A_63 : vector<4096xf32> to vector<4096x1xf32>
    %div3A_65 = arith.constant 6.400000e+01 : f32
    %div3A_66 = vector.broadcast %div3A_65 : f32 to vector<4096x1xf32>
    %div3A_67 = arith.divf %broadcast_in_dim3A_64, %div3A_66 : vector<4096x1xf32>
    %sub3A_68 = vector.broadcast %div3A_67 : vector<4096x1xf32> to vector<4096x64xf32>
    %sub3A_69 = arith.subf %add3A_55, %sub3A_68 : vector<4096x64xf32>
    %mul3A_70 = arith.mulf %sub3A_69, %sub3A_69 : vector<4096x64xf32>
    %reduce_sum3A_71 = arith.constant dense<0.000000e+00> : vector<4096xf32>
    %reduce_sum3A_72 = vector.multi_reduction <add>, %mul3A_70, %reduce_sum3A_71 [1] : vector<4096x64xf32> to vector<4096xf32>
    %broadcast_in_dim3A_73 = vector.shape_cast %reduce_sum3A_72 : vector<4096xf32> to vector<4096x1xf32>
    %div3A_74 = arith.constant 6.400000e+01 : f32
    %div3A_75 = vector.broadcast %div3A_74 : f32 to vector<4096x1xf32>
    %div3A_76 = arith.divf %broadcast_in_dim3A_73, %div3A_75 : vector<4096x1xf32>
    %add3A_77 = arith.constant 1.000000e-03 : f32
    %add3A_78 = vector.broadcast %add3A_77 : f32 to vector<4096x1xf32>
    %add3A_79 = arith.addf %div3A_76, %add3A_78 : vector<4096x1xf32>
    %rsqrt3A_80 = math.rsqrt %add3A_79 : vector<4096x1xf32>
    %mul3A_81 = vector.broadcast %rsqrt3A_80 : vector<4096x1xf32> to vector<4096x64xf32>
    %mul3A_82 = arith.mulf %sub3A_69, %mul3A_81 : vector<4096x64xf32>
    %mul3A_83 = vector.broadcast %get3A_58 : vector<1x64xf32> to vector<4096x64xf32>
    %mul3A_84 = arith.mulf %mul3A_82, %mul3A_83 : vector<4096x64xf32>
    %add3A_85 = vector.broadcast %get3A_61 : vector<1x64xf32> to vector<4096x64xf32>
    %add3A_86 = arith.addf %mul3A_84, %add3A_85 : vector<4096x64xf32>
    %max3A_87 = arith.constant 0.000000e+00 : f32
    %max3A_88 = vector.broadcast %max3A_87 : f32 to vector<4096x64xf32>
    %max3A_89 = arith.maximumf %add3A_86, %max3A_88 : vector<4096x64xf32>
    %transpose3A = tpu.transpose %max3A_89, [1, 0] : vector<4096x64xf32> -> vector<64x4096xf32>
    %swap3A = arith.constant 0 : index
    %swap3A_90 = arith.constant 0 : index
    %swap3A_91 = vector.load %arg12[%swap3A, %swap3A_90] : memref<64x4096xf32, #tpu.memory_space<vmem>>, vector<64x4096xf32>
    tpu.vector_store %arg12[%swap3A, %swap3A_90], %transpose3A {strides = array<i32>} : memref<64x4096xf32, #tpu.memory_space<vmem>>, vector<64x4096xf32>,
    return
  }
  func.func @transform_0(%arg0: i32) -> (i32, i32) {
    %c0_i32 = arith.constant 0 : i32
    %c0_i32_0 = arith.constant 0 : i32
    return %arg0, %c0_i32 : i32, i32
  }
  func.func @transform_1(%arg0: i32) -> (i32, i32) {
    %c0_i32 = arith.constant 0 : i32
    %c0_i32_0 = arith.constant 0 : i32
    return %arg0, %c0_i32 : i32, i32
  }
  func.func @transform_2(%arg0: i32) -> (i32, i32) {
    %c0_i32 = arith.constant 0 : i32
    %c0_i32_0 = arith.constant 0 : i32
    %c0_i32_1 = arith.constant 0 : i32
    return %c0_i32, %c0_i32_0 : i32, i32
  }
  func.func @transform_3(%arg0: i32) -> (i32, i32) {
    %c0_i32 = arith.constant 0 : i32
    %c0_i32_0 = arith.constant 0 : i32
    %c0_i32_1 = arith.constant 0 : i32
    return %c0_i32, %c0_i32_0 : i32, i32
  }
  func.func @transform_4(%arg0: i32) -> (i32, i32) {
    %c0_i32 = arith.constant 0 : i32
    %c0_i32_0 = arith.constant 0 : i32
    %c0_i32_1 = arith.constant 0 : i32
    return %c0_i32, %c0_i32_0 : i32, i32
  }
  func.func @transform_5(%arg0: i32) -> (i32, i32) {
    %c0_i32 = arith.constant 0 : i32
    %c0_i32_0 = arith.constant 0 : i32
    %c0_i32_1 = arith.constant 0 : i32
    return %c0_i32, %c0_i32_0 : i32, i32
  }
  func.func @transform_6(%arg0: i32) -> (i32, i32) {
    %c0_i32 = arith.constant 0 : i32
    %c0_i32_0 = arith.constant 0 : i32
    %c0_i32_1 = arith.constant 0 : i32
    return %c0_i32, %c0_i32_0 : i32, i32
  }
  func.func @transform_7(%arg0: i32) -> (i32, i32) {
    %c0_i32 = arith.constant 0 : i32
    %c0_i32_0 = arith.constant 0 : i32
    %c0_i32_1 = arith.constant 0 : i32
    return %c0_i32, %c0_i32_0 : i32, i32
  }
  func.func @transform_8(%arg0: i32) -> (i32, i32) {
    %c0_i32 = arith.constant 0 : i32
    %c0_i32_0 = arith.constant 0 : i32
    %c0_i32_1 = arith.constant 0 : i32
    return %c0_i32, %c0_i32_0 : i32, i32
  }
  func.func @transform_9(%arg0: i32) -> (i32, i32) {
    %c0_i32 = arith.constant 0 : i32
    %c0_i32_0 = arith.constant 0 : i32
    %c0_i32_1 = arith.constant 0 : i32
    return %c0_i32, %c0_i32_0 : i32, i32
  }
  func.func @transform_10(%arg0: i32) -> (i32, i32) {
    %c0_i32 = arith.constant 0 : i32
    %c0_i32_0 = arith.constant 0 : i32
    %c0_i32_1 = arith.constant 0 : i32
    return %c0_i32, %c0_i32_0 : i32, i32
  }
  func.func @transform_11(%arg0: i32) -> (i32, i32) {
    %c0_i32 = arith.constant 0 : i32
    %c0_i32_0 = arith.constant 0 : i32
    return %c0_i32, %arg0 : i32, i32
  }
}

module attributes {stable_mosaic.version = 14 : i64} {
  func.func @_head_body(%arg0: i32, %arg1: memref<64x4096xf32, #tpu.memory_space<vmem>>, %arg2: memref<64x32xf32, #tpu.memory_space<vmem>>, %arg3: memref<1x32xf32, #tpu.memory_space<vmem>>, %arg4: memref<1x32xf32, #tpu.memory_space<vmem>>, %arg5: memref<1x32xf32, #tpu.memory_space<vmem>>, %arg6: memref<4096x32xf32, #tpu.memory_space<vmem>>) attributes {dimension_semantics = [#tpu.dimension_semantics<arbitrary>], iteration_bounds = array<i64: 64>, scalar_prefetch = 0 : i64, scratch_operands = 0 : i64, tpu.core_type = #tpu.core_type<tc>, window_params = [{transform_indices = @transform_0, window_bounds = array<i64: 64, 4096>}, {pipeline_mode = #tpu.pipeline_mode<synchronous>, transform_indices = @transform_1, window_bounds = array<i64: 64, 32>}, {pipeline_mode = #tpu.pipeline_mode<synchronous>, transform_indices = @transform_2, window_bounds = array<i64: 1, 32>}, {pipeline_mode = #tpu.pipeline_mode<synchronous>, transform_indices = @transform_3, window_bounds = array<i64: 1, 32>}, {pipeline_mode = #tpu.pipeline_mode<synchronous>, transform_indices = @transform_4, window_bounds = array<i64: 1, 32>}, {transform_indices = @transform_5, window_bounds = array<i64: 4096, 32>}]} {
    %get3A = arith.constant 0 : index
    %get3A_0 = arith.constant 0 : index
    %get3A_1 = vector.load %arg1[%get3A, %get3A_0] : memref<64x4096xf32, #tpu.memory_space<vmem>>, vector<64x4096xf32>
    %get3A_2 = arith.constant 0 : index
    %get3A_3 = arith.constant 0 : index
    %get3A_4 = vector.load %arg2[%get3A_2, %get3A_3] : memref<64x32xf32, #tpu.memory_space<vmem>>, vector<64x32xf32>
    %dot_general3A = arith.constant dense<0.000000e+00> : vector<4096x32xf32>
    %dot_general3A_5 = tpu.matmul %get3A_1, %get3A_4, %dot_general3A {dimension_numbers = #tpu.dot_dimension_numbers<[0], [0], [1], [1], [0, 1, 1, 1], [], []>, transpose_lhs_hint = false} : vector<64x4096xf32>, vector<64x32xf32>, vector<4096x32xf32> -> vector<4096x32xf32>
    %get3A_6 = arith.constant 0 : index
    %get3A_7 = arith.constant 0 : index
    %get3A_8 = vector.load %arg3[%get3A_6, %get3A_7] : memref<1x32xf32, #tpu.memory_space<vmem>>, vector<1x32xf32>
    %add3A = vector.broadcast %get3A_8 : vector<1x32xf32> to vector<4096x32xf32>
    %add3A_9 = arith.addf %dot_general3A_5, %add3A : vector<4096x32xf32>
    %get3A_10 = arith.constant 0 : index
    %get3A_11 = arith.constant 0 : index
    %get3A_12 = vector.load %arg4[%get3A_10, %get3A_11] : memref<1x32xf32, #tpu.memory_space<vmem>>, vector<1x32xf32>
    %get3A_13 = arith.constant 0 : index
    %get3A_14 = arith.constant 0 : index
    %get3A_15 = vector.load %arg5[%get3A_13, %get3A_14] : memref<1x32xf32, #tpu.memory_space<vmem>>, vector<1x32xf32>
    %reduce_sum3A = arith.constant dense<0.000000e+00> : vector<4096xf32>
    %reduce_sum3A_16 = vector.multi_reduction <add>, %add3A_9, %reduce_sum3A [1] : vector<4096x32xf32> to vector<4096xf32>
    %broadcast_in_dim3A = vector.shape_cast %reduce_sum3A_16 : vector<4096xf32> to vector<4096x1xf32>
    %div3A = arith.constant 3.200000e+01 : f32
    %div3A_17 = vector.broadcast %div3A : f32 to vector<4096x1xf32>
    %div3A_18 = arith.divf %broadcast_in_dim3A, %div3A_17 : vector<4096x1xf32>
    %sub3A = vector.broadcast %div3A_18 : vector<4096x1xf32> to vector<4096x32xf32>
    %sub3A_19 = arith.subf %add3A_9, %sub3A : vector<4096x32xf32>
    %mul3A = arith.mulf %sub3A_19, %sub3A_19 : vector<4096x32xf32>
    %reduce_sum3A_20 = arith.constant dense<0.000000e+00> : vector<4096xf32>
    %reduce_sum3A_21 = vector.multi_reduction <add>, %mul3A, %reduce_sum3A_20 [1] : vector<4096x32xf32> to vector<4096xf32>
    %broadcast_in_dim3A_22 = vector.shape_cast %reduce_sum3A_21 : vector<4096xf32> to vector<4096x1xf32>
    %div3A_23 = arith.constant 3.200000e+01 : f32
    %div3A_24 = vector.broadcast %div3A_23 : f32 to vector<4096x1xf32>
    %div3A_25 = arith.divf %broadcast_in_dim3A_22, %div3A_24 : vector<4096x1xf32>
    %add3A_26 = arith.constant 1.000000e-03 : f32
    %add3A_27 = vector.broadcast %add3A_26 : f32 to vector<4096x1xf32>
    %add3A_28 = arith.addf %div3A_25, %add3A_27 : vector<4096x1xf32>
    %rsqrt3A = math.rsqrt %add3A_28 : vector<4096x1xf32>
    %mul3A_29 = vector.broadcast %rsqrt3A : vector<4096x1xf32> to vector<4096x32xf32>
    %mul3A_30 = arith.mulf %sub3A_19, %mul3A_29 : vector<4096x32xf32>
    %mul3A_31 = vector.broadcast %get3A_12 : vector<1x32xf32> to vector<4096x32xf32>
    %mul3A_32 = arith.mulf %mul3A_30, %mul3A_31 : vector<4096x32xf32>
    %add3A_33 = vector.broadcast %get3A_15 : vector<1x32xf32> to vector<4096x32xf32>
    %add3A_34 = arith.addf %mul3A_32, %add3A_33 : vector<4096x32xf32>
    %max3A = arith.constant 0.000000e+00 : f32
    %max3A_35 = vector.broadcast %max3A : f32 to vector<4096x32xf32>
    %max3A_36 = arith.maximumf %add3A_34, %max3A_35 : vector<4096x32xf32>
    %swap3A = arith.constant 0 : index
    %swap3A_37 = arith.constant 0 : index
    %swap3A_38 = vector.load %arg6[%swap3A, %swap3A_37] : memref<4096x32xf32, #tpu.memory_space<vmem>>, vector<4096x32xf32>
    tpu.vector_store %arg6[%swap3A, %swap3A_37], %max3A_36 {strides = array<i32>} : memref<4096x32xf32, #tpu.memory_space<vmem>>, vector<4096x32xf32>,
    return
  }
  func.func @transform_0(%arg0: i32) -> (i32, i32) {
    %c0_i32 = arith.constant 0 : i32
    %c0_i32_0 = arith.constant 0 : i32
    return %c0_i32, %arg0 : i32, i32
  }
  func.func @transform_1(%arg0: i32) -> (i32, i32) {
    %c0_i32 = arith.constant 0 : i32
    %c0_i32_0 = arith.constant 0 : i32
    %c0_i32_1 = arith.constant 0 : i32
    return %c0_i32, %c0_i32_0 : i32, i32
  }
  func.func @transform_2(%arg0: i32) -> (i32, i32) {
    %c0_i32 = arith.constant 0 : i32
    %c0_i32_0 = arith.constant 0 : i32
    %c0_i32_1 = arith.constant 0 : i32
    return %c0_i32, %c0_i32_0 : i32, i32
  }
  func.func @transform_3(%arg0: i32) -> (i32, i32) {
    %c0_i32 = arith.constant 0 : i32
    %c0_i32_0 = arith.constant 0 : i32
    %c0_i32_1 = arith.constant 0 : i32
    return %c0_i32, %c0_i32_0 : i32, i32
  }
  func.func @transform_4(%arg0: i32) -> (i32, i32) {
    %c0_i32 = arith.constant 0 : i32
    %c0_i32_0 = arith.constant 0 : i32
    %c0_i32_1 = arith.constant 0 : i32
    return %c0_i32, %c0_i32_0 : i32, i32
  }
  func.func @transform_5(%arg0: i32) -> (i32, i32) {
    %c0_i32 = arith.constant 0 : i32
    %c0_i32_0 = arith.constant 0 : i32
    return %arg0, %c0_i32 : i32, i32
  }
}

module attributes {stable_mosaic.version = 14 : i64} {
  func.func @_post_mlp_body(%arg0: i32, %arg1: memref<64x2048xf32, #tpu.memory_space<vmem>>, %arg2: memref<64x64xf32, #tpu.memory_space<vmem>>, %arg3: memref<1x64xf32, #tpu.memory_space<vmem>>, %arg4: memref<1x64xf32, #tpu.memory_space<vmem>>, %arg5: memref<1x64xf32, #tpu.memory_space<vmem>>, %arg6: memref<2048x64xf32, #tpu.memory_space<vmem>>) attributes {dimension_semantics = [#tpu.dimension_semantics<arbitrary>], iteration_bounds = array<i64: 8>, scalar_prefetch = 0 : i64, scratch_operands = 0 : i64, tpu.core_type = #tpu.core_type<tc>, window_params = [{transform_indices = @transform_0, window_bounds = array<i64: 64, 2048>}, {pipeline_mode = #tpu.pipeline_mode<synchronous>, transform_indices = @transform_1, window_bounds = array<i64: 64, 64>}, {pipeline_mode = #tpu.pipeline_mode<synchronous>, transform_indices = @transform_2, window_bounds = array<i64: 1, 64>}, {pipeline_mode = #tpu.pipeline_mode<synchronous>, transform_indices = @transform_3, window_bounds = array<i64: 1, 64>}, {pipeline_mode = #tpu.pipeline_mode<synchronous>, transform_indices = @transform_4, window_bounds = array<i64: 1, 64>}, {transform_indices = @transform_5, window_bounds = array<i64: 2048, 64>}]} {
    %get3A = arith.constant 0 : index
    %get3A_0 = arith.constant 0 : index
    %get3A_1 = vector.load %arg1[%get3A, %get3A_0] : memref<64x2048xf32, #tpu.memory_space<vmem>>, vector<64x2048xf32>
    %get3A_2 = arith.constant 0 : index
    %get3A_3 = arith.constant 0 : index
    %get3A_4 = vector.load %arg2[%get3A_2, %get3A_3] : memref<64x64xf32, #tpu.memory_space<vmem>>, vector<64x64xf32>
    %dot_general3A = arith.constant dense<0.000000e+00> : vector<2048x64xf32>
    %dot_general3A_5 = tpu.matmul %get3A_1, %get3A_4, %dot_general3A {dimension_numbers = #tpu.dot_dimension_numbers<[0], [0], [1], [1], [0, 1, 1, 1], [], []>, transpose_lhs_hint = false} : vector<64x2048xf32>, vector<64x64xf32>, vector<2048x64xf32> -> vector<2048x64xf32>
    %get3A_6 = arith.constant 0 : index
    %get3A_7 = arith.constant 0 : index
    %get3A_8 = vector.load %arg3[%get3A_6, %get3A_7] : memref<1x64xf32, #tpu.memory_space<vmem>>, vector<1x64xf32>
    %add3A = vector.broadcast %get3A_8 : vector<1x64xf32> to vector<2048x64xf32>
    %add3A_9 = arith.addf %dot_general3A_5, %add3A : vector<2048x64xf32>
    %get3A_10 = arith.constant 0 : index
    %get3A_11 = arith.constant 0 : index
    %get3A_12 = vector.load %arg4[%get3A_10, %get3A_11] : memref<1x64xf32, #tpu.memory_space<vmem>>, vector<1x64xf32>
    %get3A_13 = arith.constant 0 : index
    %get3A_14 = arith.constant 0 : index
    %get3A_15 = vector.load %arg5[%get3A_13, %get3A_14] : memref<1x64xf32, #tpu.memory_space<vmem>>, vector<1x64xf32>
    %reduce_sum3A = arith.constant dense<0.000000e+00> : vector<2048xf32>
    %reduce_sum3A_16 = vector.multi_reduction <add>, %add3A_9, %reduce_sum3A [1] : vector<2048x64xf32> to vector<2048xf32>
    %broadcast_in_dim3A = vector.shape_cast %reduce_sum3A_16 : vector<2048xf32> to vector<2048x1xf32>
    %div3A = arith.constant 6.400000e+01 : f32
    %div3A_17 = vector.broadcast %div3A : f32 to vector<2048x1xf32>
    %div3A_18 = arith.divf %broadcast_in_dim3A, %div3A_17 : vector<2048x1xf32>
    %sub3A = vector.broadcast %div3A_18 : vector<2048x1xf32> to vector<2048x64xf32>
    %sub3A_19 = arith.subf %add3A_9, %sub3A : vector<2048x64xf32>
    %mul3A = arith.mulf %sub3A_19, %sub3A_19 : vector<2048x64xf32>
    %reduce_sum3A_20 = arith.constant dense<0.000000e+00> : vector<2048xf32>
    %reduce_sum3A_21 = vector.multi_reduction <add>, %mul3A, %reduce_sum3A_20 [1] : vector<2048x64xf32> to vector<2048xf32>
    %broadcast_in_dim3A_22 = vector.shape_cast %reduce_sum3A_21 : vector<2048xf32> to vector<2048x1xf32>
    %div3A_23 = arith.constant 6.400000e+01 : f32
    %div3A_24 = vector.broadcast %div3A_23 : f32 to vector<2048x1xf32>
    %div3A_25 = arith.divf %broadcast_in_dim3A_22, %div3A_24 : vector<2048x1xf32>
    %add3A_26 = arith.constant 1.000000e-03 : f32
    %add3A_27 = vector.broadcast %add3A_26 : f32 to vector<2048x1xf32>
    %add3A_28 = arith.addf %div3A_25, %add3A_27 : vector<2048x1xf32>
    %rsqrt3A = math.rsqrt %add3A_28 : vector<2048x1xf32>
    %mul3A_29 = vector.broadcast %rsqrt3A : vector<2048x1xf32> to vector<2048x64xf32>
    %mul3A_30 = arith.mulf %sub3A_19, %mul3A_29 : vector<2048x64xf32>
    %mul3A_31 = vector.broadcast %get3A_12 : vector<1x64xf32> to vector<2048x64xf32>
    %mul3A_32 = arith.mulf %mul3A_30, %mul3A_31 : vector<2048x64xf32>
    %add3A_33 = vector.broadcast %get3A_15 : vector<1x64xf32> to vector<2048x64xf32>
    %add3A_34 = arith.addf %mul3A_32, %add3A_33 : vector<2048x64xf32>
    %max3A = arith.constant 0.000000e+00 : f32
    %max3A_35 = vector.broadcast %max3A : f32 to vector<2048x64xf32>
    %max3A_36 = arith.maximumf %add3A_34, %max3A_35 : vector<2048x64xf32>
    %swap3A = arith.constant 0 : index
    %swap3A_37 = arith.constant 0 : index
    %swap3A_38 = vector.load %arg6[%swap3A, %swap3A_37] : memref<2048x64xf32, #tpu.memory_space<vmem>>, vector<2048x64xf32>
    tpu.vector_store %arg6[%swap3A, %swap3A_37], %max3A_36 {strides = array<i32>} : memref<2048x64xf32, #tpu.memory_space<vmem>>, vector<2048x64xf32>,
    return
  }
  func.func @transform_0(%arg0: i32) -> (i32, i32) {
    %c0_i32 = arith.constant 0 : i32
    %c0_i32_0 = arith.constant 0 : i32
    return %c0_i32, %arg0 : i32, i32
  }
  func.func @transform_1(%arg0: i32) -> (i32, i32) {
    %c0_i32 = arith.constant 0 : i32
    %c0_i32_0 = arith.constant 0 : i32
    %c0_i32_1 = arith.constant 0 : i32
    return %c0_i32, %c0_i32_0 : i32, i32
  }
  func.func @transform_2(%arg0: i32) -> (i32, i32) {
    %c0_i32 = arith.constant 0 : i32
    %c0_i32_0 = arith.constant 0 : i32
    %c0_i32_1 = arith.constant 0 : i32
    return %c0_i32, %c0_i32_0 : i32, i32
  }
  func.func @transform_3(%arg0: i32) -> (i32, i32) {
    %c0_i32 = arith.constant 0 : i32
    %c0_i32_0 = arith.constant 0 : i32
    %c0_i32_1 = arith.constant 0 : i32
    return %c0_i32, %c0_i32_0 : i32, i32
  }
  func.func @transform_4(%arg0: i32) -> (i32, i32) {
    %c0_i32 = arith.constant 0 : i32
    %c0_i32_0 = arith.constant 0 : i32
    %c0_i32_1 = arith.constant 0 : i32
    return %c0_i32, %c0_i32_0 : i32, i32
  }
  func.func @transform_5(%arg0: i32) -> (i32, i32) {
    %c0_i32 = arith.constant 0 : i32
    %c0_i32_0 = arith.constant 0 : i32
    return %arg0, %c0_i32 : i32, i32
  }
}

</mosaic_0001>

<sc_bundles>
// kernel: kernel.6.cloned.1.call-start
scs
__scs_entry_jumppad:
0x0: {  	(pc) =	sbr.rel $0x88, $3  }
0x1: {  	(tag) =	ssettag $0x0;
	lr =	simm.s32 $0x1  }
0x2: {  	[smem:$0x3F8E] =	sst lr;
	_ =	strace $0xD0000000  }
0x3: {  	_ = 	snop  }
0x4: {  	_ = 	snop  }
0x5: {  	_ = 	snop  }
0x6: {  	_ = 	snop  }
0x7: {  	_ = 	snop  }
__scs_overlays_trampoline_lowered:
0x8: {  	[smem:$0x3F9D] =	sst s0  }
0x9: {  	[smem:$0x3F9E] =	sst s1  }
0xa: {  	[smem:$0x3F9F] =	sst s2  }
0xb: {  	[smem:$0x3FA0] =	sst s3  }
0xc: {  	[smem:$0x3FA1] =	sst s4  }
0xd: {  	[smem:$0x3FA2] =	sst s5  }
0xe: {  	[smem:$0x3FA3] =	sst s6  }
0xf: {  	[smem:$0x3FA4] =	sst s7  }
0x10: {  	[smem:$0x3FA5] =	sst s8  }
0x11: {  	[smem:$0x3FA6] =	sst s9;
	s0 =	simm.s32 @!p0 $0x0  }
0x12: {  	s1 =	sld [smem:$0x3F8C];
	s0 =	simm.s32 @p0 $0x1  }
0x13: {  	[smem:$0x3FA7] =	sst s0;
	s0 =	simm.s32 @!p1 $0x0  }
0x14: {  	s2 =	sld [smem:$0x3F8B];
	s0 =	simm.s32 @p1 $0x1  }
0x15: {  	[smem:$0x3FA8] =	sst s0;
	s0 =	simm.s32 @!p2 $0x0  }
0x16: {  	s3 =	sld [smem:$0x3FDB];
	s0 =	simm.s32 @p2 $0x1  }
0x17: {  	s4 =	simm.s32 $0x1BF5;
	[smem:$0x3FAA] =	sst s0  }
0x18: {  	s0 =	sld [smem:$0x3F8D];
	_ =	swait.ge [sflag:s4], $0x0  }
0x19: {  	s7 =	sld [smem:$0x3F8E]  }
0x1a: {  	s8 =	sadd.s32 $0xFFFFE003, lr  }
0x1b: {  	s9 =	sadd.s32 $0xFFFFFEF7, lr;
	s5 =	simm.s32 $0xFFFFFFFF;
	p2 =	slt.u32 s8, $0xFFFFF086  }
0x1c: {  	p1 =	slt.u32 s9, $0xF7A;
	s5 =	simm.s32 @!p2 $0x0  }
0x1d: {  	s5 =	simm.s32 @p1 $0x1;
	p0 =	seq.s32 s7, s2  }
0x1e: {  	s7 =	smul.u32 @!p0 $0xF7A, s2;
	p2 =	seq.s32 @!p0 s5, $0x0  }
0x1f: {  	s9 =	smul.u32 $0xF7A, s1;
	s8 =	simm.s32 @!p0 $0x1BF5;
	p2 =	por !p2, p0  }
0x20: {  	[sflag:s8] =	ssyncset.s32 @!p0 $0xFFFFF086;
	s6 =	sadd.s32 @!p0 s3, s7;
	s7 =	simm.s32 @!p0 $0x108  }
0x21: {  	s3 =	sadd.s32 s3, s9;
	s6 =	sadd.s32 @!p0 $0x88, s6;
	s7 =	simm.s32 @p2 $0x1082  }
0x22: {  	[simem:s7], [sflag:s8] =	dma.local @!p0 [hbm:s6], $0xF7A  }
0x23: {  	s9 =	sor.u32 $0xD0000000, s2;
	s6 =	simm.s32 $0x108;
	_ =	swait.ge @!p0 [sflag:s8], $0x0  }
0x24: {  	s3 =	sadd.s32 $0x88, s3;
	s6 =	simm.s32 @!p1 $0x1082;
	[sflag:s4] =	ssyncset.s32 $0xFFFFF086  }
0x25: {  	[simem:s6], [sflag:s4] =	dma.local [hbm:s3], $0xF7A  }
0x26: {  	[smem:$0x3F8E] =	sst s1;
	(tag) =	ssettag s2;
	_ =	strace s9  }
0x27: {  	s1 =	sld [smem:$0x3F9E]  }
0x28: {  	s2 =	sld [smem:$0x3F9F]  }
0x29: {  	s4 =	sld [smem:$0x3FA1]  }
0x2a: {  	p0 =	seq.s32 s5, $0x0;
	s5 =	sld [smem:$0x3FA2]  }
0x2b: {  	s6 =	sld [smem:$0x3FA3]  }
0x2c: {  	s7 =	sld [smem:$0x3FA4]  }
0x2d: {  	s3 =	simm.s32 $0x108;
	s8 =	sld [smem:$0x3FA5]  }
0x2e: {  	s3 =	simm.s32 @!p0 $0x1082;
	s9 =	sld [smem:$0x3FA6]  }
0x2f: {  	lr =	sadd.s32 s0, s3;
	s0 =	sld [smem:$0x3F9D]  }
0x30: {  	s3 =	sld [smem:$0x3FA0]  }
0x31: {  	[smem:$0x3FA9] =	sst s10  }
0x32: {  	s10 =	sld [smem:$0x3FA7];
	_ =	sdelay $0x3  }
0x33: {  	p0 =	seq.s32 s10, $0x1;
	s10 =	sld [smem:$0x3FA9];
	_ =	sdelay $0x3  }
0x34: {  	[smem:$0x3FA9] =	sst s10  }
0x35: {  	s10 =	sld [smem:$0x3FA8];
	_ =	sdelay $0x3  }
0x36: {  	p1 =	seq.s32 s10, $0x1;
	s10 =	sld [smem:$0x3FA9];
	_ =	sdelay $0x3  }
0x37: {  	[smem:$0x3FA9] =	sst s10  }
0x38: {  	s10 =	sld [smem:$0x3FAA]  }
0x39: {  	_ = 	snop;
	(pc) =	sbr.ind lr, $3  }
0x3a: {  	_ = 	snop  }
0x3b: {  	_ = 	snop  }
0x3c: {  	p2 =	seq.s32 s10, $0x1;
	s10 =	sld [smem:$0x3FA9]  }
0x3d: {  	_ =	shalt  }
0x3e: {  	_ =	shalt  }
0x3f: {  	_ =	shalt  }
0x40: {  	_ =	shalt  }
0x41: {  	_ =	shalt  }
0x42: {  	_ =	shalt  }
0x43: {  	_ =	shalt  }
0x44: {  	_ =	shalt  }
0x45: {  	_ =	shalt  }
0x46: {  	_ =	shalt  }
0x47: {  	_ =	shalt  }
0x48: {  	_ =	shalt  }
0x49: {  	_ =	shalt  }
0x4a: {  	_ =	shalt  }
0x4b: {  	_ =	shalt  }
0x4c: {  	_ =	shalt  }
0x4d: {  	_ =	shalt  }
0x4e: {  	_ =	shalt  }
0x4f: {  	_ =	shalt  }
0x50: {  	_ =	shalt  }
0x51: {  	_ =	shalt  }
0x52: {  	_ =	shalt  }
0x53: {  	_ =	shalt  }
0x54: {  	_ =	shalt  }
0x55: {  	_ =	shalt  }
0x56: {  	_ =	shalt  }
0x57: {  	_ =	shalt  }
0x58: {  	_ =	shalt  }
0x59: {  	_ =	shalt  }
0x5a: {  	_ =	shalt  }
0x5b: {  	_ =	shalt  }
0x5c: {  	_ =	shalt  }
0x5d: {  	_ =	shalt  }
0x5e: {  	_ =	shalt  }
0x5f: {  	_ =	shalt  }
0x60: {  	_ =	shalt  }
0x61: {  	_ =	shalt  }
0x62: {  	_ =	shalt  }
0x63: {  	_ =	shalt  }
0x64: {  	_ =	shalt  }
0x65: {  	_ =	shalt  }
0x66: {  	_ =	shalt  }
0x67: {  	_ =	shalt  }
0x68: {  	_ =	shalt  }
0x69: {  	_ =	shalt  }
0x6a: {  	_ =	shalt  }
0x6b: {  	_ =	shalt  }
0x6c: {  	_ =	shalt  }
0x6d: {  	_ =	shalt  }
0x6e: {  	_ =	shalt  }
0x6f: {  	_ =	shalt  }
0x70: {  	_ =	shalt  }
0x71: {  	_ =	shalt  }
0x72: {  	_ =	shalt  }
0x73: {  	_ =	shalt  }
0x74: {  	_ =	shalt  }
0x75: {  	_ =	shalt  }
0x76: {  	_ =	shalt  }
0x77: {  	_ =	shalt  }
0x78: {  	_ =	shalt  }
0x79: {  	_ =	shalt  }
0x7a: {  	_ =	shalt  }
0x7b: {  	_ =	shalt  }
0x7c: {  	_ =	shalt  }
0x7d: {  	_ =	shalt  }
0x7e: {  	_ =	shalt  }
0x7f: {  	_ =	shalt  }
0x80: {  	_ =	shalt  }
0x81: {  	_ =	shalt  }
0x82: {  	_ =	shalt  }
0x83: {  	_ =	shalt  }
0x84: {  	_ =	shalt  }
0x85: {  	_ =	shalt  }
0x86: {  	_ =	shalt  }
0x87: {  	_ =	shalt  }
.Lfunc_end0:
.L_simem_size_0:
called_computation_lowered:
.L_overlay_start_0:
0x88: {  	s2 =	sld [smem:$0x3FD9]  }
0x89: {  	s3 =	sld [smem:$0x3FFE];
	_ =	sdelay $0x1  }
0x8a: {  	s1 =	srdreg.scid  }
0x8b: {  	s0 =	sand.u32 $0x1, s1  }
0x8c: {  	s14 =	sshll.u32 s0, $0xA;
	s2 =	sadd.s32 s3, s2  }
0x8d: {  	s2 =	sadd.s32 s2, s14  }
0x8e: {  	[smem:$0x3FB5] =	sst s2  }
0x8f: {  	_ = 	snop  }
0x90: {  	s2 =	sld [smem:$0x3FD0];
	_ =	sdelay $0x2  }
0x91: {  	s4 =	simm.s32 $0xA;
	s5 =	simm.s32 $0x10;
	s15 =	sld [smem:$0x3FC8]  }
0x92: {  	[smem:s5], [sflag:s4] =	dma.local [hbm:s2], $0x1  }
0x93: {  	_ =	swait.eq [sflag:s4], $0x1  }
0x94: {  	[sflag:s4] =	ssyncset.done $0x0  }
0x95: {  	s16 =	sld [smem:$0x11];
	[sflag:s4] =	ssyncadd.s32 $0xFFFFFFFF  }
0x96: {  	s17 =	sld [smem:$0x12];
	(tm) =	ssettm $0x1  }
0x97: {  	s18 =	sld [smem:$0x3FFB];
	_ =	sdelay $0x3  }
0x98: {  	_ =	strace s18  }
0x99: {  	s5 =	sld [smem:$0x3FFC];
	_ =	sdelay $0x3  }
0x9a: {  	_ =	strace s5  }
0x9b: {  	s5 =	sld [smem:$0x3FFD];
	_ =	sdelay $0x3  }
0x9c: {  	_ =	strace s5  }
0x9d: {  	_ =	strace $0x8FFFFFFF  }
0x9e: {  	s19 =	sld [smem:$0x3FDB];
	_ =	sdelay $0x1  }
0x9f: {  	s6 =	simm.s32 $_scs_section_size  }
0xa0: {  	s7 =	simm.s32 $_size__tile_overlayer_lowered;
	s8 =	simm.s32 $_tile_overlayer_lowered  }
0xa1: {  	s22 =	simm.s32 $0x1BFF;
	s21 =	sshll.u32 s8, $0x1;
	s5 =	sadd.s32 s6, s19  }
0xa2: {  	s9 =	simm.s32 $0x0;
	s20 =	sshll.u32 s7, $0x1;
	s7 =	sadd.s32 s21, s5  }
0xa3: {  	[timem:s9], [sflag:s22] =	dma.local [hbm:s7], s20  }
0xa4: {  	_ =	swait.ge [sflag:s22], s20  }
0xa5: {  	s6 =	ssub.s32 $0x0, s20;
	[sflag:s22] =	ssyncset.done $0x0  }
0xa6: {  	[sflag:s22] =	ssyncadd.s32 s6;
	_ =	sdelay $0x1  }
0xa7: {  	s23 =	simm.s32 $0x1B8B  }
0xa8: {  	_ =	swait.ge [sflag:s23], $0x1  }
0xa9: {  	[sflag:s23] =	ssyncset.done $0x0  }
0xaa: {  	s25 =	simm.s32 $0x1B8E;
	s24 =	sld [smem:$0x3FFE];
	[sflag:s23] =	ssyncadd.s32 $0xFFFFFFFF  }
0xab: {  	s26 =	simm.s32 $execute0_lowered;
	[smem:$0x3FD2] =	sst s25  }
0xac: {  	s7 =	sshll.u32 s26, $0x1;
	_ =	strace $0x80000046;
	[dreg:$0x1] =	wrdreg $0xFFFFFFFF  }
0xad: {  	s28 =	simm.s32 $_size_execute0_lowered;
	s5 =	sadd.s32 s5, s7;
	[dreg:$0x0] =	wrdreg $0x0  }
0xae: {  	s7 =	sshll.u32 s28, $0x1;
	[dreg:$0x2] =	wrdreg s5  }
0xaf: {  	[dreg:$0x3] =	wrdreg s7  }
0xb0: {  	[dreg:$0x4] =	wrdreg $0xC0  }
0xb1: {  	_ =	task [dreg:s9], $0x5FFFF  }
0xb2: {  	[dreg:$0x1] =	wrdreg $0xFFFFFFFF  }
0xb3: {  	[dreg:$0x0] =	wrdreg $0x60  }
0xb4: {  	[dreg:$0x2] =	wrdreg s24  }
0xb5: {  	[dreg:$0x3] =	wrdreg s15  }
0xb6: {  	[dreg:$0x4] =	wrdreg s16  }
0xb7: {  	[dreg:$0x5] =	wrdreg s17  }
0xb8: {  	[dreg:$0x6] =	wrdreg $0x9  }
0xb9: {  	_ =	task.clear_ibuf [dreg:s9], $0x7FFFF;
	_ =	strace $0x90000046  }
0xba: {  	s29 =	simm.s32 $0x9;
	_ =	strace $0x80000048  }
0xbb: {  	_ =	swait.ge [sflag:s29], $0x1  }
0xbc: {  	[sflag:s29] =	ssyncadd.s32 $0xFFFFFFFF  }
0xbd: {  	_ =	strace $0x90000048  }
0xbe: {  	_ =	sfence  }
0xbf: {  	s30 =	sld [smem:$0x0];
	_ =	sdelay $0x2  }
0xc0: {  	s31 =	sshll.u32 s1, $0xD;
	s1 =	sshrl.u32 s1, $0x2  }
0xc1: {  	s3 =	sand.u32 $0x4000, s31;
	s1 =	sadd.s32 s1, s30  }
0xc2: {  	s0 =	sor.u32 s3, s0;
	s1 =	sshll.u32 s1, $0x11  }
0xc3: {  	s0 =	sor.u32 s1, s0  }
0xc4: {  	s0 =	sadd.s32 $0x8F2B, s0  }
0xc5: {  	[sflag:s0] =	ssyncadd.remote.s32 $0x1  }
0xc6: {  	_ =	sfence.sel $0xFFFF  }
0xc7: {  	[dreg:$0x0] =	wrdreg $0xFFFFFFFF;
	(pc) =	sbr.abs _section_cstart, $3  }
0xc8: {  	[dreg:$0x1] =	wrdreg $0xFFFFFFFF  }
0xc9: {  	_ =	task.clear_ibuf [dreg:s9], $0x2FFFF;
	_ =	strace $0x9FFFFFFF  }
0xca: {  	(tm) =	ssettm $0x7FFFFFFF  }
0xcb: {  	_ =	shalt  }
tec
execute0_lowered:
.L_overlay_start_1:
0x0: {  	(tag) =	ssettag $0x1  }
0x1: {  	s0 =	rddreg [dreg:$0x0]  }
0x2: {  	s1 =	rddreg [dreg:$0x1]  }
0x3: {  	s2 =	rddreg [dreg:$0x2];
	s4 =	simm.s32 $0x0;
	s3 =	srdreg.scid  }
0x4: {  	s11 =	stileid.u32;
	s13 =	simm.s32 $0x100;
	s14 =	simm.s32 $0x400  }
0x5: {  	s15 =	simm.s32 $0x10000;
	s16 =	simm.s32 $0x14000;
	s17 =	simm.s32 $0x1  }
0x6: {  	s18 =	simm.s32 $0x3;
	s19 =	simm.s32 $0x4000;
	s20 =	simm.s32 $0x2  }
0x7: {  	s21 =	simm.s32 $0x4;
	s22 =	simm.s32 $0x8000;
	s23 =	simm.s32 $0x80  }
0x8: {  	s24 =	simm.s32 $0x5;
	s25 =	simm.s32 $0x0;
	[smem:$0x7FF] =	sst s4  }
0x9: {  	s3 =	sand.u32 $0x1, s3;
	s6 =	sshll.u32 s11, $0x1;
	s5 =	sadd.s32 $0x802E00, s0  }
0xa: {  	s7 =	sshrl.u32 s11, $0x1;
	s11 =	sshll.u32 s11, $0x10;
	_ =	strace $0x80000047  }
0xb: {  	s26 =	ssub.s32 $0x2, s3;
	s3 =	sor.u32 s3, s6;
	s9 =	sshll.u32 s7, $0x15  }
0xc: {  	s29 =	sshll.u32 s7, $0x11;
	s28 =	sshrl.u32 s26, $0x1;
	s8 =	sshll.u32 s3, $0x8  }
0xd: {  	p0 =	sne.s32 s3, $0x0;
	s10 =	sand.u32 $0x300, s8;
	s0 =	ssub.s32 s26, s28  }
.Ltmp0:
0xe: {  	s8 =	sor.u32 s8, s11;
	s6 =	sor.u32 s9, s10;
	(pc) =	sbr.rel .LBB2_1-.Ltmp0, $4  }
0xf: {  	s8 =	sand.u32 $0xE0300, s8;
	s30 =	sor.u32 s29, s10;
	s9 =	sshrl.u32 s6, $0x3  }
0x10: {  	s31 =	sshrl.u32 s8, $0x3;
	s8 =	sadd.s32 $0x400, s1;
	s11 =	sshrl.u32 s30, $0x3  }
0x11: {  	s7 =	sadd.s32 s5, s9;
	s12 =	sadd.s32 s31, s2;
	s10 =	sadd.s32 s2, s11  }
0x12: {  	v0 =	vimm.f32 $0.0e+00;
	v1 =	vimm.s32 $0x0;
	v2 =	vlaneseq.u32;
	s9 =	sadd.s32 $0x2000, s7;
	s11 =	sadd.s32 $0x10, s12;
	s12 =	smax.u32 s0, $0x1  }
.LBB2_26:
0x13: {  	[tilespmem:s29+$0x0] =	vst v4  }
.LBB2_27:
0x14: {  	[hbm4b:s10+s23] =	stream.strided.scatter [tilespmem:s4], [sflag:$0x5], $0x4000, s14, s23, $0x38;
	[tilespmem:$0x18000] =	vst v63  }
0x15: {  	_ =	swait.ge [sflag:s24], $0x4000  }
0x16: {  	[sflag:s24] =	ssyncset.done $0x0  }
0x17: {  	[sflag:s24] =	ssyncadd.s32 $0xFFFFC000  }
0x18: {  	[hbm4b:s11+s23] =	stream.strided.scatter [tilespmem:s19], [sflag:$0x5], $0x4000, s14, s23, $0x38;
	[tilespmem:$0x18000] =	vst v63  }
0x19: {  	_ =	swait.ge [sflag:s24], $0x4000  }
0x1a: {  	[sflag:s24] =	ssyncset.done $0x0  }
0x1b: {  	s0 =	simm.s32 @!p0 $0x0;
	s25 =	sadd.s32 $0x1, s25;
	[sflag:s24] =	ssyncadd.s32 $0xFFFFC000  }
0x1c: {  	s2 =	simm.s32 @!p0 $0x8000;
	p1 =	sne.s32 s25, s12;
	s3 =	rddreg [dreg:$0x3]  }
0x1d: {  	[hbm4b:s3+s0] =	stream.linear.scatter @!p0 [tilespmem:s2], [sflag:$0x5], $0x4000, $0x38;
	[tilespmem:$0x18000] =	vst v63  }
.Ltmp1:
0x1e: {  	_ = 	snop;
	(pc) =	sbr.rel @!p1 .LBB2_28-.Ltmp1, $4  }
0x1f: {  	s0 =	simm.s32 @!p0 $0x5  }
0x20: {  	_ =	swait.ge @!p0 [sflag:s0], $0x4000  }
0x21: {  	[sflag:s0] =	ssyncset.done @!p0 $0x0  }
0x22: {  	[sflag:s0] =	ssyncadd.s32 @!p0 $0xFFFFC000  }
.LBB2_1:
0x23: {  	s0 =	simm.s32 $0x0  }
.LBB2_2:
0x24: {  	p1 =	sne.s32 s0, $0xFFC0  }
.Ltmp2:
0x25: {  	_ = 	snop;
	(pc) =	sbr.rel @p1 .LBB2_2-.Ltmp2, $4  }
0x26: {  	s2 =	sshra.s32 s0, $0x2  }
0x27: {  	[tilespmem:s2+$0x0] =	vst v0  }
0x28: {  	[tilespmem:s2+$0x4000] =	vst v0  }
0x29: {  	s0 =	sadd.s32 $0x40, s0;
	[tilespmem:s2+$0x8000] =	vst v1  }
0x2a: {  	s26 =	simm.s32 $0xC000  }
0x2b: {  	s28 =	simm.s32 $0x10;
	s3 =	sadd.s32 $0x0, s1;
	s0 =	simm.s32 $0xC100  }
.LBB2_4:
0x2c: {  	[tilespmem:s26], [sflag:$0x1] =	stream.linear.gather [hbm4b:s3+s4], $0x80, $0x38;
	[tilespmem:$0x18000] =	vst v63  }
0x2d: {  	s2 =	smov.u32 s28;
	s26 =	smov.u32 s0;
	p1 =	sne.s32 s28, $0x3F0  }
.Ltmp3:
0x2e: {  	s28 =	sadd.s32 $0x10, s28;
	(pc) =	sbr.rel @p1 .LBB2_4-.Ltmp3, $2  }
0x2f: {  	_ =	sdelay $0x2  }
0x30: {  	s0 =	sadd.s32 $0x100, s0;
	s3 =	sadd.s32 s2, s1  }
0x31: {  	[tilespmem:s26], [sflag:$0x1] =	stream.linear.gather [hbm4b:s3+s4], $0x80, $0x38;
	[tilespmem:$0x18000] =	vst v63  }
0x32: {  	s26 =	simm.s32 $0xC080  }
0x33: {  	s28 =	simm.s32 $0x10;
	s3 =	sadd.s32 $0x0, s8;
	s0 =	simm.s32 $0xC180  }
0x34: {  	[tilespmem:s15], [sflag:$0x3] =	stream.strided.gather [hbm4b:s7+s13], $0x4000, s14, s13, $0x38;
	[tilespmem:$0x18000] =	vst v63  }
.LBB2_6:
0x35: {  	[tilespmem:s26], [sflag:$0x2] =	stream.linear.gather [hbm4b:s3+s4], $0x80, $0x38;
	[tilespmem:$0x18000] =	vst v63  }
0x36: {  	s2 =	smov.u32 s28;
	s26 =	smov.u32 s0;
	p1 =	sne.s32 s28, $0x3F0  }
.Ltmp4:
0x37: {  	s28 =	sadd.s32 $0x10, s28;
	(pc) =	sbr.rel @p1 .LBB2_6-.Ltmp4, $2  }
0x38: {  	_ =	sdelay $0x2  }
0x39: {  	s0 =	sadd.s32 $0x100, s0;
	s3 =	sadd.s32 s2, s8  }
0x3a: {  	[tilespmem:s26], [sflag:$0x2] =	stream.linear.gather [hbm4b:s3+s4], $0x80, $0x38;
	[tilespmem:$0x18000] =	vst v63  }
0x3b: {  	s26 =	simm.s32 $0x0  }
0x3c: {  	[tilespmem:s16], [sflag:$0x4] =	stream.strided.gather [hbm4b:s9+s13], $0x4000, s14, s13, $0x38;
	[tilespmem:$0x18000] =	vst v63  }
.LBB2_8:
0x3d: {  	_ =	swait.ge [sflag:s17], $0x2000  }
.Ltmp5:
0x3e: {  	[sflag:s17] =	ssyncset.done $0x0;
	(pc) =	sbr.rel .LBB2_9-.Ltmp5, $4  }
0x3f: {  	[sflag:s17] =	ssyncadd.s32 $0xFFFFE000  }
0x40: {  	_ =	swait.ge [sflag:s18], $0x4000  }
0x41: {  	[sflag:s18] =	ssyncset.done $0x0  }
0x42: {  	s28 =	simm.s32 $0x0;
	[sflag:s18] =	ssyncadd.s32 $0xFFFFC000  }
.LBB2_11:
0x43: {  	s28 =	sadd.s32 $0x1, s28  }
0x44: {  	p1 =	sne.s32 s28, $0x40  }
.Ltmp6:
0x45: {  	_ = 	snop;
	(pc) =	sbr.rel @!p1 .LBB2_12-.Ltmp6, $1  }
0x46: {  	_ =	sdelay $0x3  }
.LBB2_9:
0x47: {  	s29 =	sshll.u32 s28, $0x8  }
0x48: {  	v3 =	vld [tilespmem:s29+$0xC000];
	_ =	sdelay $0x5  }
0x49: {  	v4 =	vld [tilespmem:s29+$0x10000]  }
0x4a: {  	v5 =	vld [tilespmem:s29+$0x10080]  }
0x4b: {  	v6 =	vld.idx.msk [tilespmem:v3+s4+$0x0], $0xffff  }
0x4c: {  	v7 =	vld.idx.msk [tilespmem:v3+s19+$0x0], $0xffff;
	_ =	sdelay $0x1  }
0x4d: {  	v4 =	vadd.f32 $1.000000000e+00, v4;
	_ =	sdelay $0x1  }
0x4e: {  	vm0 =	vgt.f32 v4, v6  }
0x4f: {  	vm1 =	vgt.f32 v5, v7;
	_ =	sdelay $0x4  }
0x50: {  	[tilespmem:v3+s4+$0x0] =	vst.idx.msk vm0, v4  }
0x51: {  	[tilespmem:v3+s19+$0x0] =	vst.idx.msk vm1, v5  }
0x52: {  	v47 =	vld [tilespmem:s29+$0xC010];
	_ =	sdelay $0x5  }
0x53: {  	v48 =	vld [tilespmem:s29+$0x10010]  }
0x54: {  	v8 =	vld [tilespmem:s29+$0x10090]  }
0x55: {  	v9 =	vld.idx.msk [tilespmem:v47+s4+$0x0], $0xffff  }
0x56: {  	v10 =	vld.idx.msk [tilespmem:v47+s19+$0x0], $0xffff;
	_ =	sdelay $0x1  }
0x57: {  	v7 =	vadd.f32 $1.000000000e+00, v48;
	_ =	sdelay $0x1  }
0x58: {  	vm10 =	vgt.f32 v7, v9  }
0x59: {  	vm11 =	vgt.f32 v8, v10;
	_ =	sdelay $0x3  }
0x5a: {  	v49 =	vld.idx.msk [tilespmem:v3+s4+$0x0], $0xffff  }
0x5b: {  	v3 =	vld.idx.msk [tilespmem:v3+s19+$0x0], $0xffff;
	[tilespmem:v47+s4+$0x0] =	vst.idx.msk vm10, v7  }
0x5c: {  	[tilespmem:v47+s19+$0x0] =	vst.idx.msk vm11, v8  }
0x5d: {  	v50 =	vld [tilespmem:s29+$0xC020];
	_ =	sdelay $0x5  }
0x5e: {  	v11 =	vld [tilespmem:s29+$0x10020]  }
0x5f: {  	v12 =	vld [tilespmem:s29+$0x100A0]  }
0x60: {  	v13 =	vld.idx.msk [tilespmem:v50+s4+$0x0], $0xffff  }
0x61: {  	v14 =	vld.idx.msk [tilespmem:v50+s19+$0x0], $0xffff;
	_ =	sdelay $0x1  }
0x62: {  	v11 =	vadd.f32 $1.000000000e+00, v11;
	_ =	sdelay $0x1  }
0x63: {  	vm12 =	vgt.f32 v11, v13  }
0x64: {  	vm13 =	vgt.f32 v12, v14;
	_ =	sdelay $0x3  }
0x65: {  	v51 =	vld.idx.msk [tilespmem:v47+s4+$0x0], $0xffff  }
0x66: {  	v6 =	vld.idx.msk [tilespmem:v47+s19+$0x0], $0xffff;
	[tilespmem:v50+s4+$0x0] =	vst.idx.msk vm12, v11  }
0x67: {  	[tilespmem:v50+s19+$0x0] =	vst.idx.msk vm13, v12  }
0x68: {  	v52 =	vld [tilespmem:s29+$0xC030];
	_ =	sdelay $0x5  }
0x69: {  	v15 =	vld [tilespmem:s29+$0x10030]  }
0x6a: {  	v16 =	vld [tilespmem:s29+$0x100B0]  }
0x6b: {  	v17 =	vld.idx.msk [tilespmem:v52+s4+$0x0], $0xffff  }
0x6c: {  	v18 =	vld.idx.msk [tilespmem:v52+s19+$0x0], $0xffff;
	_ =	sdelay $0x1  }
0x6d: {  	v15 =	vadd.f32 $1.000000000e+00, v15;
	_ =	sdelay $0x1  }
0x6e: {  	vm14 =	vgt.f32 v15, v17  }
0x6f: {  	vm15 =	vgt.f32 v16, v18;
	_ =	sdelay $0x3  }
0x70: {  	v53 =	vld.idx.msk [tilespmem:v50+s4+$0x0], $0xffff  }
0x71: {  	v10 =	vld.idx.msk [tilespmem:v50+s19+$0x0], $0xffff;
	[tilespmem:v52+s4+$0x0] =	vst.idx.msk vm14, v15  }
0x72: {  	[tilespmem:v52+s19+$0x0] =	vst.idx.msk vm15, v16  }
0x73: {  	v54 =	vld [tilespmem:s29+$0xC040];
	_ =	sdelay $0x5  }
0x74: {  	v19 =	vld [tilespmem:s29+$0x10040]  }
0x75: {  	v20 =	vld [tilespmem:s29+$0x100C0]  }
0x76: {  	v21 =	vld.idx.msk [tilespmem:v54+s4+$0x0], $0xffff  }
0x77: {  	v22 =	vld.idx.msk [tilespmem:v54+s19+$0x0], $0xffff;
	_ =	sdelay $0x1  }
0x78: {  	v19 =	vadd.f32 $1.000000000e+00, v19;
	_ =	sdelay $0x1  }
0x79: {  	vm4 =	vgt.f32 v19, v21  }
0x7a: {  	vm5 =	vgt.f32 v20, v22;
	_ =	sdelay $0x3  }
0x7b: {  	v55 =	vld.idx.msk [tilespmem:v52+s4+$0x0], $0xffff  }
0x7c: {  	v14 =	vld.idx.msk [tilespmem:v52+s19+$0x0], $0xffff;
	[tilespmem:v54+s4+$0x0] =	vst.idx.msk vm4, v19  }
0x7d: {  	[tilespmem:v54+s19+$0x0] =	vst.idx.msk vm5, v20  }
0x7e: {  	v56 =	vld [tilespmem:s29+$0xC050];
	_ =	sdelay $0x5  }
0x7f: {  	v23 =	vld [tilespmem:s29+$0x10050]  }
0x80: {  	v24 =	vld [tilespmem:s29+$0x100D0]  }
0x81: {  	v25 =	vld.idx.msk [tilespmem:v56+s4+$0x0], $0xffff  }
0x82: {  	v26 =	vld.idx.msk [tilespmem:v56+s19+$0x0], $0xffff;
	_ =	sdelay $0x1  }
0x83: {  	v23 =	vadd.f32 $1.000000000e+00, v23;
	_ =	sdelay $0x1  }
0x84: {  	vm6 =	vgt.f32 v23, v25  }
0x85: {  	vm7 =	vgt.f32 v24, v26;
	_ =	sdelay $0x3  }
0x86: {  	v57 =	vld.idx.msk [tilespmem:v54+s4+$0x0], $0xffff  }
0x87: {  	v18 =	vld.idx.msk [tilespmem:v54+s19+$0x0], $0xffff;
	[tilespmem:v56+s4+$0x0] =	vst.idx.msk vm6, v23  }
0x88: {  	[tilespmem:v56+s19+$0x0] =	vst.idx.msk vm7, v24  }
0x89: {  	v58 =	vld [tilespmem:s29+$0xC060];
	_ =	sdelay $0x5  }
0x8a: {  	v27 =	vld [tilespmem:s29+$0x10060]  }
0x8b: {  	v28 =	vld [tilespmem:s29+$0x100E0]  }
0x8c: {  	v29 =	vld.idx.msk [tilespmem:v58+s4+$0x0], $0xffff  }
0x8d: {  	v30 =	vld.idx.msk [tilespmem:v58+s19+$0x0], $0xffff;
	_ =	sdelay $0x1  }
0x8e: {  	v27 =	vadd.f32 $1.000000000e+00, v27;
	_ =	sdelay $0x1  }
0x8f: {  	vm8 =	vgt.f32 v27, v29  }
0x90: {  	vm9 =	vgt.f32 v28, v30;
	_ =	sdelay $0x3  }
0x91: {  	v59 =	vld.idx.msk [tilespmem:v56+s4+$0x0], $0xffff  }
0x92: {  	v22 =	vld.idx.msk [tilespmem:v56+s19+$0x0], $0xffff;
	[tilespmem:v58+s4+$0x0] =	vst.idx.msk vm8, v27  }
0x93: {  	[tilespmem:v58+s19+$0x0] =	vst.idx.msk vm9, v28  }
0x94: {  	v60 =	vld [tilespmem:s29+$0xC070];
	_ =	sdelay $0x5  }
0x95: {  	v31 =	vld [tilespmem:s29+$0x10070]  }
0x96: {  	v32 =	vld [tilespmem:s29+$0x100F0]  }
0x97: {  	v33 =	vld.idx.msk [tilespmem:v60+s4+$0x0], $0xffff  }
0x98: {  	v34 =	vld.idx.msk [tilespmem:v60+s19+$0x0], $0xffff;
	_ =	sdelay $0x1  }
0x99: {  	v31 =	vadd.f32 $1.000000000e+00, v31;
	_ =	sdelay $0x1  }
0x9a: {  	vm10 =	vgt.f32 v4, v49;
	vm11 =	vgt.f32 v5, v3;
	vm2 =	vgt.f32 v31, v33  }
0x9b: {  	vm0 =	vmor vm10, vm11;
	vm3 =	vgt.f32 v7, v51;
	vm12 =	vgt.f32 v32, v34  }
0x9c: {  	vm0 =	vmor vm0, vm3;
	vm13 =	vgt.f32 v8, v6  }
0x9d: {  	vm0 =	vmor vm0, vm13;
	vm14 =	vgt.f32 v11, v53  }
0x9e: {  	vm0 =	vmor vm0, vm14;
	vm15 =	vgt.f32 v12, v10  }
0x9f: {  	vm0 =	vmor vm0, vm15;
	vm6 =	vgt.f32 v15, v55;
	v3 =	vld.idx.msk [tilespmem:v58+s4+$0x0], $0xffff  }
0xa0: {  	vm0 =	vmor vm0, vm6;
	vm7 =	vgt.f32 v16, v14;
	v61 =	vld.idx.msk [tilespmem:v58+s19+$0x0], $0xffff;
	[tilespmem:v60+s4+$0x0] =	vst.idx.msk vm2, v31  }
0xa1: {  	vm0 =	vmor vm0, vm7;
	vm8 =	vgt.f32 v19, v57;
	[tilespmem:v60+s19+$0x0] =	vst.idx.msk vm12, v32  }
0xa2: {  	vm0 =	vmor vm0, vm8;
	vm9 =	vgt.f32 v20, v18;
	v62 =	vld.idx.msk [tilespmem:v60+s4+$0x0], $0xffff  }
0xa3: {  	vm10 =	vgt.f32 v23, v59;
	vm0 =	vmor vm0, vm9;
	v63 =	vld.idx.msk [tilespmem:v60+s19+$0x0], $0xffff  }
0xa4: {  	vm11 =	vgt.f32 v24, v22;
	vm0 =	vmor vm0, vm10  }
0xa5: {  	vm0 =	vmor vm0, vm11;
	vm12 =	vgt.f32 v27, v3  }
0xa6: {  	vm13 =	vgt.f32 v28, v61;
	vm0 =	vmor vm0, vm12  }
0xa7: {  	vm0 =	vmor vm0, vm13;
	vm14 =	vgt.f32 v31, v62  }
0xa8: {  	vm15 =	vgt.f32 v32, v63;
	vm0 =	vmor vm0, vm14  }
0xa9: {  	vm0 =	vmor vm0, vm15  }
0xaa: {  	v3 =	vsel vm0, $0x3F800000, v0  }
0xab: {  	(xrf0) =	vmax.scan.msk.f32 $0xffff, v3;
	_ =	sdelay $0x5  }
0xac: {  	v3, _, _ =	vpop (xrf0)  }
0xad: {  	(v2sf) =	vpush v3, $0xF;
	_ =	sdelay $0xe  }
0xae: {  	s0 =	spop (v2sf)  }
0xaf: {  	p1 =	sgt.f32 s0, $0.0e+00  }
.Ltmp7:
0xb0: {  	_ = 	snop;
	(pc) =	sbr.rel @!p1 .LBB2_11-.Ltmp7, $1  }
0xb1: {  	_ =	sdelay $0x3  }
.LBB2_10:
0xb2: {  	v3 =	vld [tilespmem:s29+$0xC000];
	_ =	sdelay $0x5  }
0xb3: {  	v4 =	vld [tilespmem:s29+$0x10000]  }
0xb4: {  	v5 =	vld [tilespmem:s29+$0x10080]  }
0xb5: {  	v6 =	vld.idx.msk [tilespmem:v3+s4+$0x0], $0xffff  }
0xb6: {  	v7 =	vld.idx.msk [tilespmem:v3+s19+$0x0], $0xffff;
	_ =	sdelay $0x1  }
0xb7: {  	v4 =	vadd.f32 $1.000000000e+00, v4;
	_ =	sdelay $0x1  }
0xb8: {  	vm0 =	vgt.f32 v4, v6  }
0xb9: {  	vm1 =	vgt.f32 v5, v7;
	_ =	sdelay $0x4  }
0xba: {  	[tilespmem:v3+s4+$0x0] =	vst.idx.msk vm0, v4  }
0xbb: {  	[tilespmem:v3+s19+$0x0] =	vst.idx.msk vm1, v5  }
0xbc: {  	v47 =	vld [tilespmem:s29+$0xC010];
	_ =	sdelay $0x5  }
0xbd: {  	v48 =	vld [tilespmem:s29+$0x10010]  }
0xbe: {  	v8 =	vld [tilespmem:s29+$0x10090]  }
0xbf: {  	v9 =	vld.idx.msk [tilespmem:v47+s4+$0x0], $0xffff  }
0xc0: {  	v10 =	vld.idx.msk [tilespmem:v47+s19+$0x0], $0xffff;
	_ =	sdelay $0x1  }
0xc1: {  	v7 =	vadd.f32 $1.000000000e+00, v48;
	_ =	sdelay $0x1  }
0xc2: {  	vm10 =	vgt.f32 v7, v9  }
0xc3: {  	vm11 =	vgt.f32 v8, v10;
	_ =	sdelay $0x3  }
0xc4: {  	v49 =	vld.idx.msk [tilespmem:v3+s4+$0x0], $0xffff  }
0xc5: {  	v3 =	vld.idx.msk [tilespmem:v3+s19+$0x0], $0xffff;
	[tilespmem:v47+s4+$0x0] =	vst.idx.msk vm10, v7  }
0xc6: {  	[tilespmem:v47+s19+$0x0] =	vst.idx.msk vm11, v8  }
0xc7: {  	v50 =	vld [tilespmem:s29+$0xC020];
	_ =	sdelay $0x5  }
0xc8: {  	v11 =	vld [tilespmem:s29+$0x10020]  }
0xc9: {  	v12 =	vld [tilespmem:s29+$0x100A0]  }
0xca: {  	v13 =	vld.idx.msk [tilespmem:v50+s4+$0x0], $0xffff  }
0xcb: {  	v14 =	vld.idx.msk [tilespmem:v50+s19+$0x0], $0xffff;
	_ =	sdelay $0x1  }
0xcc: {  	v11 =	vadd.f32 $1.000000000e+00, v11;
	_ =	sdelay $0x1  }
0xcd: {  	vm12 =	vgt.f32 v11, v13  }
0xce: {  	vm13 =	vgt.f32 v12, v14;
	_ =	sdelay $0x3  }
0xcf: {  	v51 =	vld.idx.msk [tilespmem:v47+s4+$0x0], $0xffff  }
0xd0: {  	v6 =	vld.idx.msk [tilespmem:v47+s19+$0x0], $0xffff;
	[tilespmem:v50+s4+$0x0] =	vst.idx.msk vm12, v11  }
0xd1: {  	[tilespmem:v50+s19+$0x0] =	vst.idx.msk vm13, v12  }
0xd2: {  	v52 =	vld [tilespmem:s29+$0xC030];
	_ =	sdelay $0x5  }
0xd3: {  	v15 =	vld [tilespmem:s29+$0x10030]  }
0xd4: {  	v16 =	vld [tilespmem:s29+$0x100B0]  }
0xd5: {  	v17 =	vld.idx.msk [tilespmem:v52+s4+$0x0], $0xffff  }
0xd6: {  	v18 =	vld.idx.msk [tilespmem:v52+s19+$0x0], $0xffff;
	_ =	sdelay $0x1  }
0xd7: {  	v15 =	vadd.f32 $1.000000000e+00, v15;
	_ =	sdelay $0x1  }
0xd8: {  	vm14 =	vgt.f32 v15, v17  }
0xd9: {  	vm15 =	vgt.f32 v16, v18;
	_ =	sdelay $0x3  }
0xda: {  	v53 =	vld.idx.msk [tilespmem:v50+s4+$0x0], $0xffff  }
0xdb: {  	v10 =	vld.idx.msk [tilespmem:v50+s19+$0x0], $0xffff;
	[tilespmem:v52+s4+$0x0] =	vst.idx.msk vm14, v15  }
0xdc: {  	[tilespmem:v52+s19+$0x0] =	vst.idx.msk vm15, v16  }
0xdd: {  	v54 =	vld [tilespmem:s29+$0xC040];
	_ =	sdelay $0x5  }
0xde: {  	v19 =	vld [tilespmem:s29+$0x10040]  }
0xdf: {  	v20 =	vld [tilespmem:s29+$0x100C0]  }
0xe0: {  	v21 =	vld.idx.msk [tilespmem:v54+s4+$0x0], $0xffff  }
0xe1: {  	v22 =	vld.idx.msk [tilespmem:v54+s19+$0x0], $0xffff;
	_ =	sdelay $0x1  }
0xe2: {  	v19 =	vadd.f32 $1.000000000e+00, v19;
	_ =	sdelay $0x1  }
0xe3: {  	vm4 =	vgt.f32 v19, v21  }
0xe4: {  	vm5 =	vgt.f32 v20, v22;
	_ =	sdelay $0x3  }
0xe5: {  	v55 =	vld.idx.msk [tilespmem:v52+s4+$0x0], $0xffff  }
0xe6: {  	v14 =	vld.idx.msk [tilespmem:v52+s19+$0x0], $0xffff;
	[tilespmem:v54+s4+$0x0] =	vst.idx.msk vm4, v19  }
0xe7: {  	[tilespmem:v54+s19+$0x0] =	vst.idx.msk vm5, v20  }
0xe8: {  	v56 =	vld [tilespmem:s29+$0xC050];
	_ =	sdelay $0x5  }
0xe9: {  	v23 =	vld [tilespmem:s29+$0x10050]  }
0xea: {  	v24 =	vld [tilespmem:s29+$0x100D0]  }
0xeb: {  	v25 =	vld.idx.msk [tilespmem:v56+s4+$0x0], $0xffff  }
0xec: {  	v26 =	vld.idx.msk [tilespmem:v56+s19+$0x0], $0xffff;
	_ =	sdelay $0x1  }
0xed: {  	v23 =	vadd.f32 $1.000000000e+00, v23;
	_ =	sdelay $0x1  }
0xee: {  	vm6 =	vgt.f32 v23, v25  }
0xef: {  	vm7 =	vgt.f32 v24, v26;
	_ =	sdelay $0x3  }
0xf0: {  	v57 =	vld.idx.msk [tilespmem:v54+s4+$0x0], $0xffff  }
0xf1: {  	v18 =	vld.idx.msk [tilespmem:v54+s19+$0x0], $0xffff;
	[tilespmem:v56+s4+$0x0] =	vst.idx.msk vm6, v23  }
0xf2: {  	[tilespmem:v56+s19+$0x0] =	vst.idx.msk vm7, v24  }
0xf3: {  	v58 =	vld [tilespmem:s29+$0xC060];
	_ =	sdelay $0x5  }
0xf4: {  	v27 =	vld [tilespmem:s29+$0x10060]  }
0xf5: {  	v28 =	vld [tilespmem:s29+$0x100E0]  }
0xf6: {  	v29 =	vld.idx.msk [tilespmem:v58+s4+$0x0], $0xffff  }
0xf7: {  	v30 =	vld.idx.msk [tilespmem:v58+s19+$0x0], $0xffff;
	_ =	sdelay $0x1  }
0xf8: {  	v27 =	vadd.f32 $1.000000000e+00, v27;
	_ =	sdelay $0x1  }
0xf9: {  	vm8 =	vgt.f32 v27, v29  }
0xfa: {  	vm9 =	vgt.f32 v28, v30;
	_ =	sdelay $0x3  }
0xfb: {  	v59 =	vld.idx.msk [tilespmem:v56+s4+$0x0], $0xffff  }
0xfc: {  	v22 =	vld.idx.msk [tilespmem:v56+s19+$0x0], $0xffff;
	[tilespmem:v58+s4+$0x0] =	vst.idx.msk vm8, v27  }
0xfd: {  	[tilespmem:v58+s19+$0x0] =	vst.idx.msk vm9, v28  }
0xfe: {  	v60 =	vld [tilespmem:s29+$0xC070];
	_ =	sdelay $0x5  }
0xff: {  	v31 =	vld [tilespmem:s29+$0x10070]  }
0x100: {  	v32 =	vld [tilespmem:s29+$0x100F0]  }
0x101: {  	v33 =	vld.idx.msk [tilespmem:v60+s4+$0x0], $0xffff  }
0x102: {  	v34 =	vld.idx.msk [tilespmem:v60+s19+$0x0], $0xffff;
	_ =	sdelay $0x1  }
0x103: {  	v31 =	vadd.f32 $1.000000000e+00, v31;
	_ =	sdelay $0x1  }
0x104: {  	vm10 =	vgt.f32 v4, v49;
	vm11 =	vgt.f32 v5, v3;
	vm2 =	vgt.f32 v31, v33  }
0x105: {  	vm0 =	vmor vm10, vm11;
	vm3 =	vgt.f32 v7, v51;
	vm12 =	vgt.f32 v32, v34  }
0x106: {  	vm0 =	vmor vm0, vm3;
	vm13 =	vgt.f32 v8, v6  }
0x107: {  	vm0 =	vmor vm0, vm13;
	vm14 =	vgt.f32 v11, v53  }
0x108: {  	vm0 =	vmor vm0, vm14;
	vm15 =	vgt.f32 v12, v10  }
0x109: {  	vm0 =	vmor vm0, vm15;
	vm6 =	vgt.f32 v15, v55;
	v3 =	vld.idx.msk [tilespmem:v58+s4+$0x0], $0xffff  }
0x10a: {  	vm0 =	vmor vm0, vm6;
	vm7 =	vgt.f32 v16, v14;
	v61 =	vld.idx.msk [tilespmem:v58+s19+$0x0], $0xffff;
	[tilespmem:v60+s4+$0x0] =	vst.idx.msk vm2, v31  }
0x10b: {  	vm0 =	vmor vm0, vm7;
	vm8 =	vgt.f32 v19, v57;
	[tilespmem:v60+s19+$0x0] =	vst.idx.msk vm12, v32  }
0x10c: {  	vm0 =	vmor vm0, vm8;
	vm9 =	vgt.f32 v20, v18;
	v62 =	vld.idx.msk [tilespmem:v60+s4+$0x0], $0xffff  }
0x10d: {  	vm10 =	vgt.f32 v23, v59;
	vm0 =	vmor vm0, vm9;
	v63 =	vld.idx.msk [tilespmem:v60+s19+$0x0], $0xffff  }
0x10e: {  	vm11 =	vgt.f32 v24, v22;
	vm0 =	vmor vm0, vm10  }
0x10f: {  	vm0 =	vmor vm0, vm11;
	vm12 =	vgt.f32 v27, v3  }
0x110: {  	vm13 =	vgt.f32 v28, v61;
	vm0 =	vmor vm0, vm12  }
0x111: {  	vm0 =	vmor vm0, vm13;
	vm14 =	vgt.f32 v31, v62  }
0x112: {  	vm15 =	vgt.f32 v32, v63;
	vm0 =	vmor vm0, vm14  }
0x113: {  	vm0 =	vmor vm0, vm15  }
0x114: {  	v3 =	vsel vm0, $0x3F800000, v0  }
0x115: {  	(xrf0) =	vmax.scan.msk.f32 $0xffff, v3;
	_ =	sdelay $0x5  }
0x116: {  	v3, _, _ =	vpop (xrf0)  }
0x117: {  	(v2sf) =	vpush v3, $0xF;
	_ =	sdelay $0xe  }
0x118: {  	s0 =	spop (v2sf)  }
0x119: {  	p1 =	sgt.f32 s0, $0.0e+00  }
.Ltmp8:
0x11a: {  	_ = 	snop;
	(pc) =	sbr.rel @p1 .LBB2_10-.Ltmp8, $1  }
0x11b: {  	_ =	sdelay $0x3  }
.Ltmp9:
0x11c: {  	_ = 	snop;
	(pc) =	sbr.rel .LBB2_11-.Ltmp9, $1  }
0x11d: {  	_ =	sdelay $0x3  }
.LBB2_12:
0x11e: {  	p1 =	seq.s32 s26, $0xF  }
.Ltmp10:
0x11f: {  	_ = 	snop;
	(pc) =	sbr.rel @p1 .LBB2_16-.Ltmp10, $2  }
0x120: {  	_ =	sdelay $0x2  }
0x121: {  	s28 =	sshll.u32 s26, $0x1  }
0x122: {  	s29 =	sadd.s32 $0x2, s28  }
0x123: {  	s0 =	sshll.u32 s29, $0xA  }
0x124: {  	s31 =	simm.s32 $0xC000;
	s30 =	sadd.s32 s1, s0  }
0x125: {  	s3 =	simm.s32 $0xC100;
	s0 =	simm.s32 $0x10;
	s2 =	sadd.s32 $0x0, s30  }
.LBB2_14:
0x126: {  	[tilespmem:s31], [sflag:$0x1] =	stream.linear.gather [hbm4b:s2+s4], $0x80, $0x38;
	[tilespmem:$0x18000] =	vst v63  }
0x127: {  	s2 =	smov.u32 s0;
	s31 =	smov.u32 s3;
	p2 =	sne.s32 s0, $0x3F0  }
.Ltmp11:
0x128: {  	s0 =	sadd.s32 $0x10, s0;
	(pc) =	sbr.rel @p2 .LBB2_14-.Ltmp11, $2  }
0x129: {  	_ =	sdelay $0x2  }
0x12a: {  	s3 =	sadd.s32 $0x100, s3;
	s2 =	sadd.s32 s2, s30  }
0x12b: {  	[tilespmem:s31], [sflag:$0x1] =	stream.linear.gather [hbm4b:s2+s4], $0x80, $0x38;
	[tilespmem:$0x18000] =	vst v63  }
0x12c: {  	s0 =	sshll.u32 s29, $0x10  }
0x12d: {  	s0 =	sadd.s32 s6, s0  }
0x12e: {  	s0 =	sshrl.u32 s0, $0x3  }
0x12f: {  	s0 =	sadd.s32 s5, s0  }
0x130: {  	[tilespmem:s15], [sflag:$0x3] =	stream.strided.gather [hbm4b:s0+s13], $0x4000, s14, s13, $0x38;
	[tilespmem:$0x18000] =	vst v63  }
.LBB2_16:
0x131: {  	_ =	swait.ge [sflag:s20], $0x2000  }
.Ltmp12:
0x132: {  	[sflag:s20] =	ssyncset.done $0x0;
	(pc) =	sbr.rel .LBB2_17-.Ltmp12, $4  }
0x133: {  	[sflag:s20] =	ssyncadd.s32 $0xFFFFE000  }
0x134: {  	_ =	swait.ge [sflag:s21], $0x4000  }
0x135: {  	[sflag:s21] =	ssyncset.done $0x0  }
0x136: {  	s29 =	simm.s32 $0x0;
	[sflag:s21] =	ssyncadd.s32 $0xFFFFC000  }
.LBB2_19:
0x137: {  	s29 =	sadd.s32 $0x1, s29  }
0x138: {  	p2 =	sne.s32 s29, $0x40  }
.Ltmp13:
0x139: {  	_ = 	snop;
	(pc) =	sbr.rel @!p2 .LBB2_20-.Ltmp13, $1  }
0x13a: {  	_ =	sdelay $0x3  }
.LBB2_17:
0x13b: {  	s30 =	sshll.u32 s29, $0x8  }
0x13c: {  	v3 =	vld [tilespmem:s30+$0xC080];
	_ =	sdelay $0x5  }
0x13d: {  	v4 =	vld [tilespmem:s30+$0x14000]  }
0x13e: {  	v5 =	vld [tilespmem:s30+$0x14080]  }
0x13f: {  	v6 =	vld.idx.msk [tilespmem:v3+s4+$0x0], $0xffff  }
0x140: {  	v7 =	vld.idx.msk [tilespmem:v3+s19+$0x0], $0xffff;
	_ =	sdelay $0x1  }
0x141: {  	v4 =	vadd.f32 $1.000000000e+00, v4;
	_ =	sdelay $0x1  }
0x142: {  	vm0 =	vgt.f32 v4, v6  }
0x143: {  	vm1 =	vgt.f32 v5, v7;
	_ =	sdelay $0x4  }
0x144: {  	[tilespmem:v3+s4+$0x0] =	vst.idx.msk vm0, v4  }
0x145: {  	[tilespmem:v3+s19+$0x0] =	vst.idx.msk vm1, v5  }
0x146: {  	v47 =	vld [tilespmem:s30+$0xC090];
	_ =	sdelay $0x5  }
0x147: {  	v48 =	vld [tilespmem:s30+$0x14010]  }
0x148: {  	v8 =	vld [tilespmem:s30+$0x14090]  }
0x149: {  	v9 =	vld.idx.msk [tilespmem:v47+s4+$0x0], $0xffff  }
0x14a: {  	v10 =	vld.idx.msk [tilespmem:v47+s19+$0x0], $0xffff;
	_ =	sdelay $0x1  }
0x14b: {  	v7 =	vadd.f32 $1.000000000e+00, v48;
	_ =	sdelay $0x1  }
0x14c: {  	vm10 =	vgt.f32 v7, v9  }
0x14d: {  	vm11 =	vgt.f32 v8, v10;
	_ =	sdelay $0x3  }
0x14e: {  	v49 =	vld.idx.msk [tilespmem:v3+s4+$0x0], $0xffff  }
0x14f: {  	v3 =	vld.idx.msk [tilespmem:v3+s19+$0x0], $0xffff;
	[tilespmem:v47+s4+$0x0] =	vst.idx.msk vm10, v7  }
0x150: {  	[tilespmem:v47+s19+$0x0] =	vst.idx.msk vm11, v8  }
0x151: {  	v50 =	vld [tilespmem:s30+$0xC0A0];
	_ =	sdelay $0x5  }
0x152: {  	v11 =	vld [tilespmem:s30+$0x14020]  }
0x153: {  	v12 =	vld [tilespmem:s30+$0x140A0]  }
0x154: {  	v13 =	vld.idx.msk [tilespmem:v50+s4+$0x0], $0xffff  }
0x155: {  	v14 =	vld.idx.msk [tilespmem:v50+s19+$0x0], $0xffff;
	_ =	sdelay $0x1  }
0x156: {  	v11 =	vadd.f32 $1.000000000e+00, v11;
	_ =	sdelay $0x1  }
0x157: {  	vm12 =	vgt.f32 v11, v13  }
0x158: {  	vm13 =	vgt.f32 v12, v14;
	_ =	sdelay $0x3  }
0x159: {  	v51 =	vld.idx.msk [tilespmem:v47+s4+$0x0], $0xffff  }
0x15a: {  	v6 =	vld.idx.msk [tilespmem:v47+s19+$0x0], $0xffff;
	[tilespmem:v50+s4+$0x0] =	vst.idx.msk vm12, v11  }
0x15b: {  	[tilespmem:v50+s19+$0x0] =	vst.idx.msk vm13, v12  }
0x15c: {  	v52 =	vld [tilespmem:s30+$0xC0B0];
	_ =	sdelay $0x5  }
0x15d: {  	v15 =	vld [tilespmem:s30+$0x14030]  }
0x15e: {  	v16 =	vld [tilespmem:s30+$0x140B0]  }
0x15f: {  	v17 =	vld.idx.msk [tilespmem:v52+s4+$0x0], $0xffff  }
0x160: {  	v18 =	vld.idx.msk [tilespmem:v52+s19+$0x0], $0xffff;
	_ =	sdelay $0x1  }
0x161: {  	v15 =	vadd.f32 $1.000000000e+00, v15;
	_ =	sdelay $0x1  }
0x162: {  	vm14 =	vgt.f32 v15, v17  }
0x163: {  	vm15 =	vgt.f32 v16, v18;
	_ =	sdelay $0x3  }
0x164: {  	v53 =	vld.idx.msk [tilespmem:v50+s4+$0x0], $0xffff  }
0x165: {  	v10 =	vld.idx.msk [tilespmem:v50+s19+$0x0], $0xffff;
	[tilespmem:v52+s4+$0x0] =	vst.idx.msk vm14, v15  }
0x166: {  	[tilespmem:v52+s19+$0x0] =	vst.idx.msk vm15, v16  }
0x167: {  	v54 =	vld [tilespmem:s30+$0xC0C0];
	_ =	sdelay $0x5  }
0x168: {  	v19 =	vld [tilespmem:s30+$0x14040]  }
0x169: {  	v20 =	vld [tilespmem:s30+$0x140C0]  }
0x16a: {  	v21 =	vld.idx.msk [tilespmem:v54+s4+$0x0], $0xffff  }
0x16b: {  	v22 =	vld.idx.msk [tilespmem:v54+s19+$0x0], $0xffff;
	_ =	sdelay $0x1  }
0x16c: {  	v19 =	vadd.f32 $1.000000000e+00, v19;
	_ =	sdelay $0x1  }
0x16d: {  	vm4 =	vgt.f32 v19, v21  }
0x16e: {  	vm5 =	vgt.f32 v20, v22;
	_ =	sdelay $0x3  }
0x16f: {  	v55 =	vld.idx.msk [tilespmem:v52+s4+$0x0], $0xffff  }
0x170: {  	v14 =	vld.idx.msk [tilespmem:v52+s19+$0x0], $0xffff;
	[tilespmem:v54+s4+$0x0] =	vst.idx.msk vm4, v19  }
0x171: {  	[tilespmem:v54+s19+$0x0] =	vst.idx.msk vm5, v20  }
0x172: {  	v56 =	vld [tilespmem:s30+$0xC0D0];
	_ =	sdelay $0x5  }
0x173: {  	v23 =	vld [tilespmem:s30+$0x14050]  }
0x174: {  	v24 =	vld [tilespmem:s30+$0x140D0]  }
0x175: {  	v25 =	vld.idx.msk [tilespmem:v56+s4+$0x0], $0xffff  }
0x176: {  	v26 =	vld.idx.msk [tilespmem:v56+s19+$0x0], $0xffff;
	_ =	sdelay $0x1  }
0x177: {  	v23 =	vadd.f32 $1.000000000e+00, v23;
	_ =	sdelay $0x1  }
0x178: {  	vm6 =	vgt.f32 v23, v25  }
0x179: {  	vm7 =	vgt.f32 v24, v26;
	_ =	sdelay $0x3  }
0x17a: {  	v57 =	vld.idx.msk [tilespmem:v54+s4+$0x0], $0xffff  }
0x17b: {  	v18 =	vld.idx.msk [tilespmem:v54+s19+$0x0], $0xffff;
	[tilespmem:v56+s4+$0x0] =	vst.idx.msk vm6, v23  }
0x17c: {  	[tilespmem:v56+s19+$0x0] =	vst.idx.msk vm7, v24  }
0x17d: {  	v58 =	vld [tilespmem:s30+$0xC0E0];
	_ =	sdelay $0x5  }
0x17e: {  	v27 =	vld [tilespmem:s30+$0x14060]  }
0x17f: {  	v28 =	vld [tilespmem:s30+$0x140E0]  }
0x180: {  	v29 =	vld.idx.msk [tilespmem:v58+s4+$0x0], $0xffff  }
0x181: {  	v30 =	vld.idx.msk [tilespmem:v58+s19+$0x0], $0xffff;
	_ =	sdelay $0x1  }
0x182: {  	v27 =	vadd.f32 $1.000000000e+00, v27;
	_ =	sdelay $0x1  }
0x183: {  	vm8 =	vgt.f32 v27, v29  }
0x184: {  	vm9 =	vgt.f32 v28, v30;
	_ =	sdelay $0x3  }
0x185: {  	v59 =	vld.idx.msk [tilespmem:v56+s4+$0x0], $0xffff  }
0x186: {  	v22 =	vld.idx.msk [tilespmem:v56+s19+$0x0], $0xffff;
	[tilespmem:v58+s4+$0x0] =	vst.idx.msk vm8, v27  }
0x187: {  	[tilespmem:v58+s19+$0x0] =	vst.idx.msk vm9, v28  }
0x188: {  	v60 =	vld [tilespmem:s30+$0xC0F0];
	_ =	sdelay $0x5  }
0x189: {  	v31 =	vld [tilespmem:s30+$0x14070]  }
0x18a: {  	v32 =	vld [tilespmem:s30+$0x140F0]  }
0x18b: {  	v33 =	vld.idx.msk [tilespmem:v60+s4+$0x0], $0xffff  }
0x18c: {  	v34 =	vld.idx.msk [tilespmem:v60+s19+$0x0], $0xffff;
	_ =	sdelay $0x1  }
0x18d: {  	v31 =	vadd.f32 $1.000000000e+00, v31;
	_ =	sdelay $0x1  }
0x18e: {  	vm10 =	vgt.f32 v4, v49;
	vm11 =	vgt.f32 v5, v3;
	vm2 =	vgt.f32 v31, v33  }
0x18f: {  	vm0 =	vmor vm10, vm11;
	vm3 =	vgt.f32 v7, v51;
	vm12 =	vgt.f32 v32, v34  }
0x190: {  	vm0 =	vmor vm0, vm3;
	vm13 =	vgt.f32 v8, v6  }
0x191: {  	vm0 =	vmor vm0, vm13;
	vm14 =	vgt.f32 v11, v53  }
0x192: {  	vm0 =	vmor vm0, vm14;
	vm15 =	vgt.f32 v12, v10  }
0x193: {  	vm0 =	vmor vm0, vm15;
	vm6 =	vgt.f32 v15, v55;
	v3 =	vld.idx.msk [tilespmem:v58+s4+$0x0], $0xffff  }
0x194: {  	vm0 =	vmor vm0, vm6;
	vm7 =	vgt.f32 v16, v14;
	v61 =	vld.idx.msk [tilespmem:v58+s19+$0x0], $0xffff;
	[tilespmem:v60+s4+$0x0] =	vst.idx.msk vm2, v31  }
0x195: {  	vm0 =	vmor vm0, vm7;
	vm8 =	vgt.f32 v19, v57;
	[tilespmem:v60+s19+$0x0] =	vst.idx.msk vm12, v32  }
0x196: {  	vm0 =	vmor vm0, vm8;
	vm9 =	vgt.f32 v20, v18;
	v62 =	vld.idx.msk [tilespmem:v60+s4+$0x0], $0xffff  }
0x197: {  	vm10 =	vgt.f32 v23, v59;
	vm0 =	vmor vm0, vm9;
	v63 =	vld.idx.msk [tilespmem:v60+s19+$0x0], $0xffff  }
0x198: {  	vm11 =	vgt.f32 v24, v22;
	vm0 =	vmor vm0, vm10  }
0x199: {  	vm0 =	vmor vm0, vm11;
	vm12 =	vgt.f32 v27, v3  }
0x19a: {  	vm13 =	vgt.f32 v28, v61;
	vm0 =	vmor vm0, vm12  }
0x19b: {  	vm0 =	vmor vm0, vm13;
	vm14 =	vgt.f32 v31, v62  }
0x19c: {  	vm15 =	vgt.f32 v32, v63;
	vm0 =	vmor vm0, vm14  }
0x19d: {  	vm0 =	vmor vm0, vm15  }
0x19e: {  	v3 =	vsel vm0, $0x3F800000, v0  }
0x19f: {  	(xrf0) =	vmax.scan.msk.f32 $0xffff, v3;
	_ =	sdelay $0x5  }
0x1a0: {  	v3, _, _ =	vpop (xrf0)  }
0x1a1: {  	(v2sf) =	vpush v3, $0xF;
	_ =	sdelay $0xe  }
0x1a2: {  	s0 =	spop (v2sf)  }
0x1a3: {  	p2 =	sgt.f32 s0, $0.0e+00  }
.Ltmp14:
0x1a4: {  	_ = 	snop;
	(pc) =	sbr.rel @!p2 .LBB2_19-.Ltmp14, $1  }
0x1a5: {  	_ =	sdelay $0x3  }
.LBB2_18:
0x1a6: {  	v3 =	vld [tilespmem:s30+$0xC080];
	_ =	sdelay $0x5  }
0x1a7: {  	v4 =	vld [tilespmem:s30+$0x14000]  }
0x1a8: {  	v5 =	vld [tilespmem:s30+$0x14080]  }
0x1a9: {  	v6 =	vld.idx.msk [tilespmem:v3+s4+$0x0], $0xffff  }
0x1aa: {  	v7 =	vld.idx.msk [tilespmem:v3+s19+$0x0], $0xffff;
	_ =	sdelay $0x1  }
0x1ab: {  	v4 =	vadd.f32 $1.000000000e+00, v4;
	_ =	sdelay $0x1  }
0x1ac: {  	vm0 =	vgt.f32 v4, v6  }
0x1ad: {  	vm1 =	vgt.f32 v5, v7;
	_ =	sdelay $0x4  }
0x1ae: {  	[tilespmem:v3+s4+$0x0] =	vst.idx.msk vm0, v4  }
0x1af: {  	[tilespmem:v3+s19+$0x0] =	vst.idx.msk vm1, v5  }
0x1b0: {  	v47 =	vld [tilespmem:s30+$0xC090];
	_ =	sdelay $0x5  }
0x1b1: {  	v48 =	vld [tilespmem:s30+$0x14010]  }
0x1b2: {  	v8 =	vld [tilespmem:s30+$0x14090]  }
0x1b3: {  	v9 =	vld.idx.msk [tilespmem:v47+s4+$0x0], $0xffff  }
0x1b4: {  	v10 =	vld.idx.msk [tilespmem:v47+s19+$0x0], $0xffff;
	_ =	sdelay $0x1  }
0x1b5: {  	v7 =	vadd.f32 $1.000000000e+00, v48;
	_ =	sdelay $0x1  }
0x1b6: {  	vm10 =	vgt.f32 v7, v9  }
0x1b7: {  	vm11 =	vgt.f32 v8, v10;
	_ =	sdelay $0x3  }
0x1b8: {  	v49 =	vld.idx.msk [tilespmem:v3+s4+$0x0], $0xffff  }
0x1b9: {  	v3 =	vld.idx.msk [tilespmem:v3+s19+$0x0], $0xffff;
	[tilespmem:v47+s4+$0x0] =	vst.idx.msk vm10, v7  }
0x1ba: {  	[tilespmem:v47+s19+$0x0] =	vst.idx.msk vm11, v8  }
0x1bb: {  	v50 =	vld [tilespmem:s30+$0xC0A0];
	_ =	sdelay $0x5  }
0x1bc: {  	v11 =	vld [tilespmem:s30+$0x14020]  }
0x1bd: {  	v12 =	vld [tilespmem:s30+$0x140A0]  }
0x1be: {  	v13 =	vld.idx.msk [tilespmem:v50+s4+$0x0], $0xffff  }
0x1bf: {  	v14 =	vld.idx.msk [tilespmem:v50+s19+$0x0], $0xffff;
	_ =	sdelay $0x1  }
0x1c0: {  	v11 =	vadd.f32 $1.000000000e+00, v11;
	_ =	sdelay $0x1  }
0x1c1: {  	vm12 =	vgt.f32 v11, v13  }
0x1c2: {  	vm13 =	vgt.f32 v12, v14;
	_ =	sdelay $0x3  }
0x1c3: {  	v51 =	vld.idx.msk [tilespmem:v47+s4+$0x0], $0xffff  }
0x1c4: {  	v6 =	vld.idx.msk [tilespmem:v47+s19+$0x0], $0xffff;
	[tilespmem:v50+s4+$0x0] =	vst.idx.msk vm12, v11  }
0x1c5: {  	[tilespmem:v50+s19+$0x0] =	vst.idx.msk vm13, v12  }
0x1c6: {  	v52 =	vld [tilespmem:s30+$0xC0B0];
	_ =	sdelay $0x5  }
0x1c7: {  	v15 =	vld [tilespmem:s30+$0x14030]  }
0x1c8: {  	v16 =	vld [tilespmem:s30+$0x140B0]  }
0x1c9: {  	v17 =	vld.idx.msk [tilespmem:v52+s4+$0x0], $0xffff  }
0x1ca: {  	v18 =	vld.idx.msk [tilespmem:v52+s19+$0x0], $0xffff;
	_ =	sdelay $0x1  }
0x1cb: {  	v15 =	vadd.f32 $1.000000000e+00, v15;
	_ =	sdelay $0x1  }
0x1cc: {  	vm14 =	vgt.f32 v15, v17  }
0x1cd: {  	vm15 =	vgt.f32 v16, v18;
	_ =	sdelay $0x3  }
0x1ce: {  	v53 =	vld.idx.msk [tilespmem:v50+s4+$0x0], $0xffff  }
0x1cf: {  	v10 =	vld.idx.msk [tilespmem:v50+s19+$0x0], $0xffff;
	[tilespmem:v52+s4+$0x0] =	vst.idx.msk vm14, v15  }
0x1d0: {  	[tilespmem:v52+s19+$0x0] =	vst.idx.msk vm15, v16  }
0x1d1: {  	v54 =	vld [tilespmem:s30+$0xC0C0];
	_ =	sdelay $0x5  }
0x1d2: {  	v19 =	vld [tilespmem:s30+$0x14040]  }
0x1d3: {  	v20 =	vld [tilespmem:s30+$0x140C0]  }
0x1d4: {  	v21 =	vld.idx.msk [tilespmem:v54+s4+$0x0], $0xffff  }
0x1d5: {  	v22 =	vld.idx.msk [tilespmem:v54+s19+$0x0], $0xffff;
	_ =	sdelay $0x1  }
0x1d6: {  	v19 =	vadd.f32 $1.000000000e+00, v19;
	_ =	sdelay $0x1  }
0x1d7: {  	vm4 =	vgt.f32 v19, v21  }
0x1d8: {  	vm5 =	vgt.f32 v20, v22;
	_ =	sdelay $0x3  }
0x1d9: {  	v55 =	vld.idx.msk [tilespmem:v52+s4+$0x0], $0xffff  }
0x1da: {  	v14 =	vld.idx.msk [tilespmem:v52+s19+$0x0], $0xffff;
	[tilespmem:v54+s4+$0x0] =	vst.idx.msk vm4, v19  }
0x1db: {  	[tilespmem:v54+s19+$0x0] =	vst.idx.msk vm5, v20  }
0x1dc: {  	v56 =	vld [tilespmem:s30+$0xC0D0];
	_ =	sdelay $0x5  }
0x1dd: {  	v23 =	vld [tilespmem:s30+$0x14050]  }
0x1de: {  	v24 =	vld [tilespmem:s30+$0x140D0]  }
0x1df: {  	v25 =	vld.idx.msk [tilespmem:v56+s4+$0x0], $0xffff  }
0x1e0: {  	v26 =	vld.idx.msk [tilespmem:v56+s19+$0x0], $0xffff;
	_ =	sdelay $0x1  }
0x1e1: {  	v23 =	vadd.f32 $1.000000000e+00, v23;
	_ =	sdelay $0x1  }
0x1e2: {  	vm6 =	vgt.f32 v23, v25  }
0x1e3: {  	vm7 =	vgt.f32 v24, v26;
	_ =	sdelay $0x3  }
0x1e4: {  	v57 =	vld.idx.msk [tilespmem:v54+s4+$0x0], $0xffff  }
0x1e5: {  	v18 =	vld.idx.msk [tilespmem:v54+s19+$0x0], $0xffff;
	[tilespmem:v56+s4+$0x0] =	vst.idx.msk vm6, v23  }
0x1e6: {  	[tilespmem:v56+s19+$0x0] =	vst.idx.msk vm7, v24  }
0x1e7: {  	v58 =	vld [tilespmem:s30+$0xC0E0];
	_ =	sdelay $0x5  }
0x1e8: {  	v27 =	vld [tilespmem:s30+$0x14060]  }
0x1e9: {  	v28 =	vld [tilespmem:s30+$0x140E0]  }
0x1ea: {  	v29 =	vld.idx.msk [tilespmem:v58+s4+$0x0], $0xffff  }
0x1eb: {  	v30 =	vld.idx.msk [tilespmem:v58+s19+$0x0], $0xffff;
	_ =	sdelay $0x1  }
0x1ec: {  	v27 =	vadd.f32 $1.000000000e+00, v27;
	_ =	sdelay $0x1  }
0x1ed: {  	vm8 =	vgt.f32 v27, v29  }
0x1ee: {  	vm9 =	vgt.f32 v28, v30;
	_ =	sdelay $0x3  }
0x1ef: {  	v59 =	vld.idx.msk [tilespmem:v56+s4+$0x0], $0xffff  }
0x1f0: {  	v22 =	vld.idx.msk [tilespmem:v56+s19+$0x0], $0xffff;
	[tilespmem:v58+s4+$0x0] =	vst.idx.msk vm8, v27  }
0x1f1: {  	[tilespmem:v58+s19+$0x0] =	vst.idx.msk vm9, v28  }
0x1f2: {  	v60 =	vld [tilespmem:s30+$0xC0F0];
	_ =	sdelay $0x5  }
0x1f3: {  	v31 =	vld [tilespmem:s30+$0x14070]  }
0x1f4: {  	v32 =	vld [tilespmem:s30+$0x140F0]  }
0x1f5: {  	v33 =	vld.idx.msk [tilespmem:v60+s4+$0x0], $0xffff  }
0x1f6: {  	v34 =	vld.idx.msk [tilespmem:v60+s19+$0x0], $0xffff;
	_ =	sdelay $0x1  }
0x1f7: {  	v31 =	vadd.f32 $1.000000000e+00, v31;
	_ =	sdelay $0x1  }
0x1f8: {  	vm10 =	vgt.f32 v4, v49;
	vm11 =	vgt.f32 v5, v3;
	vm2 =	vgt.f32 v31, v33  }
0x1f9: {  	vm0 =	vmor vm10, vm11;
	vm3 =	vgt.f32 v7, v51;
	vm12 =	vgt.f32 v32, v34  }
0x1fa: {  	vm0 =	vmor vm0, vm3;
	vm13 =	vgt.f32 v8, v6  }
0x1fb: {  	vm0 =	vmor vm0, vm13;
	vm14 =	vgt.f32 v11, v53  }
0x1fc: {  	vm0 =	vmor vm0, vm14;
	vm15 =	vgt.f32 v12, v10  }
0x1fd: {  	vm0 =	vmor vm0, vm15;
	vm6 =	vgt.f32 v15, v55;
	v3 =	vld.idx.msk [tilespmem:v58+s4+$0x0], $0xffff  }
0x1fe: {  	vm0 =	vmor vm0, vm6;
	vm7 =	vgt.f32 v16, v14;
	v61 =	vld.idx.msk [tilespmem:v58+s19+$0x0], $0xffff;
	[tilespmem:v60+s4+$0x0] =	vst.idx.msk vm2, v31  }
0x1ff: {  	vm0 =	vmor vm0, vm7;
	vm8 =	vgt.f32 v19, v57;
	[tilespmem:v60+s19+$0x0] =	vst.idx.msk vm12, v32  }
0x200: {  	vm0 =	vmor vm0, vm8;
	vm9 =	vgt.f32 v20, v18;
	v62 =	vld.idx.msk [tilespmem:v60+s4+$0x0], $0xffff  }
0x201: {  	vm10 =	vgt.f32 v23, v59;
	vm0 =	vmor vm0, vm9;
	v63 =	vld.idx.msk [tilespmem:v60+s19+$0x0], $0xffff  }
0x202: {  	vm11 =	vgt.f32 v24, v22;
	vm0 =	vmor vm0, vm10  }
0x203: {  	vm0 =	vmor vm0, vm11;
	vm12 =	vgt.f32 v27, v3  }
0x204: {  	vm13 =	vgt.f32 v28, v61;
	vm0 =	vmor vm0, vm12  }
0x205: {  	vm0 =	vmor vm0, vm13;
	vm14 =	vgt.f32 v31, v62  }
0x206: {  	vm15 =	vgt.f32 v32, v63;
	vm0 =	vmor vm0, vm14  }
0x207: {  	vm0 =	vmor vm0, vm15  }
0x208: {  	v3 =	vsel vm0, $0x3F800000, v0  }
0x209: {  	(xrf0) =	vmax.scan.msk.f32 $0xffff, v3;
	_ =	sdelay $0x5  }
0x20a: {  	v3, _, _ =	vpop (xrf0)  }
0x20b: {  	(v2sf) =	vpush v3, $0xF;
	_ =	sdelay $0xe  }
0x20c: {  	s0 =	spop (v2sf)  }
0x20d: {  	p2 =	sgt.f32 s0, $0.0e+00  }
.Ltmp15:
0x20e: {  	_ = 	snop;
	(pc) =	sbr.rel @p2 .LBB2_18-.Ltmp15, $1  }
0x20f: {  	_ =	sdelay $0x3  }
.Ltmp16:
0x210: {  	_ = 	snop;
	(pc) =	sbr.rel .LBB2_19-.Ltmp16, $1  }
0x211: {  	_ =	sdelay $0x3  }
.LBB2_20:
.Ltmp17:
0x212: {  	(pc) =	sbr.rel @p1 .LBB2_21-.Ltmp17, $1  }
0x213: {  	_ =	sdelay $0x3  }
0x214: {  	s28 =	sadd.s32 $0x3, s28  }
0x215: {  	s0 =	sshll.u32 s28, $0xA  }
0x216: {  	s30 =	simm.s32 $0xC080;
	s29 =	sadd.s32 s1, s0  }
0x217: {  	s3 =	simm.s32 $0xC180;
	s0 =	simm.s32 $0x10;
	s2 =	sadd.s32 $0x0, s29  }
.LBB2_30:
0x218: {  	[tilespmem:s30], [sflag:$0x2] =	stream.linear.gather [hbm4b:s2+s4], $0x80, $0x38;
	[tilespmem:$0x18000] =	vst v63  }
0x219: {  	s2 =	smov.u32 s0;
	s30 =	smov.u32 s3;
	p1 =	sne.s32 s0, $0x3F0  }
.Ltmp18:
0x21a: {  	s0 =	sadd.s32 $0x10, s0;
	(pc) =	sbr.rel @p1 .LBB2_30-.Ltmp18, $2  }
0x21b: {  	_ =	sdelay $0x2  }
0x21c: {  	s3 =	sadd.s32 $0x100, s3;
	s2 =	sadd.s32 s2, s29  }
0x21d: {  	[tilespmem:s30], [sflag:$0x2] =	stream.linear.gather [hbm4b:s2+s4], $0x80, $0x38;
	[tilespmem:$0x18000] =	vst v63  }
.Ltmp19:
0x21e: {  	s0 =	sshll.u32 s28, $0x10;
	(pc) =	sbr.rel .LBB2_8-.Ltmp19, $4  }
0x21f: {  	s0 =	sadd.s32 s6, s0  }
0x220: {  	s0 =	sshrl.u32 s0, $0x3  }
0x221: {  	s26 =	sadd.s32 $0x1, s26;
	s0 =	sadd.s32 s5, s0  }
0x222: {  	[tilespmem:s16], [sflag:$0x4] =	stream.strided.gather [hbm4b:s0+s13], $0x4000, s14, s13, $0x38;
	[tilespmem:$0x18000] =	vst v63  }
.LBB2_21:
0x223: {  	s29 =	simm.s32 $0x0  }
0x224: {  	v3 =	vld [tilespmem:s29+$0x0];
	_ =	sdelay $0x4  }
0x225: {  	vm0 =	vgt.f32 v3, $0.0e+00  }
0x226: {  	v4 =	vsel vm0, $0x1, v1  }
0x227: {  	(xrf0) =	vadd.scan.msk.s32 $0xffff, v4;
	_ =	sdelay $0x5  }
0x228: {  	s0 =	simm.s32 $0xFFFFFFFF;
	v4, _, _ =	vpop (xrf0)  }
0x229: {  	v5 =	vadd.s32 s0, v4;
	(v2sf) =	vpush v4, $0xF;
	_ =	sdelay $0x2  }
0x22a: {  	v3 =	vadd.f32 $-1.000000000e+00, v3;
	_ =	sdelay $0x1  }
0x22b: {  	s26 =	simm.s32 $0x4000;
	[tilespmem:v5+s4+$0x0] =	vst.idx.msk vm0, v3  }
0x22c: {  	v3 =	vld [tilespmem:s26+$0x0];
	_ =	sdelay $0x4  }
0x22d: {  	[tilespmem:v5+s19+$0x0] =	vst.idx.msk vm0, v3;
	v3 =	vor.u32 s29, v2  }
0x22e: {  	s28 =	simm.s32 $0x10;
	[tilespmem:v5+s22+$0x0] =	vst.idx.msk vm0, v3  }
0x22f: {  	s30 =	simm.s32 $0x20;
	s31 =	simm.s32 $0x10;
	v3 =	vld [tilespmem:s28+$0x0]  }
.LBB2_22:
0x230: {  	p1 =	sne.s32 s30, $0x3FF0  }
0x231: {  	s0 =	spop (v2sf)  }
0x232: {  	s29 =	sadd.s32 s29, s0  }
0x233: {  	s0 =	sadd.s32 $0xFFFFFFFF, s29  }
0x234: {  	vm0 =	vgt.f32 v3, $0.0e+00;
	v3 =	vadd.f32 $-1.000000000e+00, v3  }
0x235: {  	v4 =	vsel vm0, $0x1, v1  }
0x236: {  	(xrf0) =	vadd.scan.msk.s32 $0xffff, v4;
	_ =	sdelay $0x5  }
0x237: {  	v4, _, _ =	vpop (xrf0)  }
0x238: {  	v5 =	vadd.s32 s0, v4;
	(v2sf) =	vpush v4, $0xF;
	_ =	sdelay $0x4  }
0x239: {  	s26 =	sadd.s32 $0x10, s26;
	[tilespmem:v5+s4+$0x0] =	vst.idx.msk vm0, v3  }
0x23a: {  	v3 =	vld [tilespmem:s26+$0x0];
	_ =	sdelay $0x2  }
.Ltmp20:
0x23b: {  	(pc) =	sbr.rel @p1 .LBB2_22-.Ltmp20, $4  }
0x23c: {  	_ = 	snop  }
0x23d: {  	[tilespmem:v5+s19+$0x0] =	vst.idx.msk vm0, v3;
	v3 =	vor.u32 s28, v2;
	s28 =	smov.u32 s30  }
0x23e: {  	s31 =	sadd.s32 $0x10, s31;
	[tilespmem:v5+s22+$0x0] =	vst.idx.msk vm0, v3  }
0x23f: {  	s30 =	sadd.s32 $0x10, s30;
	v3 =	vld [tilespmem:s31+$0x0]  }
0x240: {  	_ =	sdelay $0x3  }
0x241: {  	vm0 =	vgt.f32 v3, $0.0e+00  }
0x242: {  	v4 =	vsel vm0, $0x1, v1  }
0x243: {  	(xrf0) =	vadd.scan.msk.s32 $0xffff, v4;
	_ =	sdelay $0x5  }
0x244: {  	v4, _, _ =	vpop (xrf0)  }
0x245: {  	(v2sf) =	vpush v4, $0xF;
	_ =	sdelay $0xc  }
0x246: {  	s0 =	spop (v2sf)  }
0x247: {  	s0 =	sadd.s32 s29, s0  }
0x248: {  	s2 =	sadd.s32 $0xFFFFFFFF, s0;
	s3 =	spop (v2sf)  }
0x249: {  	v4 =	vadd.s32 s2, v4;
	s29 =	sadd.s32 s0, s3  }
0x24a: {  	s2 =	sand.u32 $0xF, s29  }
0x24b: {  	s31 =	sshra.s32 s29, $0x1F;
	p1 =	slt.s32 s29, $0x1;
	p2 =	sne.s32 s2, $0x0  }
0x24c: {  	v3 =	vadd.f32 $-1.000000000e+00, v3;
	s0 =	sshrl.u32 s31, $0x1C;
	p1 =	por !p1, !p2  }
0x24d: {  	s2 =	simm.s32 $0x1;
	s0 =	sadd.s32 s0, s29;
	p1 =	por !p1, !p1  }
0x24e: {  	s26 =	sadd.s32 $0x10, s26;
	[tilespmem:v4+s4+$0x0] =	vst.idx.msk vm0, v3;
	s0 =	sshra.s32 s0, $0x4;
	s2 =	simm.s32 @!p1 $0x0  }
0x24f: {  	v3 =	vld [tilespmem:s26+$0x0];
	s30 =	ssub.s32 s0, s2  }
0x250: {  	p1 =	sgt.s32 s30, $0x3FF  }
.Ltmp21:
0x251: {  	_ = 	snop;
	(pc) =	sbr.rel @p1 .LBB2_27-.Ltmp21, $3  }
0x252: {  	_ =	sdelay $0x1  }
0x253: {  	[tilespmem:v4+s19+$0x0] =	vst.idx.msk vm0, v3;
	v3 =	vor.u32 s28, v2  }
0x254: {  	[tilespmem:v4+s22+$0x0] =	vst.idx.msk vm0, v3  }
0x255: {  	s0 =	sshll.u32 s30, $0x6  }
0x256: {  	s26 =	sshra.s32 s0, $0x2  }
0x257: {  	v4 =	vld [tilespmem:s26+$0x0];
	_ =	sdelay $0x1  }
0x258: {  	s3 =	sshll.u32 s30, $0x4  }
0x259: {  	v3 =	vmov s29;
	v5 =	vor.u32 s3, v2  }
0x25a: {  	vm0 =	vlt.s32 v5, v3  }
0x25b: {  	v4 =	vnsel vm0, $0x0, v4  }
0x25c: {  	s28 =	sadd.s32 $0x4000, s26;
	[tilespmem:s26+$0x0] =	vst v4  }
0x25d: {  	v4 =	vld [tilespmem:s28+$0x0];
	_ =	sdelay $0x4  }
0x25e: {  	v4 =	vnsel vm0, $0x0, v4  }
0x25f: {  	s2 =	ssub.s32 $0x400, s30;
	s29 =	sadd.s32 $0x8000, s26;
	[tilespmem:s28+$0x0] =	vst v4  }
0x260: {  	p1 =	sne.s32 s2, $0x1;
	v4 =	vld [tilespmem:s29+$0x0]  }
.Ltmp22:
0x261: {  	_ = 	snop;
	(pc) =	sbr.rel @!p1 .LBB2_26-.Ltmp22, $2  }
0x262: {  	_ =	sdelay $0x2  }
0x263: {  	s30 =	sadd.s32 $0xFFFFFFFF, s2;
	s31 =	sadd.s32 $0x10, s3;
	v4 =	vnsel vm0, $0x0, v4  }
.LBB2_25:
0x264: {  	[tilespmem:s29+$0x0] =	vst v4;
	s26 =	sadd.s32 $0x10, s26;
	s28 =	sadd.s32 $0x10, s28;
	s29 =	sadd.s32 $0x10, s29  }
0x265: {  	p1 =	sne.s32 s30, $0x1;
	s30 =	sadd.s32 $0xFFFFFFFF, s30;
	v4 =	vld [tilespmem:s26+$0x0];
	_ =	sdelay $0x2  }
0x266: {  	v5 =	vor.u32 s31, v2  }
0x267: {  	vm0 =	vlt.s32 v5, v3  }
0x268: {  	v4 =	vnsel vm0, $0x0, v4  }
0x269: {  	[tilespmem:s26+$0x0] =	vst v4  }
0x26a: {  	v4 =	vld [tilespmem:s28+$0x0];
	_ =	sdelay $0x4  }
0x26b: {  	v4 =	vnsel vm0, $0x0, v4  }
0x26c: {  	[tilespmem:s28+$0x0] =	vst v4  }
0x26d: {  	v4 =	vld [tilespmem:s29+$0x0]  }
.Ltmp23:
0x26e: {  	(pc) =	sbr.rel @p1 .LBB2_25-.Ltmp23, $2  }
0x26f: {  	_ =	sdelay $0x2  }
0x270: {  	s31 =	sadd.s32 $0x10, s31;
	v4 =	vnsel vm0, $0x0, v4  }
.Ltmp24:
0x271: {  	_ = 	snop;
	(pc) =	sbr.rel .LBB2_26-.Ltmp24, $1  }
0x272: {  	_ =	sdelay $0x3  }
.LBB2_28:
0x273: {  	_ =	sfence.sel $0x180000  }
0x274: {  	[bflag:$0x0] =	sbarrier.arrive $0xFFFF  }
0x275: {  	_ =	strace $0x90000047  }
0x276: {  	s0 =	stileid.u32;
	[bflag:$0x2] =	sbarrier.arrive $0xFFFF  }
0x277: {  	p0 =	sne.s32 s0, $0x0;
	s0 =	rddreg [dreg:$0x4]  }
0x278: {  	s0 =	sadd.s32 @!p0 $0x100000, s0  }
0x279: {  	[sflag:s0] =	ssyncadd.tile.s32 @!p0 $0x1;
	_ =	shalt  }
.Lfunc_end2:
_tile_overlayer_lowered:
.L_overlay_start_2:
0x27a: {  	(tag) =	ssettag $0x2  }
0x27b: {  	s0 =	rddreg [dreg:$0x0];
	s2 =	stileid.u32  }
0x27c: {  	s1 =	rddreg [dreg:$0x1];
	p0 =	sne.s32 s2, $0x0  }
0x27d: {  	s3 =	rddreg [dreg:$0x2];
	[bflag:$0x3] =	sbarrier.arrive $0xFFFF;
	s2 =	simm.s32 @!p0 $0x1C05  }
0x27e: {  	[timem:s3], [sflag:s2] =	dma.local @!p0 [hbm:s0], s1  }
0x27f: {  	s0 =	simm.s32 @!p0 $0x5  }
0x280: {  	_ =	swait.ge @!p0 [sflag:s0], s1  }
0x281: {  	s1 =	ssub.s32 @!p0 $0x0, s1;
	[sflag:s0] =	ssyncset.done @!p0 $0x0  }
0x282: {  	[sflag:s0] =	ssyncadd.s32 @!p0 s1  }
0x283: {  	[bflag:$0x3] =	sbarrier.arrive $0xFFFF  }
0x284: {  	_ =	shalt  }

</sc_bundles>
